<compile_context>
chip_gen: v7x
topology: tpu7x:2x2x1
jax: 0.10.2.dev20260603
libtpu: 0.0.44.dev20260713+nightly
codegen_flags: <defaults>
</compile_context>

<pallas_src>
import functools

import jax
import jax.numpy as jnp
from jax import lax
from jax.experimental import pallas as pl
from jax.experimental.pallas import tpu as pltpu
from jax.experimental.pallas import tpu_sc as plsc

_TOPK = 5
_ALPHA = 0.1
_EPS = 1e-12


def _sum_body(x_ref, o_ref):
    @pl.when(pl.program_id(0) == 0)
    def _init():
        o_ref[...] = jnp.zeros_like(o_ref)

    o_ref[...] += jnp.sum(x_ref[...], axis=1)


def _scores_body(q_ref, p_ref, s_ref, *, seq_len):
    q = q_ref[...] / seq_len
    qn = q / jnp.maximum(jnp.sqrt(jnp.sum(q * q, axis=1, keepdims=True)), _EPS)
    p = p_ref[...]
    pn = p / jnp.maximum(jnp.sqrt(jnp.sum(p * p, axis=1, keepdims=True)), _EPS)
    s_ref[...] = lax.dot_general(
        qn, pn, (((1,), (1,)), ((), ())), preferred_element_type=jnp.float32
    )


def _sc_retrieval(scores, prototypes):
    bsz, k = scores.shape
    nproto, d = prototypes.shape
    nc, ns, nl = 2, 16, 16
    cpb = (nc * ns) // bsz
    chunk = k // cpb
    nv = chunk // nl
    neg = jnp.float32(-3.0e38)

    mesh = plsc.VectorSubcoreMesh(core_axis_name="c", subcore_axis_name="s")
    _dnums = lax.GatherDimensionNumbers(
        offset_dims=(), collapsed_slice_dims=(0,), start_index_map=(0,))

    def _pg(arr, perm):
        return lax.gather(arr, perm[:, None], _dnums, (1,),
                          mode=lax.GatherScatterMode.PROMISE_IN_BOUNDS)

    lanes_c = lax.broadcasted_iota(jnp.int32, (nl,), 0)

    def _bfly_argmax(mv, mi, lanes):
        for st in (8, 4, 2, 1):
            perm = lanes ^ st
            gv = _pg(mv, perm)
            gi = _pg(mi, perm)
            t = (gv > mv) | ((gv == mv) & (gi < mi))
            mv = jnp.where(t, gv, mv)
            mi = jnp.where(t, gi, mi)
        return mv, mi

    def _top5(read_vec, n_iters, unroll, lanes):
        vals, idxs = [], []
        for _ in range(_TOPK):
            excl = list(idxs)

            def step(i, carry, excl=excl):
                mv, mi = carry
                v, vi = read_vec(i)
                for e in excl:
                    v = jnp.where(vi == e, neg, v)
                t = (v > mv) | ((v == mv) & (vi < mi))
                return jnp.where(t, v, mv), jnp.where(t, vi, mi)

            init = (jnp.full((nl,), neg, jnp.float32),
                    jnp.full((nl,), jnp.int32(2**30)))
            mv, mi = lax.fori_loop(0, n_iters, step, init, unroll=unroll)
            mv, mi = _bfly_argmax(mv, mi, lanes)
            vals.append(mv)
            idxs.append(mi)
        return vals, idxs

    @functools.partial(
        pl.kernel,
        out_type=jax.ShapeDtypeStruct((nc * ns, 2, nl), jnp.float32),
        mesh=mesh,
        scratch_types=dict(
            s_v=pltpu.VMEM((chunk,), jnp.float32),
            top2_v=pltpu.VMEM((1, 2, nl), jnp.float32),
        ),
    )
    def scan_body(scores_hbm, cand_hbm, s_v, top2_v):
        c = lax.axis_index("c")
        s = lax.axis_index("s")
        b = c * (ns // cpb) + s // cpb
        ch = s % cpb
        pltpu.sync_copy(scores_hbm.at[pl.ds(b * k + ch * chunk, chunk)], s_v)
        lanes = lax.broadcasted_iota(jnp.int32, (nl,), 0)
        base = ch * chunk

        def read_chunk(i):
            return s_v[pl.ds(i * nl, nl)], base + i * nl + lanes

        vals, idxs = _top5(read_chunk, nv, False, lanes)
        tv = jnp.full((nl,), neg, jnp.float32)
        ti = jnp.zeros((nl,), jnp.float32)
        for r in range(_TOPK):
            tv = jnp.where(lanes == r, vals[r], tv)
            ti = jnp.where(lanes == r, idxs[r].astype(jnp.float32), ti)
        top2_v[0, 0, :] = tv
        top2_v[0, 1, :] = ti
        pltpu.sync_copy(top2_v, cand_hbm.at[pl.ds(b * cpb + ch, 1)])

    @functools.partial(
        pl.kernel,
        out_type=jax.ShapeDtypeStruct((bsz, d), jnp.float32),
        mesh=mesh,
        scratch_types=dict(
            cand_v=pltpu.VMEM((cpb, 2, nl), jnp.float32),
            rows_v=pltpu.VMEM((_TOPK, d), jnp.float32),
            acc_v=pltpu.VMEM((d,), jnp.float32),
        ),
    )
    def merge_body(cand_hbm, protos_hbm, out_hbm, cand_v, rows_v, acc_v):
        c = lax.axis_index("c")
        s = lax.axis_index("s")

        @pl.when((c == 0) & (s < bsz))
        def _merge_and_aggregate():
            b = s
            lanes = lax.broadcasted_iota(jnp.int32, (nl,), 0)
            pltpu.sync_copy(cand_hbm.at[pl.ds(b * cpb, cpb)], cand_v)

            def read_cand(i):
                return cand_v[i, 0, :], cand_v[i, 1, :].astype(jnp.int32)

            vals, idxs = _top5(read_cand, cpb, True, lanes)
            es = [jnp.exp(vals[r] - vals[0]) for r in range(_TOPK)]
            tot = es[0]
            for r in range(1, _TOPK):
                tot = tot + es[r]
            ws = [es[r] / tot for r in range(_TOPK)]
            for r in range(_TOPK):
                pltpu.sync_copy(protos_hbm.at[pl.ds(idxs[r][0], 1)],
                                rows_v.at[pl.ds(r, 1)])

            def acc_step(cc, _):
                sl = pl.ds(cc * nl, nl)
                a = ws[0] * rows_v[0, sl]
                for r in range(1, _TOPK):
                    a = a + ws[r] * rows_v[r, sl]
                acc_v[sl] = a
                return 0

            lax.fori_loop(0, d // nl, acc_step, 0)
            pltpu.sync_copy(acc_v, out_hbm.at[b])

    cand = scan_body(scores.reshape(-1))
    return merge_body(cand, prototypes)


def _add_body(x_ref, a_ref, o_ref):
    o_ref[...] = x_ref[...] + _ALPHA * a_ref[...][:, None, :]


def _pipeline(x, prototypes):
    bsz, seq_len, d = x.shape
    k = prototypes.shape[0]
    lb = 512
    lba = 1024
    kb = 1024

    qsum = pl.pallas_call(
        _sum_body,
        grid=(seq_len // lba,),
        in_specs=[pl.BlockSpec((bsz, lba, d), lambda i: (0, i, 0))],
        out_specs=pl.BlockSpec((bsz, d), lambda i: (0, 0)),
        out_shape=jax.ShapeDtypeStruct((bsz, d), jnp.float32),
    )(x)

    scores = pl.pallas_call(
        functools.partial(_scores_body, seq_len=seq_len),
        grid=(k // kb,),
        in_specs=[
            pl.BlockSpec((bsz, d), lambda i: (0, 0)),
            pl.BlockSpec((kb, d), lambda i: (i, 0)),
        ],
        out_specs=pl.BlockSpec((bsz, kb), lambda i: (0, i)),
        out_shape=jax.ShapeDtypeStruct((bsz, k), jnp.float32),
    )(qsum, prototypes)

    agg = _sc_retrieval(scores, prototypes)

    out = pl.pallas_call(
        _add_body,
        grid=(seq_len // lb,),
        in_specs=[
            pl.BlockSpec((bsz, lb, d), lambda i: (0, i, 0)),
            pl.BlockSpec((bsz, d), lambda i: (0, 0)),
        ],
        out_specs=pl.BlockSpec((bsz, lb, d), lambda i: (0, i, 0)),
        out_shape=jax.ShapeDtypeStruct((bsz, seq_len, d), jnp.float32),
    )(x, agg)
    return out


def kernel(x, prototypes):
    return _pipeline(x, prototypes)

# --- scband reference (transcript-rebuilt; emitter-appended) ---
"""Pipeline reference for scband-bpbook-layer-63410897158471 (READ-ONLY COPY).

The authoritative reference and input builder live on the scoring server;
editing this copy changes nothing except your own understanding.
"""

import jax, jax.numpy as jnp
import numpy as np

TOPK = 5
ALPHA = 0.1

def _l2_normalize(v, axis=-1, eps=1e-12):
    n = jnp.linalg.norm(v, ord=2, axis=axis, keepdims=True)
    return v / jnp.maximum(n, eps)

def setup_inputs(seed: int = 0) -> dict:
    key = jax.random.key(seed)
    k1, k2 = jax.random.split(key)
    x = jax.random.normal(k1, (4, 4096, 1024), dtype=jnp.float32)
    prototypes = jax.random.normal(k2, (8192, 1024), dtype=jnp.float32)
    return {"x": x, "prototypes": prototypes}

def reference(x, prototypes):
    B, L, D = x.shape
    query = jnp.mean(x, axis=1)                      # [B, D]
    query_norm = _l2_normalize(query, axis=-1)       # [B, D]
    proto_norm = _l2_normalize(prototypes, axis=-1)  # [K, D]
    scores = jnp.matmul(query_norm, proto_norm.T)    # [B, K]
    topk_scores, topk_indices = jax.lax.top_k(scores, TOPK)  # [B, k]
    attn_weights = jax.nn.softmax(topk_scores, axis=-1)[..., None]  # [B, k, 1]
    retrieved_topk_protos = jnp.take(prototypes, topk_indices, axis=0)  # [B, k, D]
    proto_agg = jnp.sum(attn_weights * retrieved_topk_protos, axis=1)   # [B, D]
    out = x + ALPHA * proto_agg[:, None, :]
    return out

if __name__ == "__main__":
    import jax
    _d = setup_inputs()
    print(jax.jit(kernel)(*tuple(_d.values())))

</pallas_src>

<mosaic_0001>
#map = affine_map<(d0, d1) -> (0)>
#map1 = affine_map<(d0, d1) -> (0, 0, 0)>
module attributes {stable_mosaic.version = 14 : i64} {
  func.func @_rewritten_body(%arg0: i32, %arg1: i32, %arg2: memref<32768xf32, #tpu.memory_space<hbm>>, %arg3: memref<1xf32, #tpu.memory_space<hbm>>, %arg4: memref<32x2x16xf32, #tpu.memory_space<hbm>>, %arg5: memref<1024xf32, #tpu.memory_space<vmem>>, %arg6: memref<1x2x16xf32, #tpu.memory_space<vmem>>) attributes {dimension_semantics = [#tpu.dimension_semantics<core_parallel>, #tpu.dimension_semantics<subcore_parallel>], iteration_bounds = array<i64: 2, 16>, scalar_prefetch = 0 : i64, scratch_operands = 2 : i64, tpu.core_type = #tpu.core_type<sc_vector_subcore>, window_params = [{transform_indices = #map}, {transform_indices = #map}, {transform_indices = #map1}]} {
    %empty_ref3A = memref.alloca() : memref<16xf32, #tpu.memory_space<vmem>>
    "tpu.region"() ({
      %run_scoped3A = tpu.sem_alloc : memref<!tpu.dma_semaphore, #tpu.memory_space<semaphore_mem>>
      %dma_start3A = arith.constant 0 : i32
      %dma_start3A_464 = tpu.memref_slice %empty_ref3A[%dma_start3A] : memref<16xf32, #tpu.memory_space<vmem>> -> memref<1xf32, #tpu.memory_space<vmem>>
      %dma_start3A_465 = arith.constant 0 : i32
      %dma_start3A_466 = tpu.memref_slice %empty_ref3A[%dma_start3A_465] : memref<16xf32, #tpu.memory_space<vmem>> -> memref<1xf32, #tpu.memory_space<vmem>>
      tpu.enqueue_dma source(%arg3 : memref<1xf32, #tpu.memory_space<hbm>>) target(%dma_start3A_466 : memref<1xf32, #tpu.memory_space<vmem>>) target_semaphore(%run_scoped3A : memref<!tpu.dma_semaphore, #tpu.memory_space<semaphore_mem>>)
      %dma_wait3A = arith.constant 0 : i32
      %dma_wait3A_467 = tpu.memref_slice %empty_ref3A[%dma_wait3A] : memref<16xf32, #tpu.memory_space<vmem>> -> memref<1xf32, #tpu.memory_space<vmem>>
      %dma_wait3A_468 = arith.constant 0 : i32
      %dma_wait3A_469 = tpu.memref_slice %empty_ref3A[%dma_wait3A_468] : memref<16xf32, #tpu.memory_space<vmem>> -> memref<1xf32, #tpu.memory_space<vmem>>
      tpu.wait_dma2 semaphore(%run_scoped3A : memref<!tpu.dma_semaphore, #tpu.memory_space<semaphore_mem>>) src(%arg3 : memref<1xf32, #tpu.memory_space<hbm>>) dst(%dma_wait3A_469 : memref<1xf32, #tpu.memory_space<vmem>>)
      tpu.yield
    }) : () -> ()
    %get3A = arith.constant 0 : index
    %get3A_0 = tpu.vector_load %empty_ref3A[%get3A] {strides = array<i32>} : memref<16xf32, #tpu.memory_space<vmem>>, vector<16xf32>,
    %get3A_1 = vector.shape_cast %get3A_0 : vector<16xf32> to vector<16xf32>
    %slice3A = vector.extract_strided_slice %get3A_1 {offsets = [0], sizes = [1], strides = [1]} : vector<16xf32> to vector<1xf32>
    %squeeze3A = vector.extract %slice3A[0] : f32 from vector<1xf32>
    %mul3A = arith.constant 2 : i32
    %mul3A_2 = arith.muli %arg0, %mul3A : i32
    %jit3A = arith.constant 8 : i32
    %div3A = arith.divsi %arg1, %jit3A : i32
    %sign3A = arith.constant 0 : i32
    %sign3A_3 = arith.cmpi sgt, %arg1, %sign3A : i32
    %sign3A_4 = arith.extui %sign3A_3 : i1 to i32
    %sign3A_5 = arith.constant 0 : i32
    %sign3A_6 = arith.cmpi slt, %arg1, %sign3A_5 : i32
    %sign3A_7 = arith.extui %sign3A_6 : i1 to i32
    %sign3A_8 = arith.subi %sign3A_4, %sign3A_7 : i32
    %sign3A_9 = arith.constant 0 : i32
    %sign3A_10 = arith.cmpi sgt, %jit3A, %sign3A_9 : i32
    %sign3A_11 = arith.extui %sign3A_10 : i1 to i32
    %sign3A_12 = arith.constant 0 : i32
    %sign3A_13 = arith.cmpi slt, %jit3A, %sign3A_12 : i32
    %sign3A_14 = arith.extui %sign3A_13 : i1 to i32
    %sign3A_15 = arith.subi %sign3A_11, %sign3A_14 : i32
    %ne3A = arith.cmpi ne, %sign3A_8, %sign3A_15 : i32
    %rem3A = arith.remsi %arg1, %jit3A : i32
    %ne3A_16 = arith.constant 0 : i32
    %ne3A_17 = arith.cmpi ne, %rem3A, %ne3A_16 : i32
    %and3A = arith.andi %ne3A, %ne3A_17 : i1
    %sub3A = arith.constant 1 : i32
    %sub3A_18 = arith.subi %div3A, %sub3A : i32
    %select_n3A = arith.select %and3A, %sub3A_18, %div3A : i32
    %add3A = arith.addi %mul3A_2, %select_n3A : i32
    %jit3A_19 = arith.constant 8 : i32
    %eq3A = arith.constant 0 : i32
    %eq3A_20 = arith.cmpi eq, %jit3A_19, %eq3A : i32
    %jit3A_21 = arith.constant 1 : i32
    %select_n3A_22 = arith.select %eq3A_20, %jit3A_21, %jit3A_19 : i32
    %rem3A_23 = arith.remsi %arg1, %select_n3A_22 : i32
    %ne3A_24 = arith.constant 0 : i32
    %ne3A_25 = arith.cmpi ne, %rem3A_23, %ne3A_24 : i32
    %lt3A = arith.constant 0 : i32
    %lt3A_26 = arith.cmpi slt, %rem3A_23, %lt3A : i32
    %lt3A_27 = arith.constant 0 : i32
    %lt3A_28 = arith.cmpi slt, %select_n3A_22, %lt3A_27 : i32
    %ne3A_29 = arith.xori %lt3A_26, %lt3A_28 : i1
    %and3A_30 = arith.andi %ne3A_29, %ne3A_25 : i1
    %add3A_31 = arith.addi %rem3A_23, %select_n3A_22 : i32
    %select_n3A_32 = arith.select %and3A_30, %add3A_31, %rem3A_23 : i32
    %mul3A_33 = arith.constant 8192 : i32
    %mul3A_34 = arith.muli %add3A, %mul3A_33 : i32
    %mul3A_35 = arith.constant 1024 : i32
    %mul3A_36 = arith.muli %select_n3A_32, %mul3A_35 : i32
    %add3A_37 = arith.addi %mul3A_34, %mul3A_36 : i32
    "tpu.region"() ({
      %run_scoped3A = tpu.sem_alloc : memref<!tpu.dma_semaphore, #tpu.memory_space<semaphore_mem>>
      %dma_start3A = tpu.memref_slice %arg2[%add3A_37] : memref<32768xf32, #tpu.memory_space<hbm>> -> memref<1024xf32, #tpu.memory_space<hbm>>
      %dma_start3A_464 = tpu.memref_slice %arg2[%add3A_37] : memref<32768xf32, #tpu.memory_space<hbm>> -> memref<1024xf32, #tpu.memory_space<hbm>>
      tpu.enqueue_dma source(%dma_start3A_464 : memref<1024xf32, #tpu.memory_space<hbm>>) target(%arg5 : memref<1024xf32, #tpu.memory_space<vmem>>) target_semaphore(%run_scoped3A : memref<!tpu.dma_semaphore, #tpu.memory_space<semaphore_mem>>)
      %dma_wait3A = tpu.memref_slice %arg2[%add3A_37] : memref<32768xf32, #tpu.memory_space<hbm>> -> memref<1024xf32, #tpu.memory_space<hbm>>
      %dma_wait3A_465 = tpu.memref_slice %arg2[%add3A_37] : memref<32768xf32, #tpu.memory_space<hbm>> -> memref<1024xf32, #tpu.memory_space<hbm>>
      tpu.wait_dma2 semaphore(%run_scoped3A : memref<!tpu.dma_semaphore, #tpu.memory_space<semaphore_mem>>) src(%dma_wait3A_465 : memref<1024xf32, #tpu.memory_space<hbm>>) dst(%arg5 : memref<1024xf32, #tpu.memory_space<vmem>>)
      tpu.yield
    }) : () -> ()
    %iota3A = tpu.iota {dimensions = array<i32: 0>} : vector<16xi32>
    %mul3A_38 = arith.constant 1024 : i32
    %mul3A_39 = arith.muli %select_n3A_32, %mul3A_38 : i32
    %broadcast_in_dim3A = vector.broadcast %squeeze3A : f32 to vector<16xf32>
    %broadcast_in_dim3A_40 = arith.constant 1073741824 : i32
    %broadcast_in_dim3A_41 = vector.broadcast %broadcast_in_dim3A_40 : i32 to vector<16xi32>
    %scan3A = arith.constant 0 : i32
    %scan3A_42 = arith.constant 64 : i32
    %scan3A_43 = arith.addi %scan3A, %scan3A_42 : i32
    %scan3A_44 = arith.constant 1 : i32
    %scan3A_45:2 = scf.for %scan3A_464 = %scan3A to %scan3A_43 step %scan3A_44 iter_args(%scan3A_465 = %broadcast_in_dim3A, %scan3A_466 = %broadcast_in_dim3A_41) -> (vector<16xf32>, vector<16xi32>)  : i32 {
      %mul3A_467 = arith.constant 16 : i32
      %mul3A_468 = arith.muli %scan3A_464, %mul3A_467 : i32
      %get3A_469 = arith.index_cast %mul3A_468 : i32 to index
      %get3A_470 = tpu.vector_load %arg5[%get3A_469] {strides = array<i32>} : memref<1024xf32, #tpu.memory_space<vmem>>, vector<16xf32>,
      %get3A_471 = vector.shape_cast %get3A_470 : vector<16xf32> to vector<16xf32>
      %mul3A_472 = arith.constant 16 : i32
      %mul3A_473 = arith.muli %scan3A_464, %mul3A_472 : i32
      %add3A_474 = arith.addi %mul3A_39, %mul3A_473 : i32
      %add3A_475 = vector.broadcast %add3A_474 : i32 to vector<16xi32>
      %add3A_476 = arith.addi %add3A_475, %iota3A : vector<16xi32>
      %gt3A_477 = arith.cmpf ogt, %get3A_471, %scan3A_465 : vector<16xf32>
      %eq3A_478 = arith.cmpf oeq, %get3A_471, %scan3A_465 : vector<16xf32>
      %lt3A_479 = arith.cmpi slt, %add3A_476, %scan3A_466 : vector<16xi32>
      %and3A_480 = arith.andi %eq3A_478, %lt3A_479 : vector<16xi1>
      %or3A_481 = arith.ori %gt3A_477, %and3A_480 : vector<16xi1>
      %select_n3A_482 = arith.select %or3A_481, %get3A_471, %scan3A_465 : vector<16xi1>, vector<16xf32>
      %select_n3A_483 = arith.select %or3A_481, %add3A_476, %scan3A_466 : vector<16xi1>, vector<16xi32>
      scf.yield %select_n3A_482, %select_n3A_483 : vector<16xf32>, vector<16xi32>
    }
    %scan3A_46 = arith.constant 64 : i32
    %xor3A = arith.constant 8 : i32
    %xor3A_47 = vector.broadcast %xor3A : i32 to vector<16xi32>
    %xor3A_48 = arith.xori %iota3A, %xor3A_47 : vector<16xi32>
    %broadcast_in_dim3A_49 = vector.shape_cast %xor3A_48 : vector<16xi32> to vector<16x1xi32>
    %gather3A = vector.shape_cast %broadcast_in_dim3A_49 : vector<16x1xi32> to vector<16xi32>
    %gather3A_50 = tpu.dynamic_gather %scan3A_45#0[%gather3A] in [0] : vector<16xf32>, vector<16xi32> -> vector<16xf32>
    %broadcast_in_dim3A_51 = vector.shape_cast %xor3A_48 : vector<16xi32> to vector<16x1xi32>
    %gather3A_52 = vector.shape_cast %broadcast_in_dim3A_51 : vector<16x1xi32> to vector<16xi32>
    %gather3A_53 = tpu.dynamic_gather %scan3A_45#1[%gather3A_52] in [0] : vector<16xi32>, vector<16xi32> -> vector<16xi32>
    %gt3A = arith.cmpf ogt, %gather3A_50, %scan3A_45#0 : vector<16xf32>
    %eq3A_54 = arith.cmpf oeq, %gather3A_50, %scan3A_45#0 : vector<16xf32>
    %lt3A_55 = arith.cmpi slt, %gather3A_53, %scan3A_45#1 : vector<16xi32>
    %and3A_56 = arith.andi %eq3A_54, %lt3A_55 : vector<16xi1>
    %or3A = arith.ori %gt3A, %and3A_56 : vector<16xi1>
    %select_n3A_57 = arith.select %or3A, %gather3A_50, %scan3A_45#0 : vector<16xi1>, vector<16xf32>
    %select_n3A_58 = arith.select %or3A, %gather3A_53, %scan3A_45#1 : vector<16xi1>, vector<16xi32>
    %xor3A_59 = arith.constant 4 : i32
    %xor3A_60 = vector.broadcast %xor3A_59 : i32 to vector<16xi32>
    %xor3A_61 = arith.xori %iota3A, %xor3A_60 : vector<16xi32>
    %broadcast_in_dim3A_62 = vector.shape_cast %xor3A_61 : vector<16xi32> to vector<16x1xi32>
    %gather3A_63 = vector.shape_cast %broadcast_in_dim3A_62 : vector<16x1xi32> to vector<16xi32>
    %gather3A_64 = tpu.dynamic_gather %select_n3A_57[%gather3A_63] in [0] : vector<16xf32>, vector<16xi32> -> vector<16xf32>
    %broadcast_in_dim3A_65 = vector.shape_cast %xor3A_61 : vector<16xi32> to vector<16x1xi32>
    %gather3A_66 = vector.shape_cast %broadcast_in_dim3A_65 : vector<16x1xi32> to vector<16xi32>
    %gather3A_67 = tpu.dynamic_gather %select_n3A_58[%gather3A_66] in [0] : vector<16xi32>, vector<16xi32> -> vector<16xi32>
    %gt3A_68 = arith.cmpf ogt, %gather3A_64, %select_n3A_57 : vector<16xf32>
    %eq3A_69 = arith.cmpf oeq, %gather3A_64, %select_n3A_57 : vector<16xf32>
    %lt3A_70 = arith.cmpi slt, %gather3A_67, %select_n3A_58 : vector<16xi32>
    %and3A_71 = arith.andi %eq3A_69, %lt3A_70 : vector<16xi1>
    %or3A_72 = arith.ori %gt3A_68, %and3A_71 : vector<16xi1>
    %select_n3A_73 = arith.select %or3A_72, %gather3A_64, %select_n3A_57 : vector<16xi1>, vector<16xf32>
    %select_n3A_74 = arith.select %or3A_72, %gather3A_67, %select_n3A_58 : vector<16xi1>, vector<16xi32>
    %xor3A_75 = arith.constant 2 : i32
    %xor3A_76 = vector.broadcast %xor3A_75 : i32 to vector<16xi32>
    %xor3A_77 = arith.xori %iota3A, %xor3A_76 : vector<16xi32>
    %broadcast_in_dim3A_78 = vector.shape_cast %xor3A_77 : vector<16xi32> to vector<16x1xi32>
    %gather3A_79 = vector.shape_cast %broadcast_in_dim3A_78 : vector<16x1xi32> to vector<16xi32>
    %gather3A_80 = tpu.dynamic_gather %select_n3A_73[%gather3A_79] in [0] : vector<16xf32>, vector<16xi32> -> vector<16xf32>
    %broadcast_in_dim3A_81 = vector.shape_cast %xor3A_77 : vector<16xi32> to vector<16x1xi32>
    %gather3A_82 = vector.shape_cast %broadcast_in_dim3A_81 : vector<16x1xi32> to vector<16xi32>
    %gather3A_83 = tpu.dynamic_gather %select_n3A_74[%gather3A_82] in [0] : vector<16xi32>, vector<16xi32> -> vector<16xi32>
    %gt3A_84 = arith.cmpf ogt, %gather3A_80, %select_n3A_73 : vector<16xf32>
    %eq3A_85 = arith.cmpf oeq, %gather3A_80, %select_n3A_73 : vector<16xf32>
    %lt3A_86 = arith.cmpi slt, %gather3A_83, %select_n3A_74 : vector<16xi32>
    %and3A_87 = arith.andi %eq3A_85, %lt3A_86 : vector<16xi1>
    %or3A_88 = arith.ori %gt3A_84, %and3A_87 : vector<16xi1>
    %select_n3A_89 = arith.select %or3A_88, %gather3A_80, %select_n3A_73 : vector<16xi1>, vector<16xf32>
    %select_n3A_90 = arith.select %or3A_88, %gather3A_83, %select_n3A_74 : vector<16xi1>, vector<16xi32>
    %xor3A_91 = arith.constant 1 : i32
    %xor3A_92 = vector.broadcast %xor3A_91 : i32 to vector<16xi32>
    %xor3A_93 = arith.xori %iota3A, %xor3A_92 : vector<16xi32>
    %broadcast_in_dim3A_94 = vector.shape_cast %xor3A_93 : vector<16xi32> to vector<16x1xi32>
    %gather3A_95 = vector.shape_cast %broadcast_in_dim3A_94 : vector<16x1xi32> to vector<16xi32>
    %gather3A_96 = tpu.dynamic_gather %select_n3A_89[%gather3A_95] in [0] : vector<16xf32>, vector<16xi32> -> vector<16xf32>
    %broadcast_in_dim3A_97 = vector.shape_cast %xor3A_93 : vector<16xi32> to vector<16x1xi32>
    %gather3A_98 = vector.shape_cast %broadcast_in_dim3A_97 : vector<16x1xi32> to vector<16xi32>
    %gather3A_99 = tpu.dynamic_gather %select_n3A_90[%gather3A_98] in [0] : vector<16xi32>, vector<16xi32> -> vector<16xi32>
    %gt3A_100 = arith.cmpf ogt, %gather3A_96, %select_n3A_89 : vector<16xf32>
    %eq3A_101 = arith.cmpf oeq, %gather3A_96, %select_n3A_89 : vector<16xf32>
    %lt3A_102 = arith.cmpi slt, %gather3A_99, %select_n3A_90 : vector<16xi32>
    %and3A_103 = arith.andi %eq3A_101, %lt3A_102 : vector<16xi1>
    %or3A_104 = arith.ori %gt3A_100, %and3A_103 : vector<16xi1>
    %select_n3A_105 = arith.select %or3A_104, %gather3A_96, %select_n3A_89 : vector<16xi1>, vector<16xf32>
    %select_n3A_106 = arith.select %or3A_104, %gather3A_99, %select_n3A_90 : vector<16xi1>, vector<16xi32>
    %broadcast_in_dim3A_107 = vector.broadcast %squeeze3A : f32 to vector<16xf32>
    %broadcast_in_dim3A_108 = arith.constant 1073741824 : i32
    %broadcast_in_dim3A_109 = vector.broadcast %broadcast_in_dim3A_108 : i32 to vector<16xi32>
    %scan3A_110 = arith.constant 0 : i32
    %scan3A_111 = arith.constant 64 : i32
    %scan3A_112 = arith.addi %scan3A_110, %scan3A_111 : i32
    %scan3A_113 = arith.constant 1 : i32
    %scan3A_114:2 = scf.for %scan3A_464 = %scan3A_110 to %scan3A_112 step %scan3A_113 iter_args(%scan3A_465 = %broadcast_in_dim3A_107, %scan3A_466 = %broadcast_in_dim3A_109) -> (vector<16xf32>, vector<16xi32>)  : i32 {
      %mul3A_467 = arith.constant 16 : i32
      %mul3A_468 = arith.muli %scan3A_464, %mul3A_467 : i32
      %get3A_469 = arith.index_cast %mul3A_468 : i32 to index
      %get3A_470 = tpu.vector_load %arg5[%get3A_469] {strides = array<i32>} : memref<1024xf32, #tpu.memory_space<vmem>>, vector<16xf32>,
      %get3A_471 = vector.shape_cast %get3A_470 : vector<16xf32> to vector<16xf32>
      %mul3A_472 = arith.constant 16 : i32
      %mul3A_473 = arith.muli %scan3A_464, %mul3A_472 : i32
      %add3A_474 = arith.addi %mul3A_39, %mul3A_473 : i32
      %add3A_475 = vector.broadcast %add3A_474 : i32 to vector<16xi32>
      %add3A_476 = arith.addi %add3A_475, %iota3A : vector<16xi32>
      %eq3A_477 = arith.cmpi eq, %add3A_476, %select_n3A_106 : vector<16xi32>
      %broadcast_in_dim3A_478 = vector.broadcast %squeeze3A : f32 to vector<16xf32>
      %select_n3A_479 = arith.select %eq3A_477, %broadcast_in_dim3A_478, %get3A_471 : vector<16xi1>, vector<16xf32>
      %gt3A_480 = arith.cmpf ogt, %select_n3A_479, %scan3A_465 : vector<16xf32>
      %eq3A_481 = arith.cmpf oeq, %select_n3A_479, %scan3A_465 : vector<16xf32>
      %lt3A_482 = arith.cmpi slt, %add3A_476, %scan3A_466 : vector<16xi32>
      %and3A_483 = arith.andi %eq3A_481, %lt3A_482 : vector<16xi1>
      %or3A_484 = arith.ori %gt3A_480, %and3A_483 : vector<16xi1>
      %select_n3A_485 = arith.select %or3A_484, %select_n3A_479, %scan3A_465 : vector<16xi1>, vector<16xf32>
      %select_n3A_486 = arith.select %or3A_484, %add3A_476, %scan3A_466 : vector<16xi1>, vector<16xi32>
      scf.yield %select_n3A_485, %select_n3A_486 : vector<16xf32>, vector<16xi32>
    }
    %scan3A_115 = arith.constant 64 : i32
    %xor3A_116 = arith.constant 8 : i32
    %xor3A_117 = vector.broadcast %xor3A_116 : i32 to vector<16xi32>
    %xor3A_118 = arith.xori %iota3A, %xor3A_117 : vector<16xi32>
    %broadcast_in_dim3A_119 = vector.shape_cast %xor3A_118 : vector<16xi32> to vector<16x1xi32>
    %gather3A_120 = vector.shape_cast %broadcast_in_dim3A_119 : vector<16x1xi32> to vector<16xi32>
    %gather3A_121 = tpu.dynamic_gather %scan3A_114#0[%gather3A_120] in [0] : vector<16xf32>, vector<16xi32> -> vector<16xf32>
    %broadcast_in_dim3A_122 = vector.shape_cast %xor3A_118 : vector<16xi32> to vector<16x1xi32>
    %gather3A_123 = vector.shape_cast %broadcast_in_dim3A_122 : vector<16x1xi32> to vector<16xi32>
    %gather3A_124 = tpu.dynamic_gather %scan3A_114#1[%gather3A_123] in [0] : vector<16xi32>, vector<16xi32> -> vector<16xi32>
    %gt3A_125 = arith.cmpf ogt, %gather3A_121, %scan3A_114#0 : vector<16xf32>
    %eq3A_126 = arith.cmpf oeq, %gather3A_121, %scan3A_114#0 : vector<16xf32>
    %lt3A_127 = arith.cmpi slt, %gather3A_124, %scan3A_114#1 : vector<16xi32>
    %and3A_128 = arith.andi %eq3A_126, %lt3A_127 : vector<16xi1>
    %or3A_129 = arith.ori %gt3A_125, %and3A_128 : vector<16xi1>
    %select_n3A_130 = arith.select %or3A_129, %gather3A_121, %scan3A_114#0 : vector<16xi1>, vector<16xf32>
    %select_n3A_131 = arith.select %or3A_129, %gather3A_124, %scan3A_114#1 : vector<16xi1>, vector<16xi32>
    %xor3A_132 = arith.constant 4 : i32
    %xor3A_133 = vector.broadcast %xor3A_132 : i32 to vector<16xi32>
    %xor3A_134 = arith.xori %iota3A, %xor3A_133 : vector<16xi32>
    %broadcast_in_dim3A_135 = vector.shape_cast %xor3A_134 : vector<16xi32> to vector<16x1xi32>
    %gather3A_136 = vector.shape_cast %broadcast_in_dim3A_135 : vector<16x1xi32> to vector<16xi32>
    %gather3A_137 = tpu.dynamic_gather %select_n3A_130[%gather3A_136] in [0] : vector<16xf32>, vector<16xi32> -> vector<16xf32>
    %broadcast_in_dim3A_138 = vector.shape_cast %xor3A_134 : vector<16xi32> to vector<16x1xi32>
    %gather3A_139 = vector.shape_cast %broadcast_in_dim3A_138 : vector<16x1xi32> to vector<16xi32>
    %gather3A_140 = tpu.dynamic_gather %select_n3A_131[%gather3A_139] in [0] : vector<16xi32>, vector<16xi32> -> vector<16xi32>
    %gt3A_141 = arith.cmpf ogt, %gather3A_137, %select_n3A_130 : vector<16xf32>
    %eq3A_142 = arith.cmpf oeq, %gather3A_137, %select_n3A_130 : vector<16xf32>
    %lt3A_143 = arith.cmpi slt, %gather3A_140, %select_n3A_131 : vector<16xi32>
    %and3A_144 = arith.andi %eq3A_142, %lt3A_143 : vector<16xi1>
    %or3A_145 = arith.ori %gt3A_141, %and3A_144 : vector<16xi1>
    %select_n3A_146 = arith.select %or3A_145, %gather3A_137, %select_n3A_130 : vector<16xi1>, vector<16xf32>
    %select_n3A_147 = arith.select %or3A_145, %gather3A_140, %select_n3A_131 : vector<16xi1>, vector<16xi32>
    %xor3A_148 = arith.constant 2 : i32
    %xor3A_149 = vector.broadcast %xor3A_148 : i32 to vector<16xi32>
    %xor3A_150 = arith.xori %iota3A, %xor3A_149 : vector<16xi32>
    %broadcast_in_dim3A_151 = vector.shape_cast %xor3A_150 : vector<16xi32> to vector<16x1xi32>
    %gather3A_152 = vector.shape_cast %broadcast_in_dim3A_151 : vector<16x1xi32> to vector<16xi32>
    %gather3A_153 = tpu.dynamic_gather %select_n3A_146[%gather3A_152] in [0] : vector<16xf32>, vector<16xi32> -> vector<16xf32>
    %broadcast_in_dim3A_154 = vector.shape_cast %xor3A_150 : vector<16xi32> to vector<16x1xi32>
    %gather3A_155 = vector.shape_cast %broadcast_in_dim3A_154 : vector<16x1xi32> to vector<16xi32>
    %gather3A_156 = tpu.dynamic_gather %select_n3A_147[%gather3A_155] in [0] : vector<16xi32>, vector<16xi32> -> vector<16xi32>
    %gt3A_157 = arith.cmpf ogt, %gather3A_153, %select_n3A_146 : vector<16xf32>
    %eq3A_158 = arith.cmpf oeq, %gather3A_153, %select_n3A_146 : vector<16xf32>
    %lt3A_159 = arith.cmpi slt, %gather3A_156, %select_n3A_147 : vector<16xi32>
    %and3A_160 = arith.andi %eq3A_158, %lt3A_159 : vector<16xi1>
    %or3A_161 = arith.ori %gt3A_157, %and3A_160 : vector<16xi1>
    %select_n3A_162 = arith.select %or3A_161, %gather3A_153, %select_n3A_146 : vector<16xi1>, vector<16xf32>
    %select_n3A_163 = arith.select %or3A_161, %gather3A_156, %select_n3A_147 : vector<16xi1>, vector<16xi32>
    %xor3A_164 = arith.constant 1 : i32
    %xor3A_165 = vector.broadcast %xor3A_164 : i32 to vector<16xi32>
    %xor3A_166 = arith.xori %iota3A, %xor3A_165 : vector<16xi32>
    %broadcast_in_dim3A_167 = vector.shape_cast %xor3A_166 : vector<16xi32> to vector<16x1xi32>
    %gather3A_168 = vector.shape_cast %broadcast_in_dim3A_167 : vector<16x1xi32> to vector<16xi32>
    %gather3A_169 = tpu.dynamic_gather %select_n3A_162[%gather3A_168] in [0] : vector<16xf32>, vector<16xi32> -> vector<16xf32>
    %broadcast_in_dim3A_170 = vector.shape_cast %xor3A_166 : vector<16xi32> to vector<16x1xi32>
    %gather3A_171 = vector.shape_cast %broadcast_in_dim3A_170 : vector<16x1xi32> to vector<16xi32>
    %gather3A_172 = tpu.dynamic_gather %select_n3A_163[%gather3A_171] in [0] : vector<16xi32>, vector<16xi32> -> vector<16xi32>
    %gt3A_173 = arith.cmpf ogt, %gather3A_169, %select_n3A_162 : vector<16xf32>
    %eq3A_174 = arith.cmpf oeq, %gather3A_169, %select_n3A_162 : vector<16xf32>
    %lt3A_175 = arith.cmpi slt, %gather3A_172, %select_n3A_163 : vector<16xi32>
    %and3A_176 = arith.andi %eq3A_174, %lt3A_175 : vector<16xi1>
    %or3A_177 = arith.ori %gt3A_173, %and3A_176 : vector<16xi1>
    %select_n3A_178 = arith.select %or3A_177, %gather3A_169, %select_n3A_162 : vector<16xi1>, vector<16xf32>
    %select_n3A_179 = arith.select %or3A_177, %gather3A_172, %select_n3A_163 : vector<16xi1>, vector<16xi32>
    %broadcast_in_dim3A_180 = vector.broadcast %squeeze3A : f32 to vector<16xf32>
    %broadcast_in_dim3A_181 = arith.constant 1073741824 : i32
    %broadcast_in_dim3A_182 = vector.broadcast %broadcast_in_dim3A_181 : i32 to vector<16xi32>
    %scan3A_183 = arith.constant 0 : i32
    %scan3A_184 = arith.constant 64 : i32
    %scan3A_185 = arith.addi %scan3A_183, %scan3A_184 : i32
    %scan3A_186 = arith.constant 1 : i32
    %scan3A_187:2 = scf.for %scan3A_464 = %scan3A_183 to %scan3A_185 step %scan3A_186 iter_args(%scan3A_465 = %broadcast_in_dim3A_180, %scan3A_466 = %broadcast_in_dim3A_182) -> (vector<16xf32>, vector<16xi32>)  : i32 {
      %mul3A_467 = arith.constant 16 : i32
      %mul3A_468 = arith.muli %scan3A_464, %mul3A_467 : i32
      %get3A_469 = arith.index_cast %mul3A_468 : i32 to index
      %get3A_470 = tpu.vector_load %arg5[%get3A_469] {strides = array<i32>} : memref<1024xf32, #tpu.memory_space<vmem>>, vector<16xf32>,
      %get3A_471 = vector.shape_cast %get3A_470 : vector<16xf32> to vector<16xf32>
      %mul3A_472 = arith.constant 16 : i32
      %mul3A_473 = arith.muli %scan3A_464, %mul3A_472 : i32
      %add3A_474 = arith.addi %mul3A_39, %mul3A_473 : i32
      %add3A_475 = vector.broadcast %add3A_474 : i32 to vector<16xi32>
      %add3A_476 = arith.addi %add3A_475, %iota3A : vector<16xi32>
      %eq3A_477 = arith.cmpi eq, %add3A_476, %select_n3A_106 : vector<16xi32>
      %broadcast_in_dim3A_478 = vector.broadcast %squeeze3A : f32 to vector<16xf32>
      %select_n3A_479 = arith.select %eq3A_477, %broadcast_in_dim3A_478, %get3A_471 : vector<16xi1>, vector<16xf32>
      %eq3A_480 = arith.cmpi eq, %add3A_476, %select_n3A_179 : vector<16xi32>
      %broadcast_in_dim3A_481 = vector.broadcast %squeeze3A : f32 to vector<16xf32>
      %select_n3A_482 = arith.select %eq3A_480, %broadcast_in_dim3A_481, %select_n3A_479 : vector<16xi1>, vector<16xf32>
      %gt3A_483 = arith.cmpf ogt, %select_n3A_482, %scan3A_465 : vector<16xf32>
      %eq3A_484 = arith.cmpf oeq, %select_n3A_482, %scan3A_465 : vector<16xf32>
      %lt3A_485 = arith.cmpi slt, %add3A_476, %scan3A_466 : vector<16xi32>
      %and3A_486 = arith.andi %eq3A_484, %lt3A_485 : vector<16xi1>
      %or3A_487 = arith.ori %gt3A_483, %and3A_486 : vector<16xi1>
      %select_n3A_488 = arith.select %or3A_487, %select_n3A_482, %scan3A_465 : vector<16xi1>, vector<16xf32>
      %select_n3A_489 = arith.select %or3A_487, %add3A_476, %scan3A_466 : vector<16xi1>, vector<16xi32>
      scf.yield %select_n3A_488, %select_n3A_489 : vector<16xf32>, vector<16xi32>
    }
    %scan3A_188 = arith.constant 64 : i32
    %xor3A_189 = arith.constant 8 : i32
    %xor3A_190 = vector.broadcast %xor3A_189 : i32 to vector<16xi32>
    %xor3A_191 = arith.xori %iota3A, %xor3A_190 : vector<16xi32>
    %broadcast_in_dim3A_192 = vector.shape_cast %xor3A_191 : vector<16xi32> to vector<16x1xi32>
    %gather3A_193 = vector.shape_cast %broadcast_in_dim3A_192 : vector<16x1xi32> to vector<16xi32>
    %gather3A_194 = tpu.dynamic_gather %scan3A_187#0[%gather3A_193] in [0] : vector<16xf32>, vector<16xi32> -> vector<16xf32>
    %broadcast_in_dim3A_195 = vector.shape_cast %xor3A_191 : vector<16xi32> to vector<16x1xi32>
    %gather3A_196 = vector.shape_cast %broadcast_in_dim3A_195 : vector<16x1xi32> to vector<16xi32>
    %gather3A_197 = tpu.dynamic_gather %scan3A_187#1[%gather3A_196] in [0] : vector<16xi32>, vector<16xi32> -> vector<16xi32>
    %gt3A_198 = arith.cmpf ogt, %gather3A_194, %scan3A_187#0 : vector<16xf32>
    %eq3A_199 = arith.cmpf oeq, %gather3A_194, %scan3A_187#0 : vector<16xf32>
    %lt3A_200 = arith.cmpi slt, %gather3A_197, %scan3A_187#1 : vector<16xi32>
    %and3A_201 = arith.andi %eq3A_199, %lt3A_200 : vector<16xi1>
    %or3A_202 = arith.ori %gt3A_198, %and3A_201 : vector<16xi1>
    %select_n3A_203 = arith.select %or3A_202, %gather3A_194, %scan3A_187#0 : vector<16xi1>, vector<16xf32>
    %select_n3A_204 = arith.select %or3A_202, %gather3A_197, %scan3A_187#1 : vector<16xi1>, vector<16xi32>
    %xor3A_205 = arith.constant 4 : i32
    %xor3A_206 = vector.broadcast %xor3A_205 : i32 to vector<16xi32>
    %xor3A_207 = arith.xori %iota3A, %xor3A_206 : vector<16xi32>
    %broadcast_in_dim3A_208 = vector.shape_cast %xor3A_207 : vector<16xi32> to vector<16x1xi32>
    %gather3A_209 = vector.shape_cast %broadcast_in_dim3A_208 : vector<16x1xi32> to vector<16xi32>
    %gather3A_210 = tpu.dynamic_gather %select_n3A_203[%gather3A_209] in [0] : vector<16xf32>, vector<16xi32> -> vector<16xf32>
    %broadcast_in_dim3A_211 = vector.shape_cast %xor3A_207 : vector<16xi32> to vector<16x1xi32>
    %gather3A_212 = vector.shape_cast %broadcast_in_dim3A_211 : vector<16x1xi32> to vector<16xi32>
    %gather3A_213 = tpu.dynamic_gather %select_n3A_204[%gather3A_212] in [0] : vector<16xi32>, vector<16xi32> -> vector<16xi32>
    %gt3A_214 = arith.cmpf ogt, %gather3A_210, %select_n3A_203 : vector<16xf32>
    %eq3A_215 = arith.cmpf oeq, %gather3A_210, %select_n3A_203 : vector<16xf32>
    %lt3A_216 = arith.cmpi slt, %gather3A_213, %select_n3A_204 : vector<16xi32>
    %and3A_217 = arith.andi %eq3A_215, %lt3A_216 : vector<16xi1>
    %or3A_218 = arith.ori %gt3A_214, %and3A_217 : vector<16xi1>
    %select_n3A_219 = arith.select %or3A_218, %gather3A_210, %select_n3A_203 : vector<16xi1>, vector<16xf32>
    %select_n3A_220 = arith.select %or3A_218, %gather3A_213, %select_n3A_204 : vector<16xi1>, vector<16xi32>
    %xor3A_221 = arith.constant 2 : i32
    %xor3A_222 = vector.broadcast %xor3A_221 : i32 to vector<16xi32>
    %xor3A_223 = arith.xori %iota3A, %xor3A_222 : vector<16xi32>
    %broadcast_in_dim3A_224 = vector.shape_cast %xor3A_223 : vector<16xi32> to vector<16x1xi32>
    %gather3A_225 = vector.shape_cast %broadcast_in_dim3A_224 : vector<16x1xi32> to vector<16xi32>
    %gather3A_226 = tpu.dynamic_gather %select_n3A_219[%gather3A_225] in [0] : vector<16xf32>, vector<16xi32> -> vector<16xf32>
    %broadcast_in_dim3A_227 = vector.shape_cast %xor3A_223 : vector<16xi32> to vector<16x1xi32>
    %gather3A_228 = vector.shape_cast %broadcast_in_dim3A_227 : vector<16x1xi32> to vector<16xi32>
    %gather3A_229 = tpu.dynamic_gather %select_n3A_220[%gather3A_228] in [0] : vector<16xi32>, vector<16xi32> -> vector<16xi32>
    %gt3A_230 = arith.cmpf ogt, %gather3A_226, %select_n3A_219 : vector<16xf32>
    %eq3A_231 = arith.cmpf oeq, %gather3A_226, %select_n3A_219 : vector<16xf32>
    %lt3A_232 = arith.cmpi slt, %gather3A_229, %select_n3A_220 : vector<16xi32>
    %and3A_233 = arith.andi %eq3A_231, %lt3A_232 : vector<16xi1>
    %or3A_234 = arith.ori %gt3A_230, %and3A_233 : vector<16xi1>
    %select_n3A_235 = arith.select %or3A_234, %gather3A_226, %select_n3A_219 : vector<16xi1>, vector<16xf32>
    %select_n3A_236 = arith.select %or3A_234, %gather3A_229, %select_n3A_220 : vector<16xi1>, vector<16xi32>
    %xor3A_237 = arith.constant 1 : i32
    %xor3A_238 = vector.broadcast %xor3A_237 : i32 to vector<16xi32>
    %xor3A_239 = arith.xori %iota3A, %xor3A_238 : vector<16xi32>
    %broadcast_in_dim3A_240 = vector.shape_cast %xor3A_239 : vector<16xi32> to vector<16x1xi32>
    %gather3A_241 = vector.shape_cast %broadcast_in_dim3A_240 : vector<16x1xi32> to vector<16xi32>
    %gather3A_242 = tpu.dynamic_gather %select_n3A_235[%gather3A_241] in [0] : vector<16xf32>, vector<16xi32> -> vector<16xf32>
    %broadcast_in_dim3A_243 = vector.shape_cast %xor3A_239 : vector<16xi32> to vector<16x1xi32>
    %gather3A_244 = vector.shape_cast %broadcast_in_dim3A_243 : vector<16x1xi32> to vector<16xi32>
    %gather3A_245 = tpu.dynamic_gather %select_n3A_236[%gather3A_244] in [0] : vector<16xi32>, vector<16xi32> -> vector<16xi32>
    %gt3A_246 = arith.cmpf ogt, %gather3A_242, %select_n3A_235 : vector<16xf32>
    %eq3A_247 = arith.cmpf oeq, %gather3A_242, %select_n3A_235 : vector<16xf32>
    %lt3A_248 = arith.cmpi slt, %gather3A_245, %select_n3A_236 : vector<16xi32>
    %and3A_249 = arith.andi %eq3A_247, %lt3A_248 : vector<16xi1>
    %or3A_250 = arith.ori %gt3A_246, %and3A_249 : vector<16xi1>
    %select_n3A_251 = arith.select %or3A_250, %gather3A_242, %select_n3A_235 : vector<16xi1>, vector<16xf32>
    %select_n3A_252 = arith.select %or3A_250, %gather3A_245, %select_n3A_236 : vector<16xi1>, vector<16xi32>
    %broadcast_in_dim3A_253 = vector.broadcast %squeeze3A : f32 to vector<16xf32>
    %broadcast_in_dim3A_254 = arith.constant 1073741824 : i32
    %broadcast_in_dim3A_255 = vector.broadcast %broadcast_in_dim3A_254 : i32 to vector<16xi32>
    %scan3A_256 = arith.constant 0 : i32
    %scan3A_257 = arith.constant 64 : i32
    %scan3A_258 = arith.addi %scan3A_256, %scan3A_257 : i32
    %scan3A_259 = arith.constant 1 : i32
    %scan3A_260:2 = scf.for %scan3A_464 = %scan3A_256 to %scan3A_258 step %scan3A_259 iter_args(%scan3A_465 = %broadcast_in_dim3A_253, %scan3A_466 = %broadcast_in_dim3A_255) -> (vector<16xf32>, vector<16xi32>)  : i32 {
      %mul3A_467 = arith.constant 16 : i32
      %mul3A_468 = arith.muli %scan3A_464, %mul3A_467 : i32
      %get3A_469 = arith.index_cast %mul3A_468 : i32 to index
      %get3A_470 = tpu.vector_load %arg5[%get3A_469] {strides = array<i32>} : memref<1024xf32, #tpu.memory_space<vmem>>, vector<16xf32>,
      %get3A_471 = vector.shape_cast %get3A_470 : vector<16xf32> to vector<16xf32>
      %mul3A_472 = arith.constant 16 : i32
      %mul3A_473 = arith.muli %scan3A_464, %mul3A_472 : i32
      %add3A_474 = arith.addi %mul3A_39, %mul3A_473 : i32
      %add3A_475 = vector.broadcast %add3A_474 : i32 to vector<16xi32>
      %add3A_476 = arith.addi %add3A_475, %iota3A : vector<16xi32>
      %eq3A_477 = arith.cmpi eq, %add3A_476, %select_n3A_106 : vector<16xi32>
      %broadcast_in_dim3A_478 = vector.broadcast %squeeze3A : f32 to vector<16xf32>
      %select_n3A_479 = arith.select %eq3A_477, %broadcast_in_dim3A_478, %get3A_471 : vector<16xi1>, vector<16xf32>
      %eq3A_480 = arith.cmpi eq, %add3A_476, %select_n3A_179 : vector<16xi32>
      %broadcast_in_dim3A_481 = vector.broadcast %squeeze3A : f32 to vector<16xf32>
      %select_n3A_482 = arith.select %eq3A_480, %broadcast_in_dim3A_481, %select_n3A_479 : vector<16xi1>, vector<16xf32>
      %eq3A_483 = arith.cmpi eq, %add3A_476, %select_n3A_252 : vector<16xi32>
      %broadcast_in_dim3A_484 = vector.broadcast %squeeze3A : f32 to vector<16xf32>
      %select_n3A_485 = arith.select %eq3A_483, %broadcast_in_dim3A_484, %select_n3A_482 : vector<16xi1>, vector<16xf32>
      %gt3A_486 = arith.cmpf ogt, %select_n3A_485, %scan3A_465 : vector<16xf32>
      %eq3A_487 = arith.cmpf oeq, %select_n3A_485, %scan3A_465 : vector<16xf32>
      %lt3A_488 = arith.cmpi slt, %add3A_476, %scan3A_466 : vector<16xi32>
      %and3A_489 = arith.andi %eq3A_487, %lt3A_488 : vector<16xi1>
      %or3A_490 = arith.ori %gt3A_486, %and3A_489 : vector<16xi1>
      %select_n3A_491 = arith.select %or3A_490, %select_n3A_485, %scan3A_465 : vector<16xi1>, vector<16xf32>
      %select_n3A_492 = arith.select %or3A_490, %add3A_476, %scan3A_466 : vector<16xi1>, vector<16xi32>
      scf.yield %select_n3A_491, %select_n3A_492 : vector<16xf32>, vector<16xi32>
    }
    %scan3A_261 = arith.constant 64 : i32
    %xor3A_262 = arith.constant 8 : i32
    %xor3A_263 = vector.broadcast %xor3A_262 : i32 to vector<16xi32>
    %xor3A_264 = arith.xori %iota3A, %xor3A_263 : vector<16xi32>
    %broadcast_in_dim3A_265 = vector.shape_cast %xor3A_264 : vector<16xi32> to vector<16x1xi32>
    %gather3A_266 = vector.shape_cast %broadcast_in_dim3A_265 : vector<16x1xi32> to vector<16xi32>
    %gather3A_267 = tpu.dynamic_gather %scan3A_260#0[%gather3A_266] in [0] : vector<16xf32>, vector<16xi32> -> vector<16xf32>
    %broadcast_in_dim3A_268 = vector.shape_cast %xor3A_264 : vector<16xi32> to vector<16x1xi32>
    %gather3A_269 = vector.shape_cast %broadcast_in_dim3A_268 : vector<16x1xi32> to vector<16xi32>
    %gather3A_270 = tpu.dynamic_gather %scan3A_260#1[%gather3A_269] in [0] : vector<16xi32>, vector<16xi32> -> vector<16xi32>
    %gt3A_271 = arith.cmpf ogt, %gather3A_267, %scan3A_260#0 : vector<16xf32>
    %eq3A_272 = arith.cmpf oeq, %gather3A_267, %scan3A_260#0 : vector<16xf32>
    %lt3A_273 = arith.cmpi slt, %gather3A_270, %scan3A_260#1 : vector<16xi32>
    %and3A_274 = arith.andi %eq3A_272, %lt3A_273 : vector<16xi1>
    %or3A_275 = arith.ori %gt3A_271, %and3A_274 : vector<16xi1>
    %select_n3A_276 = arith.select %or3A_275, %gather3A_267, %scan3A_260#0 : vector<16xi1>, vector<16xf32>
    %select_n3A_277 = arith.select %or3A_275, %gather3A_270, %scan3A_260#1 : vector<16xi1>, vector<16xi32>
    %xor3A_278 = arith.constant 4 : i32
    %xor3A_279 = vector.broadcast %xor3A_278 : i32 to vector<16xi32>
    %xor3A_280 = arith.xori %iota3A, %xor3A_279 : vector<16xi32>
    %broadcast_in_dim3A_281 = vector.shape_cast %xor3A_280 : vector<16xi32> to vector<16x1xi32>
    %gather3A_282 = vector.shape_cast %broadcast_in_dim3A_281 : vector<16x1xi32> to vector<16xi32>
    %gather3A_283 = tpu.dynamic_gather %select_n3A_276[%gather3A_282] in [0] : vector<16xf32>, vector<16xi32> -> vector<16xf32>
    %broadcast_in_dim3A_284 = vector.shape_cast %xor3A_280 : vector<16xi32> to vector<16x1xi32>
    %gather3A_285 = vector.shape_cast %broadcast_in_dim3A_284 : vector<16x1xi32> to vector<16xi32>
    %gather3A_286 = tpu.dynamic_gather %select_n3A_277[%gather3A_285] in [0] : vector<16xi32>, vector<16xi32> -> vector<16xi32>
    %gt3A_287 = arith.cmpf ogt, %gather3A_283, %select_n3A_276 : vector<16xf32>
    %eq3A_288 = arith.cmpf oeq, %gather3A_283, %select_n3A_276 : vector<16xf32>
    %lt3A_289 = arith.cmpi slt, %gather3A_286, %select_n3A_277 : vector<16xi32>
    %and3A_290 = arith.andi %eq3A_288, %lt3A_289 : vector<16xi1>
    %or3A_291 = arith.ori %gt3A_287, %and3A_290 : vector<16xi1>
    %select_n3A_292 = arith.select %or3A_291, %gather3A_283, %select_n3A_276 : vector<16xi1>, vector<16xf32>
    %select_n3A_293 = arith.select %or3A_291, %gather3A_286, %select_n3A_277 : vector<16xi1>, vector<16xi32>
    %xor3A_294 = arith.constant 2 : i32
    %xor3A_295 = vector.broadcast %xor3A_294 : i32 to vector<16xi32>
    %xor3A_296 = arith.xori %iota3A, %xor3A_295 : vector<16xi32>
    %broadcast_in_dim3A_297 = vector.shape_cast %xor3A_296 : vector<16xi32> to vector<16x1xi32>
    %gather3A_298 = vector.shape_cast %broadcast_in_dim3A_297 : vector<16x1xi32> to vector<16xi32>
    %gather3A_299 = tpu.dynamic_gather %select_n3A_292[%gather3A_298] in [0] : vector<16xf32>, vector<16xi32> -> vector<16xf32>
    %broadcast_in_dim3A_300 = vector.shape_cast %xor3A_296 : vector<16xi32> to vector<16x1xi32>
    %gather3A_301 = vector.shape_cast %broadcast_in_dim3A_300 : vector<16x1xi32> to vector<16xi32>
    %gather3A_302 = tpu.dynamic_gather %select_n3A_293[%gather3A_301] in [0] : vector<16xi32>, vector<16xi32> -> vector<16xi32>
    %gt3A_303 = arith.cmpf ogt, %gather3A_299, %select_n3A_292 : vector<16xf32>
    %eq3A_304 = arith.cmpf oeq, %gather3A_299, %select_n3A_292 : vector<16xf32>
    %lt3A_305 = arith.cmpi slt, %gather3A_302, %select_n3A_293 : vector<16xi32>
    %and3A_306 = arith.andi %eq3A_304, %lt3A_305 : vector<16xi1>
    %or3A_307 = arith.ori %gt3A_303, %and3A_306 : vector<16xi1>
    %select_n3A_308 = arith.select %or3A_307, %gather3A_299, %select_n3A_292 : vector<16xi1>, vector<16xf32>
    %select_n3A_309 = arith.select %or3A_307, %gather3A_302, %select_n3A_293 : vector<16xi1>, vector<16xi32>
    %xor3A_310 = arith.constant 1 : i32
    %xor3A_311 = vector.broadcast %xor3A_310 : i32 to vector<16xi32>
    %xor3A_312 = arith.xori %iota3A, %xor3A_311 : vector<16xi32>
    %broadcast_in_dim3A_313 = vector.shape_cast %xor3A_312 : vector<16xi32> to vector<16x1xi32>
    %gather3A_314 = vector.shape_cast %broadcast_in_dim3A_313 : vector<16x1xi32> to vector<16xi32>
    %gather3A_315 = tpu.dynamic_gather %select_n3A_308[%gather3A_314] in [0] : vector<16xf32>, vector<16xi32> -> vector<16xf32>
    %broadcast_in_dim3A_316 = vector.shape_cast %xor3A_312 : vector<16xi32> to vector<16x1xi32>
    %gather3A_317 = vector.shape_cast %broadcast_in_dim3A_316 : vector<16x1xi32> to vector<16xi32>
    %gather3A_318 = tpu.dynamic_gather %select_n3A_309[%gather3A_317] in [0] : vector<16xi32>, vector<16xi32> -> vector<16xi32>
    %gt3A_319 = arith.cmpf ogt, %gather3A_315, %select_n3A_308 : vector<16xf32>
    %eq3A_320 = arith.cmpf oeq, %gather3A_315, %select_n3A_308 : vector<16xf32>
    %lt3A_321 = arith.cmpi slt, %gather3A_318, %select_n3A_309 : vector<16xi32>
    %and3A_322 = arith.andi %eq3A_320, %lt3A_321 : vector<16xi1>
    %or3A_323 = arith.ori %gt3A_319, %and3A_322 : vector<16xi1>
    %select_n3A_324 = arith.select %or3A_323, %gather3A_315, %select_n3A_308 : vector<16xi1>, vector<16xf32>
    %select_n3A_325 = arith.select %or3A_323, %gather3A_318, %select_n3A_309 : vector<16xi1>, vector<16xi32>
    %broadcast_in_dim3A_326 = vector.broadcast %squeeze3A : f32 to vector<16xf32>
    %broadcast_in_dim3A_327 = arith.constant 1073741824 : i32
    %broadcast_in_dim3A_328 = vector.broadcast %broadcast_in_dim3A_327 : i32 to vector<16xi32>
    %scan3A_329 = arith.constant 0 : i32
    %scan3A_330 = arith.constant 64 : i32
    %scan3A_331 = arith.addi %scan3A_329, %scan3A_330 : i32
    %scan3A_332 = arith.constant 1 : i32
    %scan3A_333:2 = scf.for %scan3A_464 = %scan3A_329 to %scan3A_331 step %scan3A_332 iter_args(%scan3A_465 = %broadcast_in_dim3A_326, %scan3A_466 = %broadcast_in_dim3A_328) -> (vector<16xf32>, vector<16xi32>)  : i32 {
      %mul3A_467 = arith.constant 16 : i32
      %mul3A_468 = arith.muli %scan3A_464, %mul3A_467 : i32
      %get3A_469 = arith.index_cast %mul3A_468 : i32 to index
      %get3A_470 = tpu.vector_load %arg5[%get3A_469] {strides = array<i32>} : memref<1024xf32, #tpu.memory_space<vmem>>, vector<16xf32>,
      %get3A_471 = vector.shape_cast %get3A_470 : vector<16xf32> to vector<16xf32>
      %mul3A_472 = arith.constant 16 : i32
      %mul3A_473 = arith.muli %scan3A_464, %mul3A_472 : i32
      %add3A_474 = arith.addi %mul3A_39, %mul3A_473 : i32
      %add3A_475 = vector.broadcast %add3A_474 : i32 to vector<16xi32>
      %add3A_476 = arith.addi %add3A_475, %iota3A : vector<16xi32>
      %eq3A_477 = arith.cmpi eq, %add3A_476, %select_n3A_106 : vector<16xi32>
      %broadcast_in_dim3A_478 = vector.broadcast %squeeze3A : f32 to vector<16xf32>
      %select_n3A_479 = arith.select %eq3A_477, %broadcast_in_dim3A_478, %get3A_471 : vector<16xi1>, vector<16xf32>
      %eq3A_480 = arith.cmpi eq, %add3A_476, %select_n3A_179 : vector<16xi32>
      %broadcast_in_dim3A_481 = vector.broadcast %squeeze3A : f32 to vector<16xf32>
      %select_n3A_482 = arith.select %eq3A_480, %broadcast_in_dim3A_481, %select_n3A_479 : vector<16xi1>, vector<16xf32>
      %eq3A_483 = arith.cmpi eq, %add3A_476, %select_n3A_252 : vector<16xi32>
      %broadcast_in_dim3A_484 = vector.broadcast %squeeze3A : f32 to vector<16xf32>
      %select_n3A_485 = arith.select %eq3A_483, %broadcast_in_dim3A_484, %select_n3A_482 : vector<16xi1>, vector<16xf32>
      %eq3A_486 = arith.cmpi eq, %add3A_476, %select_n3A_325 : vector<16xi32>
      %broadcast_in_dim3A_487 = vector.broadcast %squeeze3A : f32 to vector<16xf32>
      %select_n3A_488 = arith.select %eq3A_486, %broadcast_in_dim3A_487, %select_n3A_485 : vector<16xi1>, vector<16xf32>
      %gt3A_489 = arith.cmpf ogt, %select_n3A_488, %scan3A_465 : vector<16xf32>
      %eq3A_490 = arith.cmpf oeq, %select_n3A_488, %scan3A_465 : vector<16xf32>
      %lt3A_491 = arith.cmpi slt, %add3A_476, %scan3A_466 : vector<16xi32>
      %and3A_492 = arith.andi %eq3A_490, %lt3A_491 : vector<16xi1>
      %or3A_493 = arith.ori %gt3A_489, %and3A_492 : vector<16xi1>
      %select_n3A_494 = arith.select %or3A_493, %select_n3A_488, %scan3A_465 : vector<16xi1>, vector<16xf32>
      %select_n3A_495 = arith.select %or3A_493, %add3A_476, %scan3A_466 : vector<16xi1>, vector<16xi32>
      scf.yield %select_n3A_494, %select_n3A_495 : vector<16xf32>, vector<16xi32>
    }
    %scan3A_334 = arith.constant 64 : i32
    %xor3A_335 = arith.constant 8 : i32
    %xor3A_336 = vector.broadcast %xor3A_335 : i32 to vector<16xi32>
    %xor3A_337 = arith.xori %iota3A, %xor3A_336 : vector<16xi32>
    %broadcast_in_dim3A_338 = vector.shape_cast %xor3A_337 : vector<16xi32> to vector<16x1xi32>
    %gather3A_339 = vector.shape_cast %broadcast_in_dim3A_338 : vector<16x1xi32> to vector<16xi32>
    %gather3A_340 = tpu.dynamic_gather %scan3A_333#0[%gather3A_339] in [0] : vector<16xf32>, vector<16xi32> -> vector<16xf32>
    %broadcast_in_dim3A_341 = vector.shape_cast %xor3A_337 : vector<16xi32> to vector<16x1xi32>
    %gather3A_342 = vector.shape_cast %broadcast_in_dim3A_341 : vector<16x1xi32> to vector<16xi32>
    %gather3A_343 = tpu.dynamic_gather %scan3A_333#1[%gather3A_342] in [0] : vector<16xi32>, vector<16xi32> -> vector<16xi32>
    %gt3A_344 = arith.cmpf ogt, %gather3A_340, %scan3A_333#0 : vector<16xf32>
    %eq3A_345 = arith.cmpf oeq, %gather3A_340, %scan3A_333#0 : vector<16xf32>
    %lt3A_346 = arith.cmpi slt, %gather3A_343, %scan3A_333#1 : vector<16xi32>
    %and3A_347 = arith.andi %eq3A_345, %lt3A_346 : vector<16xi1>
    %or3A_348 = arith.ori %gt3A_344, %and3A_347 : vector<16xi1>
    %select_n3A_349 = arith.select %or3A_348, %gather3A_340, %scan3A_333#0 : vector<16xi1>, vector<16xf32>
    %select_n3A_350 = arith.select %or3A_348, %gather3A_343, %scan3A_333#1 : vector<16xi1>, vector<16xi32>
    %xor3A_351 = arith.constant 4 : i32
    %xor3A_352 = vector.broadcast %xor3A_351 : i32 to vector<16xi32>
    %xor3A_353 = arith.xori %iota3A, %xor3A_352 : vector<16xi32>
    %broadcast_in_dim3A_354 = vector.shape_cast %xor3A_353 : vector<16xi32> to vector<16x1xi32>
    %gather3A_355 = vector.shape_cast %broadcast_in_dim3A_354 : vector<16x1xi32> to vector<16xi32>
    %gather3A_356 = tpu.dynamic_gather %select_n3A_349[%gather3A_355] in [0] : vector<16xf32>, vector<16xi32> -> vector<16xf32>
    %broadcast_in_dim3A_357 = vector.shape_cast %xor3A_353 : vector<16xi32> to vector<16x1xi32>
    %gather3A_358 = vector.shape_cast %broadcast_in_dim3A_357 : vector<16x1xi32> to vector<16xi32>
    %gather3A_359 = tpu.dynamic_gather %select_n3A_350[%gather3A_358] in [0] : vector<16xi32>, vector<16xi32> -> vector<16xi32>
    %gt3A_360 = arith.cmpf ogt, %gather3A_356, %select_n3A_349 : vector<16xf32>
    %eq3A_361 = arith.cmpf oeq, %gather3A_356, %select_n3A_349 : vector<16xf32>
    %lt3A_362 = arith.cmpi slt, %gather3A_359, %select_n3A_350 : vector<16xi32>
    %and3A_363 = arith.andi %eq3A_361, %lt3A_362 : vector<16xi1>
    %or3A_364 = arith.ori %gt3A_360, %and3A_363 : vector<16xi1>
    %select_n3A_365 = arith.select %or3A_364, %gather3A_356, %select_n3A_349 : vector<16xi1>, vector<16xf32>
    %select_n3A_366 = arith.select %or3A_364, %gather3A_359, %select_n3A_350 : vector<16xi1>, vector<16xi32>
    %xor3A_367 = arith.constant 2 : i32
    %xor3A_368 = vector.broadcast %xor3A_367 : i32 to vector<16xi32>
    %xor3A_369 = arith.xori %iota3A, %xor3A_368 : vector<16xi32>
    %broadcast_in_dim3A_370 = vector.shape_cast %xor3A_369 : vector<16xi32> to vector<16x1xi32>
    %gather3A_371 = vector.shape_cast %broadcast_in_dim3A_370 : vector<16x1xi32> to vector<16xi32>
    %gather3A_372 = tpu.dynamic_gather %select_n3A_365[%gather3A_371] in [0] : vector<16xf32>, vector<16xi32> -> vector<16xf32>
    %broadcast_in_dim3A_373 = vector.shape_cast %xor3A_369 : vector<16xi32> to vector<16x1xi32>
    %gather3A_374 = vector.shape_cast %broadcast_in_dim3A_373 : vector<16x1xi32> to vector<16xi32>
    %gather3A_375 = tpu.dynamic_gather %select_n3A_366[%gather3A_374] in [0] : vector<16xi32>, vector<16xi32> -> vector<16xi32>
    %gt3A_376 = arith.cmpf ogt, %gather3A_372, %select_n3A_365 : vector<16xf32>
    %eq3A_377 = arith.cmpf oeq, %gather3A_372, %select_n3A_365 : vector<16xf32>
    %lt3A_378 = arith.cmpi slt, %gather3A_375, %select_n3A_366 : vector<16xi32>
    %and3A_379 = arith.andi %eq3A_377, %lt3A_378 : vector<16xi1>
    %or3A_380 = arith.ori %gt3A_376, %and3A_379 : vector<16xi1>
    %select_n3A_381 = arith.select %or3A_380, %gather3A_372, %select_n3A_365 : vector<16xi1>, vector<16xf32>
    %select_n3A_382 = arith.select %or3A_380, %gather3A_375, %select_n3A_366 : vector<16xi1>, vector<16xi32>
    %xor3A_383 = arith.constant 1 : i32
    %xor3A_384 = vector.broadcast %xor3A_383 : i32 to vector<16xi32>
    %xor3A_385 = arith.xori %iota3A, %xor3A_384 : vector<16xi32>
    %broadcast_in_dim3A_386 = vector.shape_cast %xor3A_385 : vector<16xi32> to vector<16x1xi32>
    %gather3A_387 = vector.shape_cast %broadcast_in_dim3A_386 : vector<16x1xi32> to vector<16xi32>
    %gather3A_388 = tpu.dynamic_gather %select_n3A_381[%gather3A_387] in [0] : vector<16xf32>, vector<16xi32> -> vector<16xf32>
    %broadcast_in_dim3A_389 = vector.shape_cast %xor3A_385 : vector<16xi32> to vector<16x1xi32>
    %gather3A_390 = vector.shape_cast %broadcast_in_dim3A_389 : vector<16x1xi32> to vector<16xi32>
    %gather3A_391 = tpu.dynamic_gather %select_n3A_382[%gather3A_390] in [0] : vector<16xi32>, vector<16xi32> -> vector<16xi32>
    %gt3A_392 = arith.cmpf ogt, %gather3A_388, %select_n3A_381 : vector<16xf32>
    %eq3A_393 = arith.cmpf oeq, %gather3A_388, %select_n3A_381 : vector<16xf32>
    %lt3A_394 = arith.cmpi slt, %gather3A_391, %select_n3A_382 : vector<16xi32>
    %and3A_395 = arith.andi %eq3A_393, %lt3A_394 : vector<16xi1>
    %or3A_396 = arith.ori %gt3A_392, %and3A_395 : vector<16xi1>
    %select_n3A_397 = arith.select %or3A_396, %gather3A_388, %select_n3A_381 : vector<16xi1>, vector<16xf32>
    %select_n3A_398 = arith.select %or3A_396, %gather3A_391, %select_n3A_382 : vector<16xi1>, vector<16xi32>
    %broadcast_in_dim3A_399 = vector.broadcast %squeeze3A : f32 to vector<16xf32>
    %broadcast_in_dim3A_400 = arith.constant 0.000000e+00 : f32
    %broadcast_in_dim3A_401 = vector.broadcast %broadcast_in_dim3A_400 : f32 to vector<16xf32>
    %eq3A_402 = arith.constant 0 : i32
    %eq3A_403 = vector.broadcast %eq3A_402 : i32 to vector<16xi32>
    %eq3A_404 = arith.cmpi eq, %iota3A, %eq3A_403 : vector<16xi32>
    %select_n3A_405 = arith.select %eq3A_404, %select_n3A_105, %broadcast_in_dim3A_399 : vector<16xi1>, vector<16xf32>
    %eq3A_406 = arith.constant 0 : i32
    %eq3A_407 = vector.broadcast %eq3A_406 : i32 to vector<16xi32>
    %eq3A_408 = arith.cmpi eq, %iota3A, %eq3A_407 : vector<16xi32>
    %convert_element_type3A = arith.sitofp %select_n3A_106 : vector<16xi32> to vector<16xf32>
    %select_n3A_409 = arith.select %eq3A_408, %convert_element_type3A, %broadcast_in_dim3A_401 : vector<16xi1>, vector<16xf32>
    %eq3A_410 = arith.constant 1 : i32
    %eq3A_411 = vector.broadcast %eq3A_410 : i32 to vector<16xi32>
    %eq3A_412 = arith.cmpi eq, %iota3A, %eq3A_411 : vector<16xi32>
    %select_n3A_413 = arith.select %eq3A_412, %select_n3A_178, %select_n3A_405 : vector<16xi1>, vector<16xf32>
    %eq3A_414 = arith.constant 1 : i32
    %eq3A_415 = vector.broadcast %eq3A_414 : i32 to vector<16xi32>
    %eq3A_416 = arith.cmpi eq, %iota3A, %eq3A_415 : vector<16xi32>
    %convert_element_type3A_417 = arith.sitofp %select_n3A_179 : vector<16xi32> to vector<16xf32>
    %select_n3A_418 = arith.select %eq3A_416, %convert_element_type3A_417, %select_n3A_409 : vector<16xi1>, vector<16xf32>
    %eq3A_419 = arith.constant 2 : i32
    %eq3A_420 = vector.broadcast %eq3A_419 : i32 to vector<16xi32>
    %eq3A_421 = arith.cmpi eq, %iota3A, %eq3A_420 : vector<16xi32>
    %select_n3A_422 = arith.select %eq3A_421, %select_n3A_251, %select_n3A_413 : vector<16xi1>, vector<16xf32>
    %eq3A_423 = arith.constant 2 : i32
    %eq3A_424 = vector.broadcast %eq3A_423 : i32 to vector<16xi32>
    %eq3A_425 = arith.cmpi eq, %iota3A, %eq3A_424 : vector<16xi32>
    %convert_element_type3A_426 = arith.sitofp %select_n3A_252 : vector<16xi32> to vector<16xf32>
    %select_n3A_427 = arith.select %eq3A_425, %convert_element_type3A_426, %select_n3A_418 : vector<16xi1>, vector<16xf32>
    %eq3A_428 = arith.constant 3 : i32
    %eq3A_429 = vector.broadcast %eq3A_428 : i32 to vector<16xi32>
    %eq3A_430 = arith.cmpi eq, %iota3A, %eq3A_429 : vector<16xi32>
    %select_n3A_431 = arith.select %eq3A_430, %select_n3A_324, %select_n3A_422 : vector<16xi1>, vector<16xf32>
    %eq3A_432 = arith.constant 3 : i32
    %eq3A_433 = vector.broadcast %eq3A_432 : i32 to vector<16xi32>
    %eq3A_434 = arith.cmpi eq, %iota3A, %eq3A_433 : vector<16xi32>
    %convert_element_type3A_435 = arith.sitofp %select_n3A_325 : vector<16xi32> to vector<16xf32>
    %select_n3A_436 = arith.select %eq3A_434, %convert_element_type3A_435, %select_n3A_427 : vector<16xi1>, vector<16xf32>
    %eq3A_437 = arith.constant 4 : i32
    %eq3A_438 = vector.broadcast %eq3A_437 : i32 to vector<16xi32>
    %eq3A_439 = arith.cmpi eq, %iota3A, %eq3A_438 : vector<16xi32>
    %select_n3A_440 = arith.select %eq3A_439, %select_n3A_397, %select_n3A_431 : vector<16xi1>, vector<16xf32>
    %eq3A_441 = arith.constant 4 : i32
    %eq3A_442 = vector.broadcast %eq3A_441 : i32 to vector<16xi32>
    %eq3A_443 = arith.cmpi eq, %iota3A, %eq3A_442 : vector<16xi32>
    %convert_element_type3A_444 = arith.sitofp %select_n3A_398 : vector<16xi32> to vector<16xf32>
    %select_n3A_445 = arith.select %eq3A_443, %convert_element_type3A_444, %select_n3A_436 : vector<16xi1>, vector<16xf32>
    %swap3A = arith.constant 0 : i32
    %swap3A_446 = arith.constant 0 : i32
    %swap3A_447 = arith.index_cast %swap3A : i32 to index
    %swap3A_448 = arith.index_cast %swap3A_446 : i32 to index
    %swap3A_449 = arith.constant 0 : index
    %swap3A_450 = tpu.vector_load %arg6[%swap3A_447, %swap3A_448, %swap3A_449] {strides = array<i32>} : memref<1x2x16xf32, #tpu.memory_space<vmem>>, vector<1x1x16xf32>,
    %swap3A_451 = vector.shape_cast %swap3A_450 : vector<1x1x16xf32> to vector<16xf32>
    %swap3A_452 = vector.shape_cast %select_n3A_440 : vector<16xf32> to vector<1x1x16xf32>
    tpu.vector_store %arg6[%swap3A_447, %swap3A_448, %swap3A_449], %swap3A_452 {strides = array<i32>} : memref<1x2x16xf32, #tpu.memory_space<vmem>>, vector<1x1x16xf32>,
    %swap3A_453 = arith.constant 0 : i32
    %swap3A_454 = arith.constant 1 : i32
    %swap3A_455 = arith.index_cast %swap3A_453 : i32 to index
    %swap3A_456 = arith.index_cast %swap3A_454 : i32 to index
    %swap3A_457 = arith.constant 0 : index
    %swap3A_458 = tpu.vector_load %arg6[%swap3A_455, %swap3A_456, %swap3A_457] {strides = array<i32>} : memref<1x2x16xf32, #tpu.memory_space<vmem>>, vector<1x1x16xf32>,
    %swap3A_459 = vector.shape_cast %swap3A_458 : vector<1x1x16xf32> to vector<16xf32>
    %swap3A_460 = vector.shape_cast %select_n3A_445 : vector<16xf32> to vector<1x1x16xf32>
    tpu.vector_store %arg6[%swap3A_455, %swap3A_456, %swap3A_457], %swap3A_460 {strides = array<i32>} : memref<1x2x16xf32, #tpu.memory_space<vmem>>, vector<1x1x16xf32>,
    %mul3A_461 = arith.constant 8 : i32
    %mul3A_462 = arith.muli %add3A, %mul3A_461 : i32
    %add3A_463 = arith.addi %mul3A_462, %select_n3A_32 : i32
    "tpu.region"() ({
      %run_scoped3A = tpu.sem_alloc : memref<!tpu.dma_semaphore, #tpu.memory_space<semaphore_mem>>
      %dma_start3A = arith.constant 0 : i32
      %dma_start3A_464 = arith.constant 0 : i32
      %dma_start3A_465 = tpu.memref_slice %arg4[%add3A_463, %dma_start3A, %dma_start3A_464] : memref<32x2x16xf32, #tpu.memory_space<hbm>> -> memref<1x2x16xf32, #tpu.memory_space<hbm>>
      %dma_start3A_466 = arith.constant 0 : i32
      %dma_start3A_467 = arith.constant 0 : i32
      %dma_start3A_468 = tpu.memref_slice %arg4[%add3A_463, %dma_start3A_466, %dma_start3A_467] : memref<32x2x16xf32, #tpu.memory_space<hbm>> -> memref<1x2x16xf32, #tpu.memory_space<hbm>>
      tpu.enqueue_dma source(%arg6 : memref<1x2x16xf32, #tpu.memory_space<vmem>>) target(%dma_start3A_468 : memref<1x2x16xf32, #tpu.memory_space<hbm>>) target_semaphore(%run_scoped3A : memref<!tpu.dma_semaphore, #tpu.memory_space<semaphore_mem>>)
      %dma_wait3A = arith.constant 0 : i32
      %dma_wait3A_469 = arith.constant 0 : i32
      %dma_wait3A_470 = tpu.memref_slice %arg4[%add3A_463, %dma_wait3A, %dma_wait3A_469] : memref<32x2x16xf32, #tpu.memory_space<hbm>> -> memref<1x2x16xf32, #tpu.memory_space<hbm>>
      %dma_wait3A_471 = arith.constant 0 : i32
      %dma_wait3A_472 = arith.constant 0 : i32
      %dma_wait3A_473 = tpu.memref_slice %arg4[%add3A_463, %dma_wait3A_471, %dma_wait3A_472] : memref<32x2x16xf32, #tpu.memory_space<hbm>> -> memref<1x2x16xf32, #tpu.memory_space<hbm>>
      tpu.wait_dma2 semaphore(%run_scoped3A : memref<!tpu.dma_semaphore, #tpu.memory_space<semaphore_mem>>) src(%arg6 : memref<1x2x16xf32, #tpu.memory_space<vmem>>) dst(%dma_wait3A_473 : memref<1x2x16xf32, #tpu.memory_space<hbm>>)
      tpu.yield
    }) : () -> ()
    return
  }
}

#map = affine_map<(d0, d1) -> (0, 0, 0)>
#map1 = affine_map<(d0, d1) -> (0, 0)>
#map2 = affine_map<(d0, d1) -> (0)>
module attributes {stable_mosaic.version = 14 : i64} {
  func.func @_rewritten_body(%arg0: i32, %arg1: i32, %arg2: memref<32x2x16xf32, #tpu.memory_space<hbm>>, %arg3: memref<8192x1024xf32, #tpu.memory_space<hbm>>, %arg4: memref<1xf32, #tpu.memory_space<hbm>>, %arg5: memref<4x1024xf32, #tpu.memory_space<hbm>>, %arg6: memref<1024xf32, #tpu.memory_space<vmem>>, %arg7: memref<8x2x16xf32, #tpu.memory_space<vmem>>, %arg8: memref<5x1024xf32, #tpu.memory_space<vmem>>) attributes {dimension_semantics = [#tpu.dimension_semantics<core_parallel>, #tpu.dimension_semantics<subcore_parallel>], iteration_bounds = array<i64: 2, 16>, scalar_prefetch = 0 : i64, scratch_operands = 3 : i64, tpu.core_type = #tpu.core_type<sc_vector_subcore>, window_params = [{transform_indices = #map}, {transform_indices = #map1}, {transform_indices = #map2}, {transform_indices = #map1}]} {
    %empty_ref3A = memref.alloca() : memref<16xf32, #tpu.memory_space<vmem>>
    "tpu.region"() ({
      %run_scoped3A = tpu.sem_alloc : memref<!tpu.dma_semaphore, #tpu.memory_space<semaphore_mem>>
      %dma_start3A = arith.constant 0 : i32
      %dma_start3A_5 = tpu.memref_slice %empty_ref3A[%dma_start3A] : memref<16xf32, #tpu.memory_space<vmem>> -> memref<1xf32, #tpu.memory_space<vmem>>
      %dma_start3A_6 = arith.constant 0 : i32
      %dma_start3A_7 = tpu.memref_slice %empty_ref3A[%dma_start3A_6] : memref<16xf32, #tpu.memory_space<vmem>> -> memref<1xf32, #tpu.memory_space<vmem>>
      tpu.enqueue_dma source(%arg4 : memref<1xf32, #tpu.memory_space<hbm>>) target(%dma_start3A_7 : memref<1xf32, #tpu.memory_space<vmem>>) target_semaphore(%run_scoped3A : memref<!tpu.dma_semaphore, #tpu.memory_space<semaphore_mem>>)
      %dma_wait3A = arith.constant 0 : i32
      %dma_wait3A_8 = tpu.memref_slice %empty_ref3A[%dma_wait3A] : memref<16xf32, #tpu.memory_space<vmem>> -> memref<1xf32, #tpu.memory_space<vmem>>
      %dma_wait3A_9 = arith.constant 0 : i32
      %dma_wait3A_10 = tpu.memref_slice %empty_ref3A[%dma_wait3A_9] : memref<16xf32, #tpu.memory_space<vmem>> -> memref<1xf32, #tpu.memory_space<vmem>>
      tpu.wait_dma2 semaphore(%run_scoped3A : memref<!tpu.dma_semaphore, #tpu.memory_space<semaphore_mem>>) src(%arg4 : memref<1xf32, #tpu.memory_space<hbm>>) dst(%dma_wait3A_10 : memref<1xf32, #tpu.memory_space<vmem>>)
      tpu.yield
    }) : () -> ()
    %get3A = arith.constant 0 : index
    %get3A_0 = tpu.vector_load %empty_ref3A[%get3A] {strides = array<i32>} : memref<16xf32, #tpu.memory_space<vmem>>, vector<16xf32>,
    %get3A_1 = vector.shape_cast %get3A_0 : vector<16xf32> to vector<16xf32>
    %slice3A = vector.extract_strided_slice %get3A_1 {offsets = [0], sizes = [1], strides = [1]} : vector<16xf32> to vector<1xf32>
    %squeeze3A = vector.extract %slice3A[0] : f32 from vector<1xf32>
    %eq3A = arith.constant 0 : i32
    %eq3A_2 = arith.cmpi eq, %arg0, %eq3A : i32
    %lt3A = arith.constant 4 : i32
    %lt3A_3 = arith.cmpi slt, %arg1, %lt3A : i32
    %and3A = arith.andi %eq3A_2, %lt3A_3 : i1
    %convert_element_type3A = arith.extui %and3A : i1 to i32
    %cond3A = arith.constant 0 : i32
    %cond3A_4 = arith.cmpi ne, %convert_element_type3A, %cond3A : i32
    scf.if %cond3A_4 {
      %iota3A = tpu.iota {dimensions = array<i32: 0>} : vector<16xi32>
      %mul3A = arith.constant 8 : i32
      %mul3A_5 = arith.muli %arg1, %mul3A : i32
      "tpu.region"() ({
        %run_scoped3A = tpu.sem_alloc : memref<!tpu.dma_semaphore, #tpu.memory_space<semaphore_mem>>
        %dma_start3A = arith.constant 0 : i32
        %dma_start3A_1451 = arith.constant 0 : i32
        %dma_start3A_1452 = tpu.memref_slice %arg2[%mul3A_5, %dma_start3A, %dma_start3A_1451] : memref<32x2x16xf32, #tpu.memory_space<hbm>> -> memref<8x2x16xf32, #tpu.memory_space<hbm>>
        %dma_start3A_1453 = arith.constant 0 : i32
        %dma_start3A_1454 = arith.constant 0 : i32
        %dma_start3A_1455 = tpu.memref_slice %arg2[%mul3A_5, %dma_start3A_1453, %dma_start3A_1454] : memref<32x2x16xf32, #tpu.memory_space<hbm>> -> memref<8x2x16xf32, #tpu.memory_space<hbm>>
        tpu.enqueue_dma source(%dma_start3A_1455 : memref<8x2x16xf32, #tpu.memory_space<hbm>>) target(%arg7 : memref<8x2x16xf32, #tpu.memory_space<vmem>>) target_semaphore(%run_scoped3A : memref<!tpu.dma_semaphore, #tpu.memory_space<semaphore_mem>>)
        %dma_wait3A = arith.constant 0 : i32
        %dma_wait3A_1456 = arith.constant 0 : i32
        %dma_wait3A_1457 = tpu.memref_slice %arg2[%mul3A_5, %dma_wait3A, %dma_wait3A_1456] : memref<32x2x16xf32, #tpu.memory_space<hbm>> -> memref<8x2x16xf32, #tpu.memory_space<hbm>>
        %dma_wait3A_1458 = arith.constant 0 : i32
        %dma_wait3A_1459 = arith.constant 0 : i32
        %dma_wait3A_1460 = tpu.memref_slice %arg2[%mul3A_5, %dma_wait3A_1458, %dma_wait3A_1459] : memref<32x2x16xf32, #tpu.memory_space<hbm>> -> memref<8x2x16xf32, #tpu.memory_space<hbm>>
        tpu.wait_dma2 semaphore(%run_scoped3A : memref<!tpu.dma_semaphore, #tpu.memory_space<semaphore_mem>>) src(%dma_wait3A_1460 : memref<8x2x16xf32, #tpu.memory_space<hbm>>) dst(%arg7 : memref<8x2x16xf32, #tpu.memory_space<vmem>>)
        tpu.yield
      }) : () -> ()
      %broadcast_in_dim3A = vector.broadcast %squeeze3A : f32 to vector<16xf32>
      %broadcast_in_dim3A_6 = arith.constant 1073741824 : i32
      %broadcast_in_dim3A_7 = vector.broadcast %broadcast_in_dim3A_6 : i32 to vector<16xi32>
      %scan3A = arith.constant 0 : i32
      %get3A_8 = arith.constant 0 : i32
      %get3A_9 = arith.index_cast %scan3A : i32 to index
      %get3A_10 = arith.index_cast %get3A_8 : i32 to index
      %get3A_11 = arith.constant 0 : index
      %get3A_12 = tpu.vector_load %arg7[%get3A_9, %get3A_10, %get3A_11] {strides = array<i32>} : memref<8x2x16xf32, #tpu.memory_space<vmem>>, vector<1x1x16xf32>,
      %get3A_13 = vector.shape_cast %get3A_12 : vector<1x1x16xf32> to vector<16xf32>
      %get3A_14 = arith.constant 1 : i32
      %get3A_15 = arith.index_cast %scan3A : i32 to index
      %get3A_16 = arith.index_cast %get3A_14 : i32 to index
      %get3A_17 = arith.constant 0 : index
      %get3A_18 = tpu.vector_load %arg7[%get3A_15, %get3A_16, %get3A_17] {strides = array<i32>} : memref<8x2x16xf32, #tpu.memory_space<vmem>>, vector<1x1x16xf32>,
      %get3A_19 = vector.shape_cast %get3A_18 : vector<1x1x16xf32> to vector<16xf32>
      %convert_element_type3A_20 = arith.fptosi %get3A_19 : vector<16xf32> to vector<16xi32>
      %gt3A = arith.cmpf ogt, %get3A_13, %broadcast_in_dim3A : vector<16xf32>
      %eq3A_21 = arith.cmpf oeq, %get3A_13, %broadcast_in_dim3A : vector<16xf32>
      %lt3A_22 = arith.cmpi slt, %convert_element_type3A_20, %broadcast_in_dim3A_7 : vector<16xi32>
      %and3A_23 = arith.andi %eq3A_21, %lt3A_22 : vector<16xi1>
      %or3A = arith.ori %gt3A, %and3A_23 : vector<16xi1>
      %select_n3A = arith.select %or3A, %get3A_13, %broadcast_in_dim3A : vector<16xi1>, vector<16xf32>
      %select_n3A_24 = arith.select %or3A, %convert_element_type3A_20, %broadcast_in_dim3A_7 : vector<16xi1>, vector<16xi32>
      %scan3A_25 = arith.constant 1 : i32
      %get3A_26 = arith.constant 0 : i32
      %get3A_27 = arith.index_cast %scan3A_25 : i32 to index
      %get3A_28 = arith.index_cast %get3A_26 : i32 to index
      %get3A_29 = arith.constant 0 : index
      %get3A_30 = tpu.vector_load %arg7[%get3A_27, %get3A_28, %get3A_29] {strides = array<i32>} : memref<8x2x16xf32, #tpu.memory_space<vmem>>, vector<1x1x16xf32>,
      %get3A_31 = vector.shape_cast %get3A_30 : vector<1x1x16xf32> to vector<16xf32>
      %get3A_32 = arith.constant 1 : i32
      %get3A_33 = arith.index_cast %scan3A_25 : i32 to index
      %get3A_34 = arith.index_cast %get3A_32 : i32 to index
      %get3A_35 = arith.constant 0 : index
      %get3A_36 = tpu.vector_load %arg7[%get3A_33, %get3A_34, %get3A_35] {strides = array<i32>} : memref<8x2x16xf32, #tpu.memory_space<vmem>>, vector<1x1x16xf32>,
      %get3A_37 = vector.shape_cast %get3A_36 : vector<1x1x16xf32> to vector<16xf32>
      %convert_element_type3A_38 = arith.fptosi %get3A_37 : vector<16xf32> to vector<16xi32>
      %gt3A_39 = arith.cmpf ogt, %get3A_31, %select_n3A : vector<16xf32>
      %eq3A_40 = arith.cmpf oeq, %get3A_31, %select_n3A : vector<16xf32>
      %lt3A_41 = arith.cmpi slt, %convert_element_type3A_38, %select_n3A_24 : vector<16xi32>
      %and3A_42 = arith.andi %eq3A_40, %lt3A_41 : vector<16xi1>
      %or3A_43 = arith.ori %gt3A_39, %and3A_42 : vector<16xi1>
      %select_n3A_44 = arith.select %or3A_43, %get3A_31, %select_n3A : vector<16xi1>, vector<16xf32>
      %select_n3A_45 = arith.select %or3A_43, %convert_element_type3A_38, %select_n3A_24 : vector<16xi1>, vector<16xi32>
      %scan3A_46 = arith.constant 2 : i32
      %get3A_47 = arith.constant 0 : i32
      %get3A_48 = arith.index_cast %scan3A_46 : i32 to index
      %get3A_49 = arith.index_cast %get3A_47 : i32 to index
      %get3A_50 = arith.constant 0 : index
      %get3A_51 = tpu.vector_load %arg7[%get3A_48, %get3A_49, %get3A_50] {strides = array<i32>} : memref<8x2x16xf32, #tpu.memory_space<vmem>>, vector<1x1x16xf32>,
      %get3A_52 = vector.shape_cast %get3A_51 : vector<1x1x16xf32> to vector<16xf32>
      %get3A_53 = arith.constant 1 : i32
      %get3A_54 = arith.index_cast %scan3A_46 : i32 to index
      %get3A_55 = arith.index_cast %get3A_53 : i32 to index
      %get3A_56 = arith.constant 0 : index
      %get3A_57 = tpu.vector_load %arg7[%get3A_54, %get3A_55, %get3A_56] {strides = array<i32>} : memref<8x2x16xf32, #tpu.memory_space<vmem>>, vector<1x1x16xf32>,
      %get3A_58 = vector.shape_cast %get3A_57 : vector<1x1x16xf32> to vector<16xf32>
      %convert_element_type3A_59 = arith.fptosi %get3A_58 : vector<16xf32> to vector<16xi32>
      %gt3A_60 = arith.cmpf ogt, %get3A_52, %select_n3A_44 : vector<16xf32>
      %eq3A_61 = arith.cmpf oeq, %get3A_52, %select_n3A_44 : vector<16xf32>
      %lt3A_62 = arith.cmpi slt, %convert_element_type3A_59, %select_n3A_45 : vector<16xi32>
      %and3A_63 = arith.andi %eq3A_61, %lt3A_62 : vector<16xi1>
      %or3A_64 = arith.ori %gt3A_60, %and3A_63 : vector<16xi1>
      %select_n3A_65 = arith.select %or3A_64, %get3A_52, %select_n3A_44 : vector<16xi1>, vector<16xf32>
      %select_n3A_66 = arith.select %or3A_64, %convert_element_type3A_59, %select_n3A_45 : vector<16xi1>, vector<16xi32>
      %scan3A_67 = arith.constant 3 : i32
      %get3A_68 = arith.constant 0 : i32
      %get3A_69 = arith.index_cast %scan3A_67 : i32 to index
      %get3A_70 = arith.index_cast %get3A_68 : i32 to index
      %get3A_71 = arith.constant 0 : index
      %get3A_72 = tpu.vector_load %arg7[%get3A_69, %get3A_70, %get3A_71] {strides = array<i32>} : memref<8x2x16xf32, #tpu.memory_space<vmem>>, vector<1x1x16xf32>,
      %get3A_73 = vector.shape_cast %get3A_72 : vector<1x1x16xf32> to vector<16xf32>
      %get3A_74 = arith.constant 1 : i32
      %get3A_75 = arith.index_cast %scan3A_67 : i32 to index
      %get3A_76 = arith.index_cast %get3A_74 : i32 to index
      %get3A_77 = arith.constant 0 : index
      %get3A_78 = tpu.vector_load %arg7[%get3A_75, %get3A_76, %get3A_77] {strides = array<i32>} : memref<8x2x16xf32, #tpu.memory_space<vmem>>, vector<1x1x16xf32>,
      %get3A_79 = vector.shape_cast %get3A_78 : vector<1x1x16xf32> to vector<16xf32>
      %convert_element_type3A_80 = arith.fptosi %get3A_79 : vector<16xf32> to vector<16xi32>
      %gt3A_81 = arith.cmpf ogt, %get3A_73, %select_n3A_65 : vector<16xf32>
      %eq3A_82 = arith.cmpf oeq, %get3A_73, %select_n3A_65 : vector<16xf32>
      %lt3A_83 = arith.cmpi slt, %convert_element_type3A_80, %select_n3A_66 : vector<16xi32>
      %and3A_84 = arith.andi %eq3A_82, %lt3A_83 : vector<16xi1>
      %or3A_85 = arith.ori %gt3A_81, %and3A_84 : vector<16xi1>
      %select_n3A_86 = arith.select %or3A_85, %get3A_73, %select_n3A_65 : vector<16xi1>, vector<16xf32>
      %select_n3A_87 = arith.select %or3A_85, %convert_element_type3A_80, %select_n3A_66 : vector<16xi1>, vector<16xi32>
      %scan3A_88 = arith.constant 4 : i32
      %get3A_89 = arith.constant 0 : i32
      %get3A_90 = arith.index_cast %scan3A_88 : i32 to index
      %get3A_91 = arith.index_cast %get3A_89 : i32 to index
      %get3A_92 = arith.constant 0 : index
      %get3A_93 = tpu.vector_load %arg7[%get3A_90, %get3A_91, %get3A_92] {strides = array<i32>} : memref<8x2x16xf32, #tpu.memory_space<vmem>>, vector<1x1x16xf32>,
      %get3A_94 = vector.shape_cast %get3A_93 : vector<1x1x16xf32> to vector<16xf32>
      %get3A_95 = arith.constant 1 : i32
      %get3A_96 = arith.index_cast %scan3A_88 : i32 to index
      %get3A_97 = arith.index_cast %get3A_95 : i32 to index
      %get3A_98 = arith.constant 0 : index
      %get3A_99 = tpu.vector_load %arg7[%get3A_96, %get3A_97, %get3A_98] {strides = array<i32>} : memref<8x2x16xf32, #tpu.memory_space<vmem>>, vector<1x1x16xf32>,
      %get3A_100 = vector.shape_cast %get3A_99 : vector<1x1x16xf32> to vector<16xf32>
      %convert_element_type3A_101 = arith.fptosi %get3A_100 : vector<16xf32> to vector<16xi32>
      %gt3A_102 = arith.cmpf ogt, %get3A_94, %select_n3A_86 : vector<16xf32>
      %eq3A_103 = arith.cmpf oeq, %get3A_94, %select_n3A_86 : vector<16xf32>
      %lt3A_104 = arith.cmpi slt, %convert_element_type3A_101, %select_n3A_87 : vector<16xi32>
      %and3A_105 = arith.andi %eq3A_103, %lt3A_104 : vector<16xi1>
      %or3A_106 = arith.ori %gt3A_102, %and3A_105 : vector<16xi1>
      %select_n3A_107 = arith.select %or3A_106, %get3A_94, %select_n3A_86 : vector<16xi1>, vector<16xf32>
      %select_n3A_108 = arith.select %or3A_106, %convert_element_type3A_101, %select_n3A_87 : vector<16xi1>, vector<16xi32>
      %scan3A_109 = arith.constant 5 : i32
      %get3A_110 = arith.constant 0 : i32
      %get3A_111 = arith.index_cast %scan3A_109 : i32 to index
      %get3A_112 = arith.index_cast %get3A_110 : i32 to index
      %get3A_113 = arith.constant 0 : index
      %get3A_114 = tpu.vector_load %arg7[%get3A_111, %get3A_112, %get3A_113] {strides = array<i32>} : memref<8x2x16xf32, #tpu.memory_space<vmem>>, vector<1x1x16xf32>,
      %get3A_115 = vector.shape_cast %get3A_114 : vector<1x1x16xf32> to vector<16xf32>
      %get3A_116 = arith.constant 1 : i32
      %get3A_117 = arith.index_cast %scan3A_109 : i32 to index
      %get3A_118 = arith.index_cast %get3A_116 : i32 to index
      %get3A_119 = arith.constant 0 : index
      %get3A_120 = tpu.vector_load %arg7[%get3A_117, %get3A_118, %get3A_119] {strides = array<i32>} : memref<8x2x16xf32, #tpu.memory_space<vmem>>, vector<1x1x16xf32>,
      %get3A_121 = vector.shape_cast %get3A_120 : vector<1x1x16xf32> to vector<16xf32>
      %convert_element_type3A_122 = arith.fptosi %get3A_121 : vector<16xf32> to vector<16xi32>
      %gt3A_123 = arith.cmpf ogt, %get3A_115, %select_n3A_107 : vector<16xf32>
      %eq3A_124 = arith.cmpf oeq, %get3A_115, %select_n3A_107 : vector<16xf32>
      %lt3A_125 = arith.cmpi slt, %convert_element_type3A_122, %select_n3A_108 : vector<16xi32>
      %and3A_126 = arith.andi %eq3A_124, %lt3A_125 : vector<16xi1>
      %or3A_127 = arith.ori %gt3A_123, %and3A_126 : vector<16xi1>
      %select_n3A_128 = arith.select %or3A_127, %get3A_115, %select_n3A_107 : vector<16xi1>, vector<16xf32>
      %select_n3A_129 = arith.select %or3A_127, %convert_element_type3A_122, %select_n3A_108 : vector<16xi1>, vector<16xi32>
      %scan3A_130 = arith.constant 6 : i32
      %get3A_131 = arith.constant 0 : i32
      %get3A_132 = arith.index_cast %scan3A_130 : i32 to index
      %get3A_133 = arith.index_cast %get3A_131 : i32 to index
      %get3A_134 = arith.constant 0 : index
      %get3A_135 = tpu.vector_load %arg7[%get3A_132, %get3A_133, %get3A_134] {strides = array<i32>} : memref<8x2x16xf32, #tpu.memory_space<vmem>>, vector<1x1x16xf32>,
      %get3A_136 = vector.shape_cast %get3A_135 : vector<1x1x16xf32> to vector<16xf32>
      %get3A_137 = arith.constant 1 : i32
      %get3A_138 = arith.index_cast %scan3A_130 : i32 to index
      %get3A_139 = arith.index_cast %get3A_137 : i32 to index
      %get3A_140 = arith.constant 0 : index
      %get3A_141 = tpu.vector_load %arg7[%get3A_138, %get3A_139, %get3A_140] {strides = array<i32>} : memref<8x2x16xf32, #tpu.memory_space<vmem>>, vector<1x1x16xf32>,
      %get3A_142 = vector.shape_cast %get3A_141 : vector<1x1x16xf32> to vector<16xf32>
      %convert_element_type3A_143 = arith.fptosi %get3A_142 : vector<16xf32> to vector<16xi32>
      %gt3A_144 = arith.cmpf ogt, %get3A_136, %select_n3A_128 : vector<16xf32>
      %eq3A_145 = arith.cmpf oeq, %get3A_136, %select_n3A_128 : vector<16xf32>
      %lt3A_146 = arith.cmpi slt, %convert_element_type3A_143, %select_n3A_129 : vector<16xi32>
      %and3A_147 = arith.andi %eq3A_145, %lt3A_146 : vector<16xi1>
      %or3A_148 = arith.ori %gt3A_144, %and3A_147 : vector<16xi1>
      %select_n3A_149 = arith.select %or3A_148, %get3A_136, %select_n3A_128 : vector<16xi1>, vector<16xf32>
      %select_n3A_150 = arith.select %or3A_148, %convert_element_type3A_143, %select_n3A_129 : vector<16xi1>, vector<16xi32>
      %scan3A_151 = arith.constant 7 : i32
      %get3A_152 = arith.constant 0 : i32
      %get3A_153 = arith.index_cast %scan3A_151 : i32 to index
      %get3A_154 = arith.index_cast %get3A_152 : i32 to index
      %get3A_155 = arith.constant 0 : index
      %get3A_156 = tpu.vector_load %arg7[%get3A_153, %get3A_154, %get3A_155] {strides = array<i32>} : memref<8x2x16xf32, #tpu.memory_space<vmem>>, vector<1x1x16xf32>,
      %get3A_157 = vector.shape_cast %get3A_156 : vector<1x1x16xf32> to vector<16xf32>
      %get3A_158 = arith.constant 1 : i32
      %get3A_159 = arith.index_cast %scan3A_151 : i32 to index
      %get3A_160 = arith.index_cast %get3A_158 : i32 to index
      %get3A_161 = arith.constant 0 : index
      %get3A_162 = tpu.vector_load %arg7[%get3A_159, %get3A_160, %get3A_161] {strides = array<i32>} : memref<8x2x16xf32, #tpu.memory_space<vmem>>, vector<1x1x16xf32>,
      %get3A_163 = vector.shape_cast %get3A_162 : vector<1x1x16xf32> to vector<16xf32>
      %convert_element_type3A_164 = arith.fptosi %get3A_163 : vector<16xf32> to vector<16xi32>
      %gt3A_165 = arith.cmpf ogt, %get3A_157, %select_n3A_149 : vector<16xf32>
      %eq3A_166 = arith.cmpf oeq, %get3A_157, %select_n3A_149 : vector<16xf32>
      %lt3A_167 = arith.cmpi slt, %convert_element_type3A_164, %select_n3A_150 : vector<16xi32>
      %and3A_168 = arith.andi %eq3A_166, %lt3A_167 : vector<16xi1>
      %or3A_169 = arith.ori %gt3A_165, %and3A_168 : vector<16xi1>
      %select_n3A_170 = arith.select %or3A_169, %get3A_157, %select_n3A_149 : vector<16xi1>, vector<16xf32>
      %select_n3A_171 = arith.select %or3A_169, %convert_element_type3A_164, %select_n3A_150 : vector<16xi1>, vector<16xi32>
      %scan3A_172 = arith.constant 8 : i32
      %xor3A = arith.constant 8 : i32
      %xor3A_173 = vector.broadcast %xor3A : i32 to vector<16xi32>
      %xor3A_174 = arith.xori %iota3A, %xor3A_173 : vector<16xi32>
      %broadcast_in_dim3A_175 = vector.shape_cast %xor3A_174 : vector<16xi32> to vector<16x1xi32>
      %gather3A = vector.shape_cast %broadcast_in_dim3A_175 : vector<16x1xi32> to vector<16xi32>
      %gather3A_176 = tpu.dynamic_gather %select_n3A_170[%gather3A] in [0] : vector<16xf32>, vector<16xi32> -> vector<16xf32>
      %broadcast_in_dim3A_177 = vector.shape_cast %xor3A_174 : vector<16xi32> to vector<16x1xi32>
      %gather3A_178 = vector.shape_cast %broadcast_in_dim3A_177 : vector<16x1xi32> to vector<16xi32>
      %gather3A_179 = tpu.dynamic_gather %select_n3A_171[%gather3A_178] in [0] : vector<16xi32>, vector<16xi32> -> vector<16xi32>
      %gt3A_180 = arith.cmpf ogt, %gather3A_176, %select_n3A_170 : vector<16xf32>
      %eq3A_181 = arith.cmpf oeq, %gather3A_176, %select_n3A_170 : vector<16xf32>
      %lt3A_182 = arith.cmpi slt, %gather3A_179, %select_n3A_171 : vector<16xi32>
      %and3A_183 = arith.andi %eq3A_181, %lt3A_182 : vector<16xi1>
      %or3A_184 = arith.ori %gt3A_180, %and3A_183 : vector<16xi1>
      %select_n3A_185 = arith.select %or3A_184, %gather3A_176, %select_n3A_170 : vector<16xi1>, vector<16xf32>
      %select_n3A_186 = arith.select %or3A_184, %gather3A_179, %select_n3A_171 : vector<16xi1>, vector<16xi32>
      %xor3A_187 = arith.constant 4 : i32
      %xor3A_188 = vector.broadcast %xor3A_187 : i32 to vector<16xi32>
      %xor3A_189 = arith.xori %iota3A, %xor3A_188 : vector<16xi32>
      %broadcast_in_dim3A_190 = vector.shape_cast %xor3A_189 : vector<16xi32> to vector<16x1xi32>
      %gather3A_191 = vector.shape_cast %broadcast_in_dim3A_190 : vector<16x1xi32> to vector<16xi32>
      %gather3A_192 = tpu.dynamic_gather %select_n3A_185[%gather3A_191] in [0] : vector<16xf32>, vector<16xi32> -> vector<16xf32>
      %broadcast_in_dim3A_193 = vector.shape_cast %xor3A_189 : vector<16xi32> to vector<16x1xi32>
      %gather3A_194 = vector.shape_cast %broadcast_in_dim3A_193 : vector<16x1xi32> to vector<16xi32>
      %gather3A_195 = tpu.dynamic_gather %select_n3A_186[%gather3A_194] in [0] : vector<16xi32>, vector<16xi32> -> vector<16xi32>
      %gt3A_196 = arith.cmpf ogt, %gather3A_192, %select_n3A_185 : vector<16xf32>
      %eq3A_197 = arith.cmpf oeq, %gather3A_192, %select_n3A_185 : vector<16xf32>
      %lt3A_198 = arith.cmpi slt, %gather3A_195, %select_n3A_186 : vector<16xi32>
      %and3A_199 = arith.andi %eq3A_197, %lt3A_198 : vector<16xi1>
      %or3A_200 = arith.ori %gt3A_196, %and3A_199 : vector<16xi1>
      %select_n3A_201 = arith.select %or3A_200, %gather3A_192, %select_n3A_185 : vector<16xi1>, vector<16xf32>
      %select_n3A_202 = arith.select %or3A_200, %gather3A_195, %select_n3A_186 : vector<16xi1>, vector<16xi32>
      %xor3A_203 = arith.constant 2 : i32
      %xor3A_204 = vector.broadcast %xor3A_203 : i32 to vector<16xi32>
      %xor3A_205 = arith.xori %iota3A, %xor3A_204 : vector<16xi32>
      %broadcast_in_dim3A_206 = vector.shape_cast %xor3A_205 : vector<16xi32> to vector<16x1xi32>
      %gather3A_207 = vector.shape_cast %broadcast_in_dim3A_206 : vector<16x1xi32> to vector<16xi32>
      %gather3A_208 = tpu.dynamic_gather %select_n3A_201[%gather3A_207] in [0] : vector<16xf32>, vector<16xi32> -> vector<16xf32>
      %broadcast_in_dim3A_209 = vector.shape_cast %xor3A_205 : vector<16xi32> to vector<16x1xi32>
      %gather3A_210 = vector.shape_cast %broadcast_in_dim3A_209 : vector<16x1xi32> to vector<16xi32>
      %gather3A_211 = tpu.dynamic_gather %select_n3A_202[%gather3A_210] in [0] : vector<16xi32>, vector<16xi32> -> vector<16xi32>
      %gt3A_212 = arith.cmpf ogt, %gather3A_208, %select_n3A_201 : vector<16xf32>
      %eq3A_213 = arith.cmpf oeq, %gather3A_208, %select_n3A_201 : vector<16xf32>
      %lt3A_214 = arith.cmpi slt, %gather3A_211, %select_n3A_202 : vector<16xi32>
      %and3A_215 = arith.andi %eq3A_213, %lt3A_214 : vector<16xi1>
      %or3A_216 = arith.ori %gt3A_212, %and3A_215 : vector<16xi1>
      %select_n3A_217 = arith.select %or3A_216, %gather3A_208, %select_n3A_201 : vector<16xi1>, vector<16xf32>
      %select_n3A_218 = arith.select %or3A_216, %gather3A_211, %select_n3A_202 : vector<16xi1>, vector<16xi32>
      %xor3A_219 = arith.constant 1 : i32
      %xor3A_220 = vector.broadcast %xor3A_219 : i32 to vector<16xi32>
      %xor3A_221 = arith.xori %iota3A, %xor3A_220 : vector<16xi32>
      %broadcast_in_dim3A_222 = vector.shape_cast %xor3A_221 : vector<16xi32> to vector<16x1xi32>
      %gather3A_223 = vector.shape_cast %broadcast_in_dim3A_222 : vector<16x1xi32> to vector<16xi32>
      %gather3A_224 = tpu.dynamic_gather %select_n3A_217[%gather3A_223] in [0] : vector<16xf32>, vector<16xi32> -> vector<16xf32>
      %broadcast_in_dim3A_225 = vector.shape_cast %xor3A_221 : vector<16xi32> to vector<16x1xi32>
      %gather3A_226 = vector.shape_cast %broadcast_in_dim3A_225 : vector<16x1xi32> to vector<16xi32>
      %gather3A_227 = tpu.dynamic_gather %select_n3A_218[%gather3A_226] in [0] : vector<16xi32>, vector<16xi32> -> vector<16xi32>
      %gt3A_228 = arith.cmpf ogt, %gather3A_224, %select_n3A_217 : vector<16xf32>
      %eq3A_229 = arith.cmpf oeq, %gather3A_224, %select_n3A_217 : vector<16xf32>
      %lt3A_230 = arith.cmpi slt, %gather3A_227, %select_n3A_218 : vector<16xi32>
      %and3A_231 = arith.andi %eq3A_229, %lt3A_230 : vector<16xi1>
      %or3A_232 = arith.ori %gt3A_228, %and3A_231 : vector<16xi1>
      %select_n3A_233 = arith.select %or3A_232, %gather3A_224, %select_n3A_217 : vector<16xi1>, vector<16xf32>
      %select_n3A_234 = arith.select %or3A_232, %gather3A_227, %select_n3A_218 : vector<16xi1>, vector<16xi32>
      %broadcast_in_dim3A_235 = vector.broadcast %squeeze3A : f32 to vector<16xf32>
      %broadcast_in_dim3A_236 = arith.constant 1073741824 : i32
      %broadcast_in_dim3A_237 = vector.broadcast %broadcast_in_dim3A_236 : i32 to vector<16xi32>
      %scan3A_238 = arith.constant 0 : i32
      %get3A_239 = arith.constant 0 : i32
      %get3A_240 = arith.index_cast %scan3A_238 : i32 to index
      %get3A_241 = arith.index_cast %get3A_239 : i32 to index
      %get3A_242 = arith.constant 0 : index
      %get3A_243 = tpu.vector_load %arg7[%get3A_240, %get3A_241, %get3A_242] {strides = array<i32>} : memref<8x2x16xf32, #tpu.memory_space<vmem>>, vector<1x1x16xf32>,
      %get3A_244 = vector.shape_cast %get3A_243 : vector<1x1x16xf32> to vector<16xf32>
      %get3A_245 = arith.constant 1 : i32
      %get3A_246 = arith.index_cast %scan3A_238 : i32 to index
      %get3A_247 = arith.index_cast %get3A_245 : i32 to index
      %get3A_248 = arith.constant 0 : index
      %get3A_249 = tpu.vector_load %arg7[%get3A_246, %get3A_247, %get3A_248] {strides = array<i32>} : memref<8x2x16xf32, #tpu.memory_space<vmem>>, vector<1x1x16xf32>,
      %get3A_250 = vector.shape_cast %get3A_249 : vector<1x1x16xf32> to vector<16xf32>
      %convert_element_type3A_251 = arith.fptosi %get3A_250 : vector<16xf32> to vector<16xi32>
      %eq3A_252 = arith.cmpi eq, %convert_element_type3A_251, %select_n3A_234 : vector<16xi32>
      %broadcast_in_dim3A_253 = vector.broadcast %squeeze3A : f32 to vector<16xf32>
      %select_n3A_254 = arith.select %eq3A_252, %broadcast_in_dim3A_253, %get3A_244 : vector<16xi1>, vector<16xf32>
      %gt3A_255 = arith.cmpf ogt, %select_n3A_254, %broadcast_in_dim3A_235 : vector<16xf32>
      %eq3A_256 = arith.cmpf oeq, %select_n3A_254, %broadcast_in_dim3A_235 : vector<16xf32>
      %lt3A_257 = arith.cmpi slt, %convert_element_type3A_251, %broadcast_in_dim3A_237 : vector<16xi32>
      %and3A_258 = arith.andi %eq3A_256, %lt3A_257 : vector<16xi1>
      %or3A_259 = arith.ori %gt3A_255, %and3A_258 : vector<16xi1>
      %select_n3A_260 = arith.select %or3A_259, %select_n3A_254, %broadcast_in_dim3A_235 : vector<16xi1>, vector<16xf32>
      %select_n3A_261 = arith.select %or3A_259, %convert_element_type3A_251, %broadcast_in_dim3A_237 : vector<16xi1>, vector<16xi32>
      %scan3A_262 = arith.constant 1 : i32
      %get3A_263 = arith.constant 0 : i32
      %get3A_264 = arith.index_cast %scan3A_262 : i32 to index
      %get3A_265 = arith.index_cast %get3A_263 : i32 to index
      %get3A_266 = arith.constant 0 : index
      %get3A_267 = tpu.vector_load %arg7[%get3A_264, %get3A_265, %get3A_266] {strides = array<i32>} : memref<8x2x16xf32, #tpu.memory_space<vmem>>, vector<1x1x16xf32>,
      %get3A_268 = vector.shape_cast %get3A_267 : vector<1x1x16xf32> to vector<16xf32>
      %get3A_269 = arith.constant 1 : i32
      %get3A_270 = arith.index_cast %scan3A_262 : i32 to index
      %get3A_271 = arith.index_cast %get3A_269 : i32 to index
      %get3A_272 = arith.constant 0 : index
      %get3A_273 = tpu.vector_load %arg7[%get3A_270, %get3A_271, %get3A_272] {strides = array<i32>} : memref<8x2x16xf32, #tpu.memory_space<vmem>>, vector<1x1x16xf32>,
      %get3A_274 = vector.shape_cast %get3A_273 : vector<1x1x16xf32> to vector<16xf32>
      %convert_element_type3A_275 = arith.fptosi %get3A_274 : vector<16xf32> to vector<16xi32>
      %eq3A_276 = arith.cmpi eq, %convert_element_type3A_275, %select_n3A_234 : vector<16xi32>
      %broadcast_in_dim3A_277 = vector.broadcast %squeeze3A : f32 to vector<16xf32>
      %select_n3A_278 = arith.select %eq3A_276, %broadcast_in_dim3A_277, %get3A_268 : vector<16xi1>, vector<16xf32>
      %gt3A_279 = arith.cmpf ogt, %select_n3A_278, %select_n3A_260 : vector<16xf32>
      %eq3A_280 = arith.cmpf oeq, %select_n3A_278, %select_n3A_260 : vector<16xf32>
      %lt3A_281 = arith.cmpi slt, %convert_element_type3A_275, %select_n3A_261 : vector<16xi32>
      %and3A_282 = arith.andi %eq3A_280, %lt3A_281 : vector<16xi1>
      %or3A_283 = arith.ori %gt3A_279, %and3A_282 : vector<16xi1>
      %select_n3A_284 = arith.select %or3A_283, %select_n3A_278, %select_n3A_260 : vector<16xi1>, vector<16xf32>
      %select_n3A_285 = arith.select %or3A_283, %convert_element_type3A_275, %select_n3A_261 : vector<16xi1>, vector<16xi32>
      %scan3A_286 = arith.constant 2 : i32
      %get3A_287 = arith.constant 0 : i32
      %get3A_288 = arith.index_cast %scan3A_286 : i32 to index
      %get3A_289 = arith.index_cast %get3A_287 : i32 to index
      %get3A_290 = arith.constant 0 : index
      %get3A_291 = tpu.vector_load %arg7[%get3A_288, %get3A_289, %get3A_290] {strides = array<i32>} : memref<8x2x16xf32, #tpu.memory_space<vmem>>, vector<1x1x16xf32>,
      %get3A_292 = vector.shape_cast %get3A_291 : vector<1x1x16xf32> to vector<16xf32>
      %get3A_293 = arith.constant 1 : i32
      %get3A_294 = arith.index_cast %scan3A_286 : i32 to index
      %get3A_295 = arith.index_cast %get3A_293 : i32 to index
      %get3A_296 = arith.constant 0 : index
      %get3A_297 = tpu.vector_load %arg7[%get3A_294, %get3A_295, %get3A_296] {strides = array<i32>} : memref<8x2x16xf32, #tpu.memory_space<vmem>>, vector<1x1x16xf32>,
      %get3A_298 = vector.shape_cast %get3A_297 : vector<1x1x16xf32> to vector<16xf32>
      %convert_element_type3A_299 = arith.fptosi %get3A_298 : vector<16xf32> to vector<16xi32>
      %eq3A_300 = arith.cmpi eq, %convert_element_type3A_299, %select_n3A_234 : vector<16xi32>
      %broadcast_in_dim3A_301 = vector.broadcast %squeeze3A : f32 to vector<16xf32>
      %select_n3A_302 = arith.select %eq3A_300, %broadcast_in_dim3A_301, %get3A_292 : vector<16xi1>, vector<16xf32>
      %gt3A_303 = arith.cmpf ogt, %select_n3A_302, %select_n3A_284 : vector<16xf32>
      %eq3A_304 = arith.cmpf oeq, %select_n3A_302, %select_n3A_284 : vector<16xf32>
      %lt3A_305 = arith.cmpi slt, %convert_element_type3A_299, %select_n3A_285 : vector<16xi32>
      %and3A_306 = arith.andi %eq3A_304, %lt3A_305 : vector<16xi1>
      %or3A_307 = arith.ori %gt3A_303, %and3A_306 : vector<16xi1>
      %select_n3A_308 = arith.select %or3A_307, %select_n3A_302, %select_n3A_284 : vector<16xi1>, vector<16xf32>
      %select_n3A_309 = arith.select %or3A_307, %convert_element_type3A_299, %select_n3A_285 : vector<16xi1>, vector<16xi32>
      %scan3A_310 = arith.constant 3 : i32
      %get3A_311 = arith.constant 0 : i32
      %get3A_312 = arith.index_cast %scan3A_310 : i32 to index
      %get3A_313 = arith.index_cast %get3A_311 : i32 to index
      %get3A_314 = arith.constant 0 : index
      %get3A_315 = tpu.vector_load %arg7[%get3A_312, %get3A_313, %get3A_314] {strides = array<i32>} : memref<8x2x16xf32, #tpu.memory_space<vmem>>, vector<1x1x16xf32>,
      %get3A_316 = vector.shape_cast %get3A_315 : vector<1x1x16xf32> to vector<16xf32>
      %get3A_317 = arith.constant 1 : i32
      %get3A_318 = arith.index_cast %scan3A_310 : i32 to index
      %get3A_319 = arith.index_cast %get3A_317 : i32 to index
      %get3A_320 = arith.constant 0 : index
      %get3A_321 = tpu.vector_load %arg7[%get3A_318, %get3A_319, %get3A_320] {strides = array<i32>} : memref<8x2x16xf32, #tpu.memory_space<vmem>>, vector<1x1x16xf32>,
      %get3A_322 = vector.shape_cast %get3A_321 : vector<1x1x16xf32> to vector<16xf32>
      %convert_element_type3A_323 = arith.fptosi %get3A_322 : vector<16xf32> to vector<16xi32>
      %eq3A_324 = arith.cmpi eq, %convert_element_type3A_323, %select_n3A_234 : vector<16xi32>
      %broadcast_in_dim3A_325 = vector.broadcast %squeeze3A : f32 to vector<16xf32>
      %select_n3A_326 = arith.select %eq3A_324, %broadcast_in_dim3A_325, %get3A_316 : vector<16xi1>, vector<16xf32>
      %gt3A_327 = arith.cmpf ogt, %select_n3A_326, %select_n3A_308 : vector<16xf32>
      %eq3A_328 = arith.cmpf oeq, %select_n3A_326, %select_n3A_308 : vector<16xf32>
      %lt3A_329 = arith.cmpi slt, %convert_element_type3A_323, %select_n3A_309 : vector<16xi32>
      %and3A_330 = arith.andi %eq3A_328, %lt3A_329 : vector<16xi1>
      %or3A_331 = arith.ori %gt3A_327, %and3A_330 : vector<16xi1>
      %select_n3A_332 = arith.select %or3A_331, %select_n3A_326, %select_n3A_308 : vector<16xi1>, vector<16xf32>
      %select_n3A_333 = arith.select %or3A_331, %convert_element_type3A_323, %select_n3A_309 : vector<16xi1>, vector<16xi32>
      %scan3A_334 = arith.constant 4 : i32
      %get3A_335 = arith.constant 0 : i32
      %get3A_336 = arith.index_cast %scan3A_334 : i32 to index
      %get3A_337 = arith.index_cast %get3A_335 : i32 to index
      %get3A_338 = arith.constant 0 : index
      %get3A_339 = tpu.vector_load %arg7[%get3A_336, %get3A_337, %get3A_338] {strides = array<i32>} : memref<8x2x16xf32, #tpu.memory_space<vmem>>, vector<1x1x16xf32>,
      %get3A_340 = vector.shape_cast %get3A_339 : vector<1x1x16xf32> to vector<16xf32>
      %get3A_341 = arith.constant 1 : i32
      %get3A_342 = arith.index_cast %scan3A_334 : i32 to index
      %get3A_343 = arith.index_cast %get3A_341 : i32 to index
      %get3A_344 = arith.constant 0 : index
      %get3A_345 = tpu.vector_load %arg7[%get3A_342, %get3A_343, %get3A_344] {strides = array<i32>} : memref<8x2x16xf32, #tpu.memory_space<vmem>>, vector<1x1x16xf32>,
      %get3A_346 = vector.shape_cast %get3A_345 : vector<1x1x16xf32> to vector<16xf32>
      %convert_element_type3A_347 = arith.fptosi %get3A_346 : vector<16xf32> to vector<16xi32>
      %eq3A_348 = arith.cmpi eq, %convert_element_type3A_347, %select_n3A_234 : vector<16xi32>
      %broadcast_in_dim3A_349 = vector.broadcast %squeeze3A : f32 to vector<16xf32>
      %select_n3A_350 = arith.select %eq3A_348, %broadcast_in_dim3A_349, %get3A_340 : vector<16xi1>, vector<16xf32>
      %gt3A_351 = arith.cmpf ogt, %select_n3A_350, %select_n3A_332 : vector<16xf32>
      %eq3A_352 = arith.cmpf oeq, %select_n3A_350, %select_n3A_332 : vector<16xf32>
      %lt3A_353 = arith.cmpi slt, %convert_element_type3A_347, %select_n3A_333 : vector<16xi32>
      %and3A_354 = arith.andi %eq3A_352, %lt3A_353 : vector<16xi1>
      %or3A_355 = arith.ori %gt3A_351, %and3A_354 : vector<16xi1>
      %select_n3A_356 = arith.select %or3A_355, %select_n3A_350, %select_n3A_332 : vector<16xi1>, vector<16xf32>
      %select_n3A_357 = arith.select %or3A_355, %convert_element_type3A_347, %select_n3A_333 : vector<16xi1>, vector<16xi32>
      %scan3A_358 = arith.constant 5 : i32
      %get3A_359 = arith.constant 0 : i32
      %get3A_360 = arith.index_cast %scan3A_358 : i32 to index
      %get3A_361 = arith.index_cast %get3A_359 : i32 to index
      %get3A_362 = arith.constant 0 : index
      %get3A_363 = tpu.vector_load %arg7[%get3A_360, %get3A_361, %get3A_362] {strides = array<i32>} : memref<8x2x16xf32, #tpu.memory_space<vmem>>, vector<1x1x16xf32>,
      %get3A_364 = vector.shape_cast %get3A_363 : vector<1x1x16xf32> to vector<16xf32>
      %get3A_365 = arith.constant 1 : i32
      %get3A_366 = arith.index_cast %scan3A_358 : i32 to index
      %get3A_367 = arith.index_cast %get3A_365 : i32 to index
      %get3A_368 = arith.constant 0 : index
      %get3A_369 = tpu.vector_load %arg7[%get3A_366, %get3A_367, %get3A_368] {strides = array<i32>} : memref<8x2x16xf32, #tpu.memory_space<vmem>>, vector<1x1x16xf32>,
      %get3A_370 = vector.shape_cast %get3A_369 : vector<1x1x16xf32> to vector<16xf32>
      %convert_element_type3A_371 = arith.fptosi %get3A_370 : vector<16xf32> to vector<16xi32>
      %eq3A_372 = arith.cmpi eq, %convert_element_type3A_371, %select_n3A_234 : vector<16xi32>
      %broadcast_in_dim3A_373 = vector.broadcast %squeeze3A : f32 to vector<16xf32>
      %select_n3A_374 = arith.select %eq3A_372, %broadcast_in_dim3A_373, %get3A_364 : vector<16xi1>, vector<16xf32>
      %gt3A_375 = arith.cmpf ogt, %select_n3A_374, %select_n3A_356 : vector<16xf32>
      %eq3A_376 = arith.cmpf oeq, %select_n3A_374, %select_n3A_356 : vector<16xf32>
      %lt3A_377 = arith.cmpi slt, %convert_element_type3A_371, %select_n3A_357 : vector<16xi32>
      %and3A_378 = arith.andi %eq3A_376, %lt3A_377 : vector<16xi1>
      %or3A_379 = arith.ori %gt3A_375, %and3A_378 : vector<16xi1>
      %select_n3A_380 = arith.select %or3A_379, %select_n3A_374, %select_n3A_356 : vector<16xi1>, vector<16xf32>
      %select_n3A_381 = arith.select %or3A_379, %convert_element_type3A_371, %select_n3A_357 : vector<16xi1>, vector<16xi32>
      %scan3A_382 = arith.constant 6 : i32
      %get3A_383 = arith.constant 0 : i32
      %get3A_384 = arith.index_cast %scan3A_382 : i32 to index
      %get3A_385 = arith.index_cast %get3A_383 : i32 to index
      %get3A_386 = arith.constant 0 : index
      %get3A_387 = tpu.vector_load %arg7[%get3A_384, %get3A_385, %get3A_386] {strides = array<i32>} : memref<8x2x16xf32, #tpu.memory_space<vmem>>, vector<1x1x16xf32>,
      %get3A_388 = vector.shape_cast %get3A_387 : vector<1x1x16xf32> to vector<16xf32>
      %get3A_389 = arith.constant 1 : i32
      %get3A_390 = arith.index_cast %scan3A_382 : i32 to index
      %get3A_391 = arith.index_cast %get3A_389 : i32 to index
      %get3A_392 = arith.constant 0 : index
      %get3A_393 = tpu.vector_load %arg7[%get3A_390, %get3A_391, %get3A_392] {strides = array<i32>} : memref<8x2x16xf32, #tpu.memory_space<vmem>>, vector<1x1x16xf32>,
      %get3A_394 = vector.shape_cast %get3A_393 : vector<1x1x16xf32> to vector<16xf32>
      %convert_element_type3A_395 = arith.fptosi %get3A_394 : vector<16xf32> to vector<16xi32>
      %eq3A_396 = arith.cmpi eq, %convert_element_type3A_395, %select_n3A_234 : vector<16xi32>
      %broadcast_in_dim3A_397 = vector.broadcast %squeeze3A : f32 to vector<16xf32>
      %select_n3A_398 = arith.select %eq3A_396, %broadcast_in_dim3A_397, %get3A_388 : vector<16xi1>, vector<16xf32>
      %gt3A_399 = arith.cmpf ogt, %select_n3A_398, %select_n3A_380 : vector<16xf32>
      %eq3A_400 = arith.cmpf oeq, %select_n3A_398, %select_n3A_380 : vector<16xf32>
      %lt3A_401 = arith.cmpi slt, %convert_element_type3A_395, %select_n3A_381 : vector<16xi32>
      %and3A_402 = arith.andi %eq3A_400, %lt3A_401 : vector<16xi1>
      %or3A_403 = arith.ori %gt3A_399, %and3A_402 : vector<16xi1>
      %select_n3A_404 = arith.select %or3A_403, %select_n3A_398, %select_n3A_380 : vector<16xi1>, vector<16xf32>
      %select_n3A_405 = arith.select %or3A_403, %convert_element_type3A_395, %select_n3A_381 : vector<16xi1>, vector<16xi32>
      %scan3A_406 = arith.constant 7 : i32
      %get3A_407 = arith.constant 0 : i32
      %get3A_408 = arith.index_cast %scan3A_406 : i32 to index
      %get3A_409 = arith.index_cast %get3A_407 : i32 to index
      %get3A_410 = arith.constant 0 : index
      %get3A_411 = tpu.vector_load %arg7[%get3A_408, %get3A_409, %get3A_410] {strides = array<i32>} : memref<8x2x16xf32, #tpu.memory_space<vmem>>, vector<1x1x16xf32>,
      %get3A_412 = vector.shape_cast %get3A_411 : vector<1x1x16xf32> to vector<16xf32>
      %get3A_413 = arith.constant 1 : i32
      %get3A_414 = arith.index_cast %scan3A_406 : i32 to index
      %get3A_415 = arith.index_cast %get3A_413 : i32 to index
      %get3A_416 = arith.constant 0 : index
      %get3A_417 = tpu.vector_load %arg7[%get3A_414, %get3A_415, %get3A_416] {strides = array<i32>} : memref<8x2x16xf32, #tpu.memory_space<vmem>>, vector<1x1x16xf32>,
      %get3A_418 = vector.shape_cast %get3A_417 : vector<1x1x16xf32> to vector<16xf32>
      %convert_element_type3A_419 = arith.fptosi %get3A_418 : vector<16xf32> to vector<16xi32>
      %eq3A_420 = arith.cmpi eq, %convert_element_type3A_419, %select_n3A_234 : vector<16xi32>
      %broadcast_in_dim3A_421 = vector.broadcast %squeeze3A : f32 to vector<16xf32>
      %select_n3A_422 = arith.select %eq3A_420, %broadcast_in_dim3A_421, %get3A_412 : vector<16xi1>, vector<16xf32>
      %gt3A_423 = arith.cmpf ogt, %select_n3A_422, %select_n3A_404 : vector<16xf32>
      %eq3A_424 = arith.cmpf oeq, %select_n3A_422, %select_n3A_404 : vector<16xf32>
      %lt3A_425 = arith.cmpi slt, %convert_element_type3A_419, %select_n3A_405 : vector<16xi32>
      %and3A_426 = arith.andi %eq3A_424, %lt3A_425 : vector<16xi1>
      %or3A_427 = arith.ori %gt3A_423, %and3A_426 : vector<16xi1>
      %select_n3A_428 = arith.select %or3A_427, %select_n3A_422, %select_n3A_404 : vector<16xi1>, vector<16xf32>
      %select_n3A_429 = arith.select %or3A_427, %convert_element_type3A_419, %select_n3A_405 : vector<16xi1>, vector<16xi32>
      %scan3A_430 = arith.constant 8 : i32
      %xor3A_431 = arith.constant 8 : i32
      %xor3A_432 = vector.broadcast %xor3A_431 : i32 to vector<16xi32>
      %xor3A_433 = arith.xori %iota3A, %xor3A_432 : vector<16xi32>
      %broadcast_in_dim3A_434 = vector.shape_cast %xor3A_433 : vector<16xi32> to vector<16x1xi32>
      %gather3A_435 = vector.shape_cast %broadcast_in_dim3A_434 : vector<16x1xi32> to vector<16xi32>
      %gather3A_436 = tpu.dynamic_gather %select_n3A_428[%gather3A_435] in [0] : vector<16xf32>, vector<16xi32> -> vector<16xf32>
      %broadcast_in_dim3A_437 = vector.shape_cast %xor3A_433 : vector<16xi32> to vector<16x1xi32>
      %gather3A_438 = vector.shape_cast %broadcast_in_dim3A_437 : vector<16x1xi32> to vector<16xi32>
      %gather3A_439 = tpu.dynamic_gather %select_n3A_429[%gather3A_438] in [0] : vector<16xi32>, vector<16xi32> -> vector<16xi32>
      %gt3A_440 = arith.cmpf ogt, %gather3A_436, %select_n3A_428 : vector<16xf32>
      %eq3A_441 = arith.cmpf oeq, %gather3A_436, %select_n3A_428 : vector<16xf32>
      %lt3A_442 = arith.cmpi slt, %gather3A_439, %select_n3A_429 : vector<16xi32>
      %and3A_443 = arith.andi %eq3A_441, %lt3A_442 : vector<16xi1>
      %or3A_444 = arith.ori %gt3A_440, %and3A_443 : vector<16xi1>
      %select_n3A_445 = arith.select %or3A_444, %gather3A_436, %select_n3A_428 : vector<16xi1>, vector<16xf32>
      %select_n3A_446 = arith.select %or3A_444, %gather3A_439, %select_n3A_429 : vector<16xi1>, vector<16xi32>
      %xor3A_447 = arith.constant 4 : i32
      %xor3A_448 = vector.broadcast %xor3A_447 : i32 to vector<16xi32>
      %xor3A_449 = arith.xori %iota3A, %xor3A_448 : vector<16xi32>
      %broadcast_in_dim3A_450 = vector.shape_cast %xor3A_449 : vector<16xi32> to vector<16x1xi32>
      %gather3A_451 = vector.shape_cast %broadcast_in_dim3A_450 : vector<16x1xi32> to vector<16xi32>
      %gather3A_452 = tpu.dynamic_gather %select_n3A_445[%gather3A_451] in [0] : vector<16xf32>, vector<16xi32> -> vector<16xf32>
      %broadcast_in_dim3A_453 = vector.shape_cast %xor3A_449 : vector<16xi32> to vector<16x1xi32>
      %gather3A_454 = vector.shape_cast %broadcast_in_dim3A_453 : vector<16x1xi32> to vector<16xi32>
      %gather3A_455 = tpu.dynamic_gather %select_n3A_446[%gather3A_454] in [0] : vector<16xi32>, vector<16xi32> -> vector<16xi32>
      %gt3A_456 = arith.cmpf ogt, %gather3A_452, %select_n3A_445 : vector<16xf32>
      %eq3A_457 = arith.cmpf oeq, %gather3A_452, %select_n3A_445 : vector<16xf32>
      %lt3A_458 = arith.cmpi slt, %gather3A_455, %select_n3A_446 : vector<16xi32>
      %and3A_459 = arith.andi %eq3A_457, %lt3A_458 : vector<16xi1>
      %or3A_460 = arith.ori %gt3A_456, %and3A_459 : vector<16xi1>
      %select_n3A_461 = arith.select %or3A_460, %gather3A_452, %select_n3A_445 : vector<16xi1>, vector<16xf32>
      %select_n3A_462 = arith.select %or3A_460, %gather3A_455, %select_n3A_446 : vector<16xi1>, vector<16xi32>
      %xor3A_463 = arith.constant 2 : i32
      %xor3A_464 = vector.broadcast %xor3A_463 : i32 to vector<16xi32>
      %xor3A_465 = arith.xori %iota3A, %xor3A_464 : vector<16xi32>
      %broadcast_in_dim3A_466 = vector.shape_cast %xor3A_465 : vector<16xi32> to vector<16x1xi32>
      %gather3A_467 = vector.shape_cast %broadcast_in_dim3A_466 : vector<16x1xi32> to vector<16xi32>
      %gather3A_468 = tpu.dynamic_gather %select_n3A_461[%gather3A_467] in [0] : vector<16xf32>, vector<16xi32> -> vector<16xf32>
      %broadcast_in_dim3A_469 = vector.shape_cast %xor3A_465 : vector<16xi32> to vector<16x1xi32>
      %gather3A_470 = vector.shape_cast %broadcast_in_dim3A_469 : vector<16x1xi32> to vector<16xi32>
      %gather3A_471 = tpu.dynamic_gather %select_n3A_462[%gather3A_470] in [0] : vector<16xi32>, vector<16xi32> -> vector<16xi32>
      %gt3A_472 = arith.cmpf ogt, %gather3A_468, %select_n3A_461 : vector<16xf32>
      %eq3A_473 = arith.cmpf oeq, %gather3A_468, %select_n3A_461 : vector<16xf32>
      %lt3A_474 = arith.cmpi slt, %gather3A_471, %select_n3A_462 : vector<16xi32>
      %and3A_475 = arith.andi %eq3A_473, %lt3A_474 : vector<16xi1>
      %or3A_476 = arith.ori %gt3A_472, %and3A_475 : vector<16xi1>
      %select_n3A_477 = arith.select %or3A_476, %gather3A_468, %select_n3A_461 : vector<16xi1>, vector<16xf32>
      %select_n3A_478 = arith.select %or3A_476, %gather3A_471, %select_n3A_462 : vector<16xi1>, vector<16xi32>
      %xor3A_479 = arith.constant 1 : i32
      %xor3A_480 = vector.broadcast %xor3A_479 : i32 to vector<16xi32>
      %xor3A_481 = arith.xori %iota3A, %xor3A_480 : vector<16xi32>
      %broadcast_in_dim3A_482 = vector.shape_cast %xor3A_481 : vector<16xi32> to vector<16x1xi32>
      %gather3A_483 = vector.shape_cast %broadcast_in_dim3A_482 : vector<16x1xi32> to vector<16xi32>
      %gather3A_484 = tpu.dynamic_gather %select_n3A_477[%gather3A_483] in [0] : vector<16xf32>, vector<16xi32> -> vector<16xf32>
      %broadcast_in_dim3A_485 = vector.shape_cast %xor3A_481 : vector<16xi32> to vector<16x1xi32>
      %gather3A_486 = vector.shape_cast %broadcast_in_dim3A_485 : vector<16x1xi32> to vector<16xi32>
      %gather3A_487 = tpu.dynamic_gather %select_n3A_478[%gather3A_486] in [0] : vector<16xi32>, vector<16xi32> -> vector<16xi32>
      %gt3A_488 = arith.cmpf ogt, %gather3A_484, %select_n3A_477 : vector<16xf32>
      %eq3A_489 = arith.cmpf oeq, %gather3A_484, %select_n3A_477 : vector<16xf32>
      %lt3A_490 = arith.cmpi slt, %gather3A_487, %select_n3A_478 : vector<16xi32>
      %and3A_491 = arith.andi %eq3A_489, %lt3A_490 : vector<16xi1>
      %or3A_492 = arith.ori %gt3A_488, %and3A_491 : vector<16xi1>
      %select_n3A_493 = arith.select %or3A_492, %gather3A_484, %select_n3A_477 : vector<16xi1>, vector<16xf32>
      %select_n3A_494 = arith.select %or3A_492, %gather3A_487, %select_n3A_478 : vector<16xi1>, vector<16xi32>
      %broadcast_in_dim3A_495 = vector.broadcast %squeeze3A : f32 to vector<16xf32>
      %broadcast_in_dim3A_496 = arith.constant 1073741824 : i32
      %broadcast_in_dim3A_497 = vector.broadcast %broadcast_in_dim3A_496 : i32 to vector<16xi32>
      %scan3A_498 = arith.constant 0 : i32
      %get3A_499 = arith.constant 0 : i32
      %get3A_500 = arith.index_cast %scan3A_498 : i32 to index
      %get3A_501 = arith.index_cast %get3A_499 : i32 to index
      %get3A_502 = arith.constant 0 : index
      %get3A_503 = tpu.vector_load %arg7[%get3A_500, %get3A_501, %get3A_502] {strides = array<i32>} : memref<8x2x16xf32, #tpu.memory_space<vmem>>, vector<1x1x16xf32>,
      %get3A_504 = vector.shape_cast %get3A_503 : vector<1x1x16xf32> to vector<16xf32>
      %get3A_505 = arith.constant 1 : i32
      %get3A_506 = arith.index_cast %scan3A_498 : i32 to index
      %get3A_507 = arith.index_cast %get3A_505 : i32 to index
      %get3A_508 = arith.constant 0 : index
      %get3A_509 = tpu.vector_load %arg7[%get3A_506, %get3A_507, %get3A_508] {strides = array<i32>} : memref<8x2x16xf32, #tpu.memory_space<vmem>>, vector<1x1x16xf32>,
      %get3A_510 = vector.shape_cast %get3A_509 : vector<1x1x16xf32> to vector<16xf32>
      %convert_element_type3A_511 = arith.fptosi %get3A_510 : vector<16xf32> to vector<16xi32>
      %eq3A_512 = arith.cmpi eq, %convert_element_type3A_511, %select_n3A_234 : vector<16xi32>
      %broadcast_in_dim3A_513 = vector.broadcast %squeeze3A : f32 to vector<16xf32>
      %select_n3A_514 = arith.select %eq3A_512, %broadcast_in_dim3A_513, %get3A_504 : vector<16xi1>, vector<16xf32>
      %eq3A_515 = arith.cmpi eq, %convert_element_type3A_511, %select_n3A_494 : vector<16xi32>
      %broadcast_in_dim3A_516 = vector.broadcast %squeeze3A : f32 to vector<16xf32>
      %select_n3A_517 = arith.select %eq3A_515, %broadcast_in_dim3A_516, %select_n3A_514 : vector<16xi1>, vector<16xf32>
      %gt3A_518 = arith.cmpf ogt, %select_n3A_517, %broadcast_in_dim3A_495 : vector<16xf32>
      %eq3A_519 = arith.cmpf oeq, %select_n3A_517, %broadcast_in_dim3A_495 : vector<16xf32>
      %lt3A_520 = arith.cmpi slt, %convert_element_type3A_511, %broadcast_in_dim3A_497 : vector<16xi32>
      %and3A_521 = arith.andi %eq3A_519, %lt3A_520 : vector<16xi1>
      %or3A_522 = arith.ori %gt3A_518, %and3A_521 : vector<16xi1>
      %select_n3A_523 = arith.select %or3A_522, %select_n3A_517, %broadcast_in_dim3A_495 : vector<16xi1>, vector<16xf32>
      %select_n3A_524 = arith.select %or3A_522, %convert_element_type3A_511, %broadcast_in_dim3A_497 : vector<16xi1>, vector<16xi32>
      %scan3A_525 = arith.constant 1 : i32
      %get3A_526 = arith.constant 0 : i32
      %get3A_527 = arith.index_cast %scan3A_525 : i32 to index
      %get3A_528 = arith.index_cast %get3A_526 : i32 to index
      %get3A_529 = arith.constant 0 : index
      %get3A_530 = tpu.vector_load %arg7[%get3A_527, %get3A_528, %get3A_529] {strides = array<i32>} : memref<8x2x16xf32, #tpu.memory_space<vmem>>, vector<1x1x16xf32>,
      %get3A_531 = vector.shape_cast %get3A_530 : vector<1x1x16xf32> to vector<16xf32>
      %get3A_532 = arith.constant 1 : i32
      %get3A_533 = arith.index_cast %scan3A_525 : i32 to index
      %get3A_534 = arith.index_cast %get3A_532 : i32 to index
      %get3A_535 = arith.constant 0 : index
      %get3A_536 = tpu.vector_load %arg7[%get3A_533, %get3A_534, %get3A_535] {strides = array<i32>} : memref<8x2x16xf32, #tpu.memory_space<vmem>>, vector<1x1x16xf32>,
      %get3A_537 = vector.shape_cast %get3A_536 : vector<1x1x16xf32> to vector<16xf32>
      %convert_element_type3A_538 = arith.fptosi %get3A_537 : vector<16xf32> to vector<16xi32>
      %eq3A_539 = arith.cmpi eq, %convert_element_type3A_538, %select_n3A_234 : vector<16xi32>
      %broadcast_in_dim3A_540 = vector.broadcast %squeeze3A : f32 to vector<16xf32>
      %select_n3A_541 = arith.select %eq3A_539, %broadcast_in_dim3A_540, %get3A_531 : vector<16xi1>, vector<16xf32>
      %eq3A_542 = arith.cmpi eq, %convert_element_type3A_538, %select_n3A_494 : vector<16xi32>
      %broadcast_in_dim3A_543 = vector.broadcast %squeeze3A : f32 to vector<16xf32>
      %select_n3A_544 = arith.select %eq3A_542, %broadcast_in_dim3A_543, %select_n3A_541 : vector<16xi1>, vector<16xf32>
      %gt3A_545 = arith.cmpf ogt, %select_n3A_544, %select_n3A_523 : vector<16xf32>
      %eq3A_546 = arith.cmpf oeq, %select_n3A_544, %select_n3A_523 : vector<16xf32>
      %lt3A_547 = arith.cmpi slt, %convert_element_type3A_538, %select_n3A_524 : vector<16xi32>
      %and3A_548 = arith.andi %eq3A_546, %lt3A_547 : vector<16xi1>
      %or3A_549 = arith.ori %gt3A_545, %and3A_548 : vector<16xi1>
      %select_n3A_550 = arith.select %or3A_549, %select_n3A_544, %select_n3A_523 : vector<16xi1>, vector<16xf32>
      %select_n3A_551 = arith.select %or3A_549, %convert_element_type3A_538, %select_n3A_524 : vector<16xi1>, vector<16xi32>
      %scan3A_552 = arith.constant 2 : i32
      %get3A_553 = arith.constant 0 : i32
      %get3A_554 = arith.index_cast %scan3A_552 : i32 to index
      %get3A_555 = arith.index_cast %get3A_553 : i32 to index
      %get3A_556 = arith.constant 0 : index
      %get3A_557 = tpu.vector_load %arg7[%get3A_554, %get3A_555, %get3A_556] {strides = array<i32>} : memref<8x2x16xf32, #tpu.memory_space<vmem>>, vector<1x1x16xf32>,
      %get3A_558 = vector.shape_cast %get3A_557 : vector<1x1x16xf32> to vector<16xf32>
      %get3A_559 = arith.constant 1 : i32
      %get3A_560 = arith.index_cast %scan3A_552 : i32 to index
      %get3A_561 = arith.index_cast %get3A_559 : i32 to index
      %get3A_562 = arith.constant 0 : index
      %get3A_563 = tpu.vector_load %arg7[%get3A_560, %get3A_561, %get3A_562] {strides = array<i32>} : memref<8x2x16xf32, #tpu.memory_space<vmem>>, vector<1x1x16xf32>,
      %get3A_564 = vector.shape_cast %get3A_563 : vector<1x1x16xf32> to vector<16xf32>
      %convert_element_type3A_565 = arith.fptosi %get3A_564 : vector<16xf32> to vector<16xi32>
      %eq3A_566 = arith.cmpi eq, %convert_element_type3A_565, %select_n3A_234 : vector<16xi32>
      %broadcast_in_dim3A_567 = vector.broadcast %squeeze3A : f32 to vector<16xf32>
      %select_n3A_568 = arith.select %eq3A_566, %broadcast_in_dim3A_567, %get3A_558 : vector<16xi1>, vector<16xf32>
      %eq3A_569 = arith.cmpi eq, %convert_element_type3A_565, %select_n3A_494 : vector<16xi32>
      %broadcast_in_dim3A_570 = vector.broadcast %squeeze3A : f32 to vector<16xf32>
      %select_n3A_571 = arith.select %eq3A_569, %broadcast_in_dim3A_570, %select_n3A_568 : vector<16xi1>, vector<16xf32>
      %gt3A_572 = arith.cmpf ogt, %select_n3A_571, %select_n3A_550 : vector<16xf32>
      %eq3A_573 = arith.cmpf oeq, %select_n3A_571, %select_n3A_550 : vector<16xf32>
      %lt3A_574 = arith.cmpi slt, %convert_element_type3A_565, %select_n3A_551 : vector<16xi32>
      %and3A_575 = arith.andi %eq3A_573, %lt3A_574 : vector<16xi1>
      %or3A_576 = arith.ori %gt3A_572, %and3A_575 : vector<16xi1>
      %select_n3A_577 = arith.select %or3A_576, %select_n3A_571, %select_n3A_550 : vector<16xi1>, vector<16xf32>
      %select_n3A_578 = arith.select %or3A_576, %convert_element_type3A_565, %select_n3A_551 : vector<16xi1>, vector<16xi32>
      %scan3A_579 = arith.constant 3 : i32
      %get3A_580 = arith.constant 0 : i32
      %get3A_581 = arith.index_cast %scan3A_579 : i32 to index
      %get3A_582 = arith.index_cast %get3A_580 : i32 to index
      %get3A_583 = arith.constant 0 : index
      %get3A_584 = tpu.vector_load %arg7[%get3A_581, %get3A_582, %get3A_583] {strides = array<i32>} : memref<8x2x16xf32, #tpu.memory_space<vmem>>, vector<1x1x16xf32>,
      %get3A_585 = vector.shape_cast %get3A_584 : vector<1x1x16xf32> to vector<16xf32>
      %get3A_586 = arith.constant 1 : i32
      %get3A_587 = arith.index_cast %scan3A_579 : i32 to index
      %get3A_588 = arith.index_cast %get3A_586 : i32 to index
      %get3A_589 = arith.constant 0 : index
      %get3A_590 = tpu.vector_load %arg7[%get3A_587, %get3A_588, %get3A_589] {strides = array<i32>} : memref<8x2x16xf32, #tpu.memory_space<vmem>>, vector<1x1x16xf32>,
      %get3A_591 = vector.shape_cast %get3A_590 : vector<1x1x16xf32> to vector<16xf32>
      %convert_element_type3A_592 = arith.fptosi %get3A_591 : vector<16xf32> to vector<16xi32>
      %eq3A_593 = arith.cmpi eq, %convert_element_type3A_592, %select_n3A_234 : vector<16xi32>
      %broadcast_in_dim3A_594 = vector.broadcast %squeeze3A : f32 to vector<16xf32>
      %select_n3A_595 = arith.select %eq3A_593, %broadcast_in_dim3A_594, %get3A_585 : vector<16xi1>, vector<16xf32>
      %eq3A_596 = arith.cmpi eq, %convert_element_type3A_592, %select_n3A_494 : vector<16xi32>
      %broadcast_in_dim3A_597 = vector.broadcast %squeeze3A : f32 to vector<16xf32>
      %select_n3A_598 = arith.select %eq3A_596, %broadcast_in_dim3A_597, %select_n3A_595 : vector<16xi1>, vector<16xf32>
      %gt3A_599 = arith.cmpf ogt, %select_n3A_598, %select_n3A_577 : vector<16xf32>
      %eq3A_600 = arith.cmpf oeq, %select_n3A_598, %select_n3A_577 : vector<16xf32>
      %lt3A_601 = arith.cmpi slt, %convert_element_type3A_592, %select_n3A_578 : vector<16xi32>
      %and3A_602 = arith.andi %eq3A_600, %lt3A_601 : vector<16xi1>
      %or3A_603 = arith.ori %gt3A_599, %and3A_602 : vector<16xi1>
      %select_n3A_604 = arith.select %or3A_603, %select_n3A_598, %select_n3A_577 : vector<16xi1>, vector<16xf32>
      %select_n3A_605 = arith.select %or3A_603, %convert_element_type3A_592, %select_n3A_578 : vector<16xi1>, vector<16xi32>
      %scan3A_606 = arith.constant 4 : i32
      %get3A_607 = arith.constant 0 : i32
      %get3A_608 = arith.index_cast %scan3A_606 : i32 to index
      %get3A_609 = arith.index_cast %get3A_607 : i32 to index
      %get3A_610 = arith.constant 0 : index
      %get3A_611 = tpu.vector_load %arg7[%get3A_608, %get3A_609, %get3A_610] {strides = array<i32>} : memref<8x2x16xf32, #tpu.memory_space<vmem>>, vector<1x1x16xf32>,
      %get3A_612 = vector.shape_cast %get3A_611 : vector<1x1x16xf32> to vector<16xf32>
      %get3A_613 = arith.constant 1 : i32
      %get3A_614 = arith.index_cast %scan3A_606 : i32 to index
      %get3A_615 = arith.index_cast %get3A_613 : i32 to index
      %get3A_616 = arith.constant 0 : index
      %get3A_617 = tpu.vector_load %arg7[%get3A_614, %get3A_615, %get3A_616] {strides = array<i32>} : memref<8x2x16xf32, #tpu.memory_space<vmem>>, vector<1x1x16xf32>,
      %get3A_618 = vector.shape_cast %get3A_617 : vector<1x1x16xf32> to vector<16xf32>
      %convert_element_type3A_619 = arith.fptosi %get3A_618 : vector<16xf32> to vector<16xi32>
      %eq3A_620 = arith.cmpi eq, %convert_element_type3A_619, %select_n3A_234 : vector<16xi32>
      %broadcast_in_dim3A_621 = vector.broadcast %squeeze3A : f32 to vector<16xf32>
      %select_n3A_622 = arith.select %eq3A_620, %broadcast_in_dim3A_621, %get3A_612 : vector<16xi1>, vector<16xf32>
      %eq3A_623 = arith.cmpi eq, %convert_element_type3A_619, %select_n3A_494 : vector<16xi32>
      %broadcast_in_dim3A_624 = vector.broadcast %squeeze3A : f32 to vector<16xf32>
      %select_n3A_625 = arith.select %eq3A_623, %broadcast_in_dim3A_624, %select_n3A_622 : vector<16xi1>, vector<16xf32>
      %gt3A_626 = arith.cmpf ogt, %select_n3A_625, %select_n3A_604 : vector<16xf32>
      %eq3A_627 = arith.cmpf oeq, %select_n3A_625, %select_n3A_604 : vector<16xf32>
      %lt3A_628 = arith.cmpi slt, %convert_element_type3A_619, %select_n3A_605 : vector<16xi32>
      %and3A_629 = arith.andi %eq3A_627, %lt3A_628 : vector<16xi1>
      %or3A_630 = arith.ori %gt3A_626, %and3A_629 : vector<16xi1>
      %select_n3A_631 = arith.select %or3A_630, %select_n3A_625, %select_n3A_604 : vector<16xi1>, vector<16xf32>
      %select_n3A_632 = arith.select %or3A_630, %convert_element_type3A_619, %select_n3A_605 : vector<16xi1>, vector<16xi32>
      %scan3A_633 = arith.constant 5 : i32
      %get3A_634 = arith.constant 0 : i32
      %get3A_635 = arith.index_cast %scan3A_633 : i32 to index
      %get3A_636 = arith.index_cast %get3A_634 : i32 to index
      %get3A_637 = arith.constant 0 : index
      %get3A_638 = tpu.vector_load %arg7[%get3A_635, %get3A_636, %get3A_637] {strides = array<i32>} : memref<8x2x16xf32, #tpu.memory_space<vmem>>, vector<1x1x16xf32>,
      %get3A_639 = vector.shape_cast %get3A_638 : vector<1x1x16xf32> to vector<16xf32>
      %get3A_640 = arith.constant 1 : i32
      %get3A_641 = arith.index_cast %scan3A_633 : i32 to index
      %get3A_642 = arith.index_cast %get3A_640 : i32 to index
      %get3A_643 = arith.constant 0 : index
      %get3A_644 = tpu.vector_load %arg7[%get3A_641, %get3A_642, %get3A_643] {strides = array<i32>} : memref<8x2x16xf32, #tpu.memory_space<vmem>>, vector<1x1x16xf32>,
      %get3A_645 = vector.shape_cast %get3A_644 : vector<1x1x16xf32> to vector<16xf32>
      %convert_element_type3A_646 = arith.fptosi %get3A_645 : vector<16xf32> to vector<16xi32>
      %eq3A_647 = arith.cmpi eq, %convert_element_type3A_646, %select_n3A_234 : vector<16xi32>
      %broadcast_in_dim3A_648 = vector.broadcast %squeeze3A : f32 to vector<16xf32>
      %select_n3A_649 = arith.select %eq3A_647, %broadcast_in_dim3A_648, %get3A_639 : vector<16xi1>, vector<16xf32>
      %eq3A_650 = arith.cmpi eq, %convert_element_type3A_646, %select_n3A_494 : vector<16xi32>
      %broadcast_in_dim3A_651 = vector.broadcast %squeeze3A : f32 to vector<16xf32>
      %select_n3A_652 = arith.select %eq3A_650, %broadcast_in_dim3A_651, %select_n3A_649 : vector<16xi1>, vector<16xf32>
      %gt3A_653 = arith.cmpf ogt, %select_n3A_652, %select_n3A_631 : vector<16xf32>
      %eq3A_654 = arith.cmpf oeq, %select_n3A_652, %select_n3A_631 : vector<16xf32>
      %lt3A_655 = arith.cmpi slt, %convert_element_type3A_646, %select_n3A_632 : vector<16xi32>
      %and3A_656 = arith.andi %eq3A_654, %lt3A_655 : vector<16xi1>
      %or3A_657 = arith.ori %gt3A_653, %and3A_656 : vector<16xi1>
      %select_n3A_658 = arith.select %or3A_657, %select_n3A_652, %select_n3A_631 : vector<16xi1>, vector<16xf32>
      %select_n3A_659 = arith.select %or3A_657, %convert_element_type3A_646, %select_n3A_632 : vector<16xi1>, vector<16xi32>
      %scan3A_660 = arith.constant 6 : i32
      %get3A_661 = arith.constant 0 : i32
      %get3A_662 = arith.index_cast %scan3A_660 : i32 to index
      %get3A_663 = arith.index_cast %get3A_661 : i32 to index
      %get3A_664 = arith.constant 0 : index
      %get3A_665 = tpu.vector_load %arg7[%get3A_662, %get3A_663, %get3A_664] {strides = array<i32>} : memref<8x2x16xf32, #tpu.memory_space<vmem>>, vector<1x1x16xf32>,
      %get3A_666 = vector.shape_cast %get3A_665 : vector<1x1x16xf32> to vector<16xf32>
      %get3A_667 = arith.constant 1 : i32
      %get3A_668 = arith.index_cast %scan3A_660 : i32 to index
      %get3A_669 = arith.index_cast %get3A_667 : i32 to index
      %get3A_670 = arith.constant 0 : index
      %get3A_671 = tpu.vector_load %arg7[%get3A_668, %get3A_669, %get3A_670] {strides = array<i32>} : memref<8x2x16xf32, #tpu.memory_space<vmem>>, vector<1x1x16xf32>,
      %get3A_672 = vector.shape_cast %get3A_671 : vector<1x1x16xf32> to vector<16xf32>
      %convert_element_type3A_673 = arith.fptosi %get3A_672 : vector<16xf32> to vector<16xi32>
      %eq3A_674 = arith.cmpi eq, %convert_element_type3A_673, %select_n3A_234 : vector<16xi32>
      %broadcast_in_dim3A_675 = vector.broadcast %squeeze3A : f32 to vector<16xf32>
      %select_n3A_676 = arith.select %eq3A_674, %broadcast_in_dim3A_675, %get3A_666 : vector<16xi1>, vector<16xf32>
      %eq3A_677 = arith.cmpi eq, %convert_element_type3A_673, %select_n3A_494 : vector<16xi32>
      %broadcast_in_dim3A_678 = vector.broadcast %squeeze3A : f32 to vector<16xf32>
      %select_n3A_679 = arith.select %eq3A_677, %broadcast_in_dim3A_678, %select_n3A_676 : vector<16xi1>, vector<16xf32>
      %gt3A_680 = arith.cmpf ogt, %select_n3A_679, %select_n3A_658 : vector<16xf32>
      %eq3A_681 = arith.cmpf oeq, %select_n3A_679, %select_n3A_658 : vector<16xf32>
      %lt3A_682 = arith.cmpi slt, %convert_element_type3A_673, %select_n3A_659 : vector<16xi32>
      %and3A_683 = arith.andi %eq3A_681, %lt3A_682 : vector<16xi1>
      %or3A_684 = arith.ori %gt3A_680, %and3A_683 : vector<16xi1>
      %select_n3A_685 = arith.select %or3A_684, %select_n3A_679, %select_n3A_658 : vector<16xi1>, vector<16xf32>
      %select_n3A_686 = arith.select %or3A_684, %convert_element_type3A_673, %select_n3A_659 : vector<16xi1>, vector<16xi32>
      %scan3A_687 = arith.constant 7 : i32
      %get3A_688 = arith.constant 0 : i32
      %get3A_689 = arith.index_cast %scan3A_687 : i32 to index
      %get3A_690 = arith.index_cast %get3A_688 : i32 to index
      %get3A_691 = arith.constant 0 : index
      %get3A_692 = tpu.vector_load %arg7[%get3A_689, %get3A_690, %get3A_691] {strides = array<i32>} : memref<8x2x16xf32, #tpu.memory_space<vmem>>, vector<1x1x16xf32>,
      %get3A_693 = vector.shape_cast %get3A_692 : vector<1x1x16xf32> to vector<16xf32>
      %get3A_694 = arith.constant 1 : i32
      %get3A_695 = arith.index_cast %scan3A_687 : i32 to index
      %get3A_696 = arith.index_cast %get3A_694 : i32 to index
      %get3A_697 = arith.constant 0 : index
      %get3A_698 = tpu.vector_load %arg7[%get3A_695, %get3A_696, %get3A_697] {strides = array<i32>} : memref<8x2x16xf32, #tpu.memory_space<vmem>>, vector<1x1x16xf32>,
      %get3A_699 = vector.shape_cast %get3A_698 : vector<1x1x16xf32> to vector<16xf32>
      %convert_element_type3A_700 = arith.fptosi %get3A_699 : vector<16xf32> to vector<16xi32>
      %eq3A_701 = arith.cmpi eq, %convert_element_type3A_700, %select_n3A_234 : vector<16xi32>
      %broadcast_in_dim3A_702 = vector.broadcast %squeeze3A : f32 to vector<16xf32>
      %select_n3A_703 = arith.select %eq3A_701, %broadcast_in_dim3A_702, %get3A_693 : vector<16xi1>, vector<16xf32>
      %eq3A_704 = arith.cmpi eq, %convert_element_type3A_700, %select_n3A_494 : vector<16xi32>
      %broadcast_in_dim3A_705 = vector.broadcast %squeeze3A : f32 to vector<16xf32>
      %select_n3A_706 = arith.select %eq3A_704, %broadcast_in_dim3A_705, %select_n3A_703 : vector<16xi1>, vector<16xf32>
      %gt3A_707 = arith.cmpf ogt, %select_n3A_706, %select_n3A_685 : vector<16xf32>
      %eq3A_708 = arith.cmpf oeq, %select_n3A_706, %select_n3A_685 : vector<16xf32>
      %lt3A_709 = arith.cmpi slt, %convert_element_type3A_700, %select_n3A_686 : vector<16xi32>
      %and3A_710 = arith.andi %eq3A_708, %lt3A_709 : vector<16xi1>
      %or3A_711 = arith.ori %gt3A_707, %and3A_710 : vector<16xi1>
      %select_n3A_712 = arith.select %or3A_711, %select_n3A_706, %select_n3A_685 : vector<16xi1>, vector<16xf32>
      %select_n3A_713 = arith.select %or3A_711, %convert_element_type3A_700, %select_n3A_686 : vector<16xi1>, vector<16xi32>
      %scan3A_714 = arith.constant 8 : i32
      %xor3A_715 = arith.constant 8 : i32
      %xor3A_716 = vector.broadcast %xor3A_715 : i32 to vector<16xi32>
      %xor3A_717 = arith.xori %iota3A, %xor3A_716 : vector<16xi32>
      %broadcast_in_dim3A_718 = vector.shape_cast %xor3A_717 : vector<16xi32> to vector<16x1xi32>
      %gather3A_719 = vector.shape_cast %broadcast_in_dim3A_718 : vector<16x1xi32> to vector<16xi32>
      %gather3A_720 = tpu.dynamic_gather %select_n3A_712[%gather3A_719] in [0] : vector<16xf32>, vector<16xi32> -> vector<16xf32>
      %broadcast_in_dim3A_721 = vector.shape_cast %xor3A_717 : vector<16xi32> to vector<16x1xi32>
      %gather3A_722 = vector.shape_cast %broadcast_in_dim3A_721 : vector<16x1xi32> to vector<16xi32>
      %gather3A_723 = tpu.dynamic_gather %select_n3A_713[%gather3A_722] in [0] : vector<16xi32>, vector<16xi32> -> vector<16xi32>
      %gt3A_724 = arith.cmpf ogt, %gather3A_720, %select_n3A_712 : vector<16xf32>
      %eq3A_725 = arith.cmpf oeq, %gather3A_720, %select_n3A_712 : vector<16xf32>
      %lt3A_726 = arith.cmpi slt, %gather3A_723, %select_n3A_713 : vector<16xi32>
      %and3A_727 = arith.andi %eq3A_725, %lt3A_726 : vector<16xi1>
      %or3A_728 = arith.ori %gt3A_724, %and3A_727 : vector<16xi1>
      %select_n3A_729 = arith.select %or3A_728, %gather3A_720, %select_n3A_712 : vector<16xi1>, vector<16xf32>
      %select_n3A_730 = arith.select %or3A_728, %gather3A_723, %select_n3A_713 : vector<16xi1>, vector<16xi32>
      %xor3A_731 = arith.constant 4 : i32
      %xor3A_732 = vector.broadcast %xor3A_731 : i32 to vector<16xi32>
      %xor3A_733 = arith.xori %iota3A, %xor3A_732 : vector<16xi32>
      %broadcast_in_dim3A_734 = vector.shape_cast %xor3A_733 : vector<16xi32> to vector<16x1xi32>
      %gather3A_735 = vector.shape_cast %broadcast_in_dim3A_734 : vector<16x1xi32> to vector<16xi32>
      %gather3A_736 = tpu.dynamic_gather %select_n3A_729[%gather3A_735] in [0] : vector<16xf32>, vector<16xi32> -> vector<16xf32>
      %broadcast_in_dim3A_737 = vector.shape_cast %xor3A_733 : vector<16xi32> to vector<16x1xi32>
      %gather3A_738 = vector.shape_cast %broadcast_in_dim3A_737 : vector<16x1xi32> to vector<16xi32>
      %gather3A_739 = tpu.dynamic_gather %select_n3A_730[%gather3A_738] in [0] : vector<16xi32>, vector<16xi32> -> vector<16xi32>
      %gt3A_740 = arith.cmpf ogt, %gather3A_736, %select_n3A_729 : vector<16xf32>
      %eq3A_741 = arith.cmpf oeq, %gather3A_736, %select_n3A_729 : vector<16xf32>
      %lt3A_742 = arith.cmpi slt, %gather3A_739, %select_n3A_730 : vector<16xi32>
      %and3A_743 = arith.andi %eq3A_741, %lt3A_742 : vector<16xi1>
      %or3A_744 = arith.ori %gt3A_740, %and3A_743 : vector<16xi1>
      %select_n3A_745 = arith.select %or3A_744, %gather3A_736, %select_n3A_729 : vector<16xi1>, vector<16xf32>
      %select_n3A_746 = arith.select %or3A_744, %gather3A_739, %select_n3A_730 : vector<16xi1>, vector<16xi32>
      %xor3A_747 = arith.constant 2 : i32
      %xor3A_748 = vector.broadcast %xor3A_747 : i32 to vector<16xi32>
      %xor3A_749 = arith.xori %iota3A, %xor3A_748 : vector<16xi32>
      %broadcast_in_dim3A_750 = vector.shape_cast %xor3A_749 : vector<16xi32> to vector<16x1xi32>
      %gather3A_751 = vector.shape_cast %broadcast_in_dim3A_750 : vector<16x1xi32> to vector<16xi32>
      %gather3A_752 = tpu.dynamic_gather %select_n3A_745[%gather3A_751] in [0] : vector<16xf32>, vector<16xi32> -> vector<16xf32>
      %broadcast_in_dim3A_753 = vector.shape_cast %xor3A_749 : vector<16xi32> to vector<16x1xi32>
      %gather3A_754 = vector.shape_cast %broadcast_in_dim3A_753 : vector<16x1xi32> to vector<16xi32>
      %gather3A_755 = tpu.dynamic_gather %select_n3A_746[%gather3A_754] in [0] : vector<16xi32>, vector<16xi32> -> vector<16xi32>
      %gt3A_756 = arith.cmpf ogt, %gather3A_752, %select_n3A_745 : vector<16xf32>
      %eq3A_757 = arith.cmpf oeq, %gather3A_752, %select_n3A_745 : vector<16xf32>
      %lt3A_758 = arith.cmpi slt, %gather3A_755, %select_n3A_746 : vector<16xi32>
      %and3A_759 = arith.andi %eq3A_757, %lt3A_758 : vector<16xi1>
      %or3A_760 = arith.ori %gt3A_756, %and3A_759 : vector<16xi1>
      %select_n3A_761 = arith.select %or3A_760, %gather3A_752, %select_n3A_745 : vector<16xi1>, vector<16xf32>
      %select_n3A_762 = arith.select %or3A_760, %gather3A_755, %select_n3A_746 : vector<16xi1>, vector<16xi32>
      %xor3A_763 = arith.constant 1 : i32
      %xor3A_764 = vector.broadcast %xor3A_763 : i32 to vector<16xi32>
      %xor3A_765 = arith.xori %iota3A, %xor3A_764 : vector<16xi32>
      %broadcast_in_dim3A_766 = vector.shape_cast %xor3A_765 : vector<16xi32> to vector<16x1xi32>
      %gather3A_767 = vector.shape_cast %broadcast_in_dim3A_766 : vector<16x1xi32> to vector<16xi32>
      %gather3A_768 = tpu.dynamic_gather %select_n3A_761[%gather3A_767] in [0] : vector<16xf32>, vector<16xi32> -> vector<16xf32>
      %broadcast_in_dim3A_769 = vector.shape_cast %xor3A_765 : vector<16xi32> to vector<16x1xi32>
      %gather3A_770 = vector.shape_cast %broadcast_in_dim3A_769 : vector<16x1xi32> to vector<16xi32>
      %gather3A_771 = tpu.dynamic_gather %select_n3A_762[%gather3A_770] in [0] : vector<16xi32>, vector<16xi32> -> vector<16xi32>
      %gt3A_772 = arith.cmpf ogt, %gather3A_768, %select_n3A_761 : vector<16xf32>
      %eq3A_773 = arith.cmpf oeq, %gather3A_768, %select_n3A_761 : vector<16xf32>
      %lt3A_774 = arith.cmpi slt, %gather3A_771, %select_n3A_762 : vector<16xi32>
      %and3A_775 = arith.andi %eq3A_773, %lt3A_774 : vector<16xi1>
      %or3A_776 = arith.ori %gt3A_772, %and3A_775 : vector<16xi1>
      %select_n3A_777 = arith.select %or3A_776, %gather3A_768, %select_n3A_761 : vector<16xi1>, vector<16xf32>
      %select_n3A_778 = arith.select %or3A_776, %gather3A_771, %select_n3A_762 : vector<16xi1>, vector<16xi32>
      %broadcast_in_dim3A_779 = vector.broadcast %squeeze3A : f32 to vector<16xf32>
      %broadcast_in_dim3A_780 = arith.constant 1073741824 : i32
      %broadcast_in_dim3A_781 = vector.broadcast %broadcast_in_dim3A_780 : i32 to vector<16xi32>
      %scan3A_782 = arith.constant 0 : i32
      %get3A_783 = arith.constant 0 : i32
      %get3A_784 = arith.index_cast %scan3A_782 : i32 to index
      %get3A_785 = arith.index_cast %get3A_783 : i32 to index
      %get3A_786 = arith.constant 0 : index
      %get3A_787 = tpu.vector_load %arg7[%get3A_784, %get3A_785, %get3A_786] {strides = array<i32>} : memref<8x2x16xf32, #tpu.memory_space<vmem>>, vector<1x1x16xf32>,
      %get3A_788 = vector.shape_cast %get3A_787 : vector<1x1x16xf32> to vector<16xf32>
      %get3A_789 = arith.constant 1 : i32
      %get3A_790 = arith.index_cast %scan3A_782 : i32 to index
      %get3A_791 = arith.index_cast %get3A_789 : i32 to index
      %get3A_792 = arith.constant 0 : index
      %get3A_793 = tpu.vector_load %arg7[%get3A_790, %get3A_791, %get3A_792] {strides = array<i32>} : memref<8x2x16xf32, #tpu.memory_space<vmem>>, vector<1x1x16xf32>,
      %get3A_794 = vector.shape_cast %get3A_793 : vector<1x1x16xf32> to vector<16xf32>
      %convert_element_type3A_795 = arith.fptosi %get3A_794 : vector<16xf32> to vector<16xi32>
      %eq3A_796 = arith.cmpi eq, %convert_element_type3A_795, %select_n3A_234 : vector<16xi32>
      %broadcast_in_dim3A_797 = vector.broadcast %squeeze3A : f32 to vector<16xf32>
      %select_n3A_798 = arith.select %eq3A_796, %broadcast_in_dim3A_797, %get3A_788 : vector<16xi1>, vector<16xf32>
      %eq3A_799 = arith.cmpi eq, %convert_element_type3A_795, %select_n3A_494 : vector<16xi32>
      %broadcast_in_dim3A_800 = vector.broadcast %squeeze3A : f32 to vector<16xf32>
      %select_n3A_801 = arith.select %eq3A_799, %broadcast_in_dim3A_800, %select_n3A_798 : vector<16xi1>, vector<16xf32>
      %eq3A_802 = arith.cmpi eq, %convert_element_type3A_795, %select_n3A_778 : vector<16xi32>
      %broadcast_in_dim3A_803 = vector.broadcast %squeeze3A : f32 to vector<16xf32>
      %select_n3A_804 = arith.select %eq3A_802, %broadcast_in_dim3A_803, %select_n3A_801 : vector<16xi1>, vector<16xf32>
      %gt3A_805 = arith.cmpf ogt, %select_n3A_804, %broadcast_in_dim3A_779 : vector<16xf32>
      %eq3A_806 = arith.cmpf oeq, %select_n3A_804, %broadcast_in_dim3A_779 : vector<16xf32>
      %lt3A_807 = arith.cmpi slt, %convert_element_type3A_795, %broadcast_in_dim3A_781 : vector<16xi32>
      %and3A_808 = arith.andi %eq3A_806, %lt3A_807 : vector<16xi1>
      %or3A_809 = arith.ori %gt3A_805, %and3A_808 : vector<16xi1>
      %select_n3A_810 = arith.select %or3A_809, %select_n3A_804, %broadcast_in_dim3A_779 : vector<16xi1>, vector<16xf32>
      %select_n3A_811 = arith.select %or3A_809, %convert_element_type3A_795, %broadcast_in_dim3A_781 : vector<16xi1>, vector<16xi32>
      %scan3A_812 = arith.constant 1 : i32
      %get3A_813 = arith.constant 0 : i32
      %get3A_814 = arith.index_cast %scan3A_812 : i32 to index
      %get3A_815 = arith.index_cast %get3A_813 : i32 to index
      %get3A_816 = arith.constant 0 : index
      %get3A_817 = tpu.vector_load %arg7[%get3A_814, %get3A_815, %get3A_816] {strides = array<i32>} : memref<8x2x16xf32, #tpu.memory_space<vmem>>, vector<1x1x16xf32>,
      %get3A_818 = vector.shape_cast %get3A_817 : vector<1x1x16xf32> to vector<16xf32>
      %get3A_819 = arith.constant 1 : i32
      %get3A_820 = arith.index_cast %scan3A_812 : i32 to index
      %get3A_821 = arith.index_cast %get3A_819 : i32 to index
      %get3A_822 = arith.constant 0 : index
      %get3A_823 = tpu.vector_load %arg7[%get3A_820, %get3A_821, %get3A_822] {strides = array<i32>} : memref<8x2x16xf32, #tpu.memory_space<vmem>>, vector<1x1x16xf32>,
      %get3A_824 = vector.shape_cast %get3A_823 : vector<1x1x16xf32> to vector<16xf32>
      %convert_element_type3A_825 = arith.fptosi %get3A_824 : vector<16xf32> to vector<16xi32>
      %eq3A_826 = arith.cmpi eq, %convert_element_type3A_825, %select_n3A_234 : vector<16xi32>
      %broadcast_in_dim3A_827 = vector.broadcast %squeeze3A : f32 to vector<16xf32>
      %select_n3A_828 = arith.select %eq3A_826, %broadcast_in_dim3A_827, %get3A_818 : vector<16xi1>, vector<16xf32>
      %eq3A_829 = arith.cmpi eq, %convert_element_type3A_825, %select_n3A_494 : vector<16xi32>
      %broadcast_in_dim3A_830 = vector.broadcast %squeeze3A : f32 to vector<16xf32>
      %select_n3A_831 = arith.select %eq3A_829, %broadcast_in_dim3A_830, %select_n3A_828 : vector<16xi1>, vector<16xf32>
      %eq3A_832 = arith.cmpi eq, %convert_element_type3A_825, %select_n3A_778 : vector<16xi32>
      %broadcast_in_dim3A_833 = vector.broadcast %squeeze3A : f32 to vector<16xf32>
      %select_n3A_834 = arith.select %eq3A_832, %broadcast_in_dim3A_833, %select_n3A_831 : vector<16xi1>, vector<16xf32>
      %gt3A_835 = arith.cmpf ogt, %select_n3A_834, %select_n3A_810 : vector<16xf32>
      %eq3A_836 = arith.cmpf oeq, %select_n3A_834, %select_n3A_810 : vector<16xf32>
      %lt3A_837 = arith.cmpi slt, %convert_element_type3A_825, %select_n3A_811 : vector<16xi32>
      %and3A_838 = arith.andi %eq3A_836, %lt3A_837 : vector<16xi1>
      %or3A_839 = arith.ori %gt3A_835, %and3A_838 : vector<16xi1>
      %select_n3A_840 = arith.select %or3A_839, %select_n3A_834, %select_n3A_810 : vector<16xi1>, vector<16xf32>
      %select_n3A_841 = arith.select %or3A_839, %convert_element_type3A_825, %select_n3A_811 : vector<16xi1>, vector<16xi32>
      %scan3A_842 = arith.constant 2 : i32
      %get3A_843 = arith.constant 0 : i32
      %get3A_844 = arith.index_cast %scan3A_842 : i32 to index
      %get3A_845 = arith.index_cast %get3A_843 : i32 to index
      %get3A_846 = arith.constant 0 : index
      %get3A_847 = tpu.vector_load %arg7[%get3A_844, %get3A_845, %get3A_846] {strides = array<i32>} : memref<8x2x16xf32, #tpu.memory_space<vmem>>, vector<1x1x16xf32>,
      %get3A_848 = vector.shape_cast %get3A_847 : vector<1x1x16xf32> to vector<16xf32>
      %get3A_849 = arith.constant 1 : i32
      %get3A_850 = arith.index_cast %scan3A_842 : i32 to index
      %get3A_851 = arith.index_cast %get3A_849 : i32 to index
      %get3A_852 = arith.constant 0 : index
      %get3A_853 = tpu.vector_load %arg7[%get3A_850, %get3A_851, %get3A_852] {strides = array<i32>} : memref<8x2x16xf32, #tpu.memory_space<vmem>>, vector<1x1x16xf32>,
      %get3A_854 = vector.shape_cast %get3A_853 : vector<1x1x16xf32> to vector<16xf32>
      %convert_element_type3A_855 = arith.fptosi %get3A_854 : vector<16xf32> to vector<16xi32>
      %eq3A_856 = arith.cmpi eq, %convert_element_type3A_855, %select_n3A_234 : vector<16xi32>
      %broadcast_in_dim3A_857 = vector.broadcast %squeeze3A : f32 to vector<16xf32>
      %select_n3A_858 = arith.select %eq3A_856, %broadcast_in_dim3A_857, %get3A_848 : vector<16xi1>, vector<16xf32>
      %eq3A_859 = arith.cmpi eq, %convert_element_type3A_855, %select_n3A_494 : vector<16xi32>
      %broadcast_in_dim3A_860 = vector.broadcast %squeeze3A : f32 to vector<16xf32>
      %select_n3A_861 = arith.select %eq3A_859, %broadcast_in_dim3A_860, %select_n3A_858 : vector<16xi1>, vector<16xf32>
      %eq3A_862 = arith.cmpi eq, %convert_element_type3A_855, %select_n3A_778 : vector<16xi32>
      %broadcast_in_dim3A_863 = vector.broadcast %squeeze3A : f32 to vector<16xf32>
      %select_n3A_864 = arith.select %eq3A_862, %broadcast_in_dim3A_863, %select_n3A_861 : vector<16xi1>, vector<16xf32>
      %gt3A_865 = arith.cmpf ogt, %select_n3A_864, %select_n3A_840 : vector<16xf32>
      %eq3A_866 = arith.cmpf oeq, %select_n3A_864, %select_n3A_840 : vector<16xf32>
      %lt3A_867 = arith.cmpi slt, %convert_element_type3A_855, %select_n3A_841 : vector<16xi32>
      %and3A_868 = arith.andi %eq3A_866, %lt3A_867 : vector<16xi1>
      %or3A_869 = arith.ori %gt3A_865, %and3A_868 : vector<16xi1>
      %select_n3A_870 = arith.select %or3A_869, %select_n3A_864, %select_n3A_840 : vector<16xi1>, vector<16xf32>
      %select_n3A_871 = arith.select %or3A_869, %convert_element_type3A_855, %select_n3A_841 : vector<16xi1>, vector<16xi32>
      %scan3A_872 = arith.constant 3 : i32
      %get3A_873 = arith.constant 0 : i32
      %get3A_874 = arith.index_cast %scan3A_872 : i32 to index
      %get3A_875 = arith.index_cast %get3A_873 : i32 to index
      %get3A_876 = arith.constant 0 : index
      %get3A_877 = tpu.vector_load %arg7[%get3A_874, %get3A_875, %get3A_876] {strides = array<i32>} : memref<8x2x16xf32, #tpu.memory_space<vmem>>, vector<1x1x16xf32>,
      %get3A_878 = vector.shape_cast %get3A_877 : vector<1x1x16xf32> to vector<16xf32>
      %get3A_879 = arith.constant 1 : i32
      %get3A_880 = arith.index_cast %scan3A_872 : i32 to index
      %get3A_881 = arith.index_cast %get3A_879 : i32 to index
      %get3A_882 = arith.constant 0 : index
      %get3A_883 = tpu.vector_load %arg7[%get3A_880, %get3A_881, %get3A_882] {strides = array<i32>} : memref<8x2x16xf32, #tpu.memory_space<vmem>>, vector<1x1x16xf32>,
      %get3A_884 = vector.shape_cast %get3A_883 : vector<1x1x16xf32> to vector<16xf32>
      %convert_element_type3A_885 = arith.fptosi %get3A_884 : vector<16xf32> to vector<16xi32>
      %eq3A_886 = arith.cmpi eq, %convert_element_type3A_885, %select_n3A_234 : vector<16xi32>
      %broadcast_in_dim3A_887 = vector.broadcast %squeeze3A : f32 to vector<16xf32>
      %select_n3A_888 = arith.select %eq3A_886, %broadcast_in_dim3A_887, %get3A_878 : vector<16xi1>, vector<16xf32>
      %eq3A_889 = arith.cmpi eq, %convert_element_type3A_885, %select_n3A_494 : vector<16xi32>
      %broadcast_in_dim3A_890 = vector.broadcast %squeeze3A : f32 to vector<16xf32>
      %select_n3A_891 = arith.select %eq3A_889, %broadcast_in_dim3A_890, %select_n3A_888 : vector<16xi1>, vector<16xf32>
      %eq3A_892 = arith.cmpi eq, %convert_element_type3A_885, %select_n3A_778 : vector<16xi32>
      %broadcast_in_dim3A_893 = vector.broadcast %squeeze3A : f32 to vector<16xf32>
      %select_n3A_894 = arith.select %eq3A_892, %broadcast_in_dim3A_893, %select_n3A_891 : vector<16xi1>, vector<16xf32>
      %gt3A_895 = arith.cmpf ogt, %select_n3A_894, %select_n3A_870 : vector<16xf32>
      %eq3A_896 = arith.cmpf oeq, %select_n3A_894, %select_n3A_870 : vector<16xf32>
      %lt3A_897 = arith.cmpi slt, %convert_element_type3A_885, %select_n3A_871 : vector<16xi32>
      %and3A_898 = arith.andi %eq3A_896, %lt3A_897 : vector<16xi1>
      %or3A_899 = arith.ori %gt3A_895, %and3A_898 : vector<16xi1>
      %select_n3A_900 = arith.select %or3A_899, %select_n3A_894, %select_n3A_870 : vector<16xi1>, vector<16xf32>
      %select_n3A_901 = arith.select %or3A_899, %convert_element_type3A_885, %select_n3A_871 : vector<16xi1>, vector<16xi32>
      %scan3A_902 = arith.constant 4 : i32
      %get3A_903 = arith.constant 0 : i32
      %get3A_904 = arith.index_cast %scan3A_902 : i32 to index
      %get3A_905 = arith.index_cast %get3A_903 : i32 to index
      %get3A_906 = arith.constant 0 : index
      %get3A_907 = tpu.vector_load %arg7[%get3A_904, %get3A_905, %get3A_906] {strides = array<i32>} : memref<8x2x16xf32, #tpu.memory_space<vmem>>, vector<1x1x16xf32>,
      %get3A_908 = vector.shape_cast %get3A_907 : vector<1x1x16xf32> to vector<16xf32>
      %get3A_909 = arith.constant 1 : i32
      %get3A_910 = arith.index_cast %scan3A_902 : i32 to index
      %get3A_911 = arith.index_cast %get3A_909 : i32 to index
      %get3A_912 = arith.constant 0 : index
      %get3A_913 = tpu.vector_load %arg7[%get3A_910, %get3A_911, %get3A_912] {strides = array<i32>} : memref<8x2x16xf32, #tpu.memory_space<vmem>>, vector<1x1x16xf32>,
      %get3A_914 = vector.shape_cast %get3A_913 : vector<1x1x16xf32> to vector<16xf32>
      %convert_element_type3A_915 = arith.fptosi %get3A_914 : vector<16xf32> to vector<16xi32>
      %eq3A_916 = arith.cmpi eq, %convert_element_type3A_915, %select_n3A_234 : vector<16xi32>
      %broadcast_in_dim3A_917 = vector.broadcast %squeeze3A : f32 to vector<16xf32>
      %select_n3A_918 = arith.select %eq3A_916, %broadcast_in_dim3A_917, %get3A_908 : vector<16xi1>, vector<16xf32>
      %eq3A_919 = arith.cmpi eq, %convert_element_type3A_915, %select_n3A_494 : vector<16xi32>
      %broadcast_in_dim3A_920 = vector.broadcast %squeeze3A : f32 to vector<16xf32>
      %select_n3A_921 = arith.select %eq3A_919, %broadcast_in_dim3A_920, %select_n3A_918 : vector<16xi1>, vector<16xf32>
      %eq3A_922 = arith.cmpi eq, %convert_element_type3A_915, %select_n3A_778 : vector<16xi32>
      %broadcast_in_dim3A_923 = vector.broadcast %squeeze3A : f32 to vector<16xf32>
      %select_n3A_924 = arith.select %eq3A_922, %broadcast_in_dim3A_923, %select_n3A_921 : vector<16xi1>, vector<16xf32>
      %gt3A_925 = arith.cmpf ogt, %select_n3A_924, %select_n3A_900 : vector<16xf32>
      %eq3A_926 = arith.cmpf oeq, %select_n3A_924, %select_n3A_900 : vector<16xf32>
      %lt3A_927 = arith.cmpi slt, %convert_element_type3A_915, %select_n3A_901 : vector<16xi32>
      %and3A_928 = arith.andi %eq3A_926, %lt3A_927 : vector<16xi1>
      %or3A_929 = arith.ori %gt3A_925, %and3A_928 : vector<16xi1>
      %select_n3A_930 = arith.select %or3A_929, %select_n3A_924, %select_n3A_900 : vector<16xi1>, vector<16xf32>
      %select_n3A_931 = arith.select %or3A_929, %convert_element_type3A_915, %select_n3A_901 : vector<16xi1>, vector<16xi32>
      %scan3A_932 = arith.constant 5 : i32
      %get3A_933 = arith.constant 0 : i32
      %get3A_934 = arith.index_cast %scan3A_932 : i32 to index
      %get3A_935 = arith.index_cast %get3A_933 : i32 to index
      %get3A_936 = arith.constant 0 : index
      %get3A_937 = tpu.vector_load %arg7[%get3A_934, %get3A_935, %get3A_936] {strides = array<i32>} : memref<8x2x16xf32, #tpu.memory_space<vmem>>, vector<1x1x16xf32>,
      %get3A_938 = vector.shape_cast %get3A_937 : vector<1x1x16xf32> to vector<16xf32>
      %get3A_939 = arith.constant 1 : i32
      %get3A_940 = arith.index_cast %scan3A_932 : i32 to index
      %get3A_941 = arith.index_cast %get3A_939 : i32 to index
      %get3A_942 = arith.constant 0 : index
      %get3A_943 = tpu.vector_load %arg7[%get3A_940, %get3A_941, %get3A_942] {strides = array<i32>} : memref<8x2x16xf32, #tpu.memory_space<vmem>>, vector<1x1x16xf32>,
      %get3A_944 = vector.shape_cast %get3A_943 : vector<1x1x16xf32> to vector<16xf32>
      %convert_element_type3A_945 = arith.fptosi %get3A_944 : vector<16xf32> to vector<16xi32>
      %eq3A_946 = arith.cmpi eq, %convert_element_type3A_945, %select_n3A_234 : vector<16xi32>
      %broadcast_in_dim3A_947 = vector.broadcast %squeeze3A : f32 to vector<16xf32>
      %select_n3A_948 = arith.select %eq3A_946, %broadcast_in_dim3A_947, %get3A_938 : vector<16xi1>, vector<16xf32>
      %eq3A_949 = arith.cmpi eq, %convert_element_type3A_945, %select_n3A_494 : vector<16xi32>
      %broadcast_in_dim3A_950 = vector.broadcast %squeeze3A : f32 to vector<16xf32>
      %select_n3A_951 = arith.select %eq3A_949, %broadcast_in_dim3A_950, %select_n3A_948 : vector<16xi1>, vector<16xf32>
      %eq3A_952 = arith.cmpi eq, %convert_element_type3A_945, %select_n3A_778 : vector<16xi32>
      %broadcast_in_dim3A_953 = vector.broadcast %squeeze3A : f32 to vector<16xf32>
      %select_n3A_954 = arith.select %eq3A_952, %broadcast_in_dim3A_953, %select_n3A_951 : vector<16xi1>, vector<16xf32>
      %gt3A_955 = arith.cmpf ogt, %select_n3A_954, %select_n3A_930 : vector<16xf32>
      %eq3A_956 = arith.cmpf oeq, %select_n3A_954, %select_n3A_930 : vector<16xf32>
      %lt3A_957 = arith.cmpi slt, %convert_element_type3A_945, %select_n3A_931 : vector<16xi32>
      %and3A_958 = arith.andi %eq3A_956, %lt3A_957 : vector<16xi1>
      %or3A_959 = arith.ori %gt3A_955, %and3A_958 : vector<16xi1>
      %select_n3A_960 = arith.select %or3A_959, %select_n3A_954, %select_n3A_930 : vector<16xi1>, vector<16xf32>
      %select_n3A_961 = arith.select %or3A_959, %convert_element_type3A_945, %select_n3A_931 : vector<16xi1>, vector<16xi32>
      %scan3A_962 = arith.constant 6 : i32
      %get3A_963 = arith.constant 0 : i32
      %get3A_964 = arith.index_cast %scan3A_962 : i32 to index
      %get3A_965 = arith.index_cast %get3A_963 : i32 to index
      %get3A_966 = arith.constant 0 : index
      %get3A_967 = tpu.vector_load %arg7[%get3A_964, %get3A_965, %get3A_966] {strides = array<i32>} : memref<8x2x16xf32, #tpu.memory_space<vmem>>, vector<1x1x16xf32>,
      %get3A_968 = vector.shape_cast %get3A_967 : vector<1x1x16xf32> to vector<16xf32>
      %get3A_969 = arith.constant 1 : i32
      %get3A_970 = arith.index_cast %scan3A_962 : i32 to index
      %get3A_971 = arith.index_cast %get3A_969 : i32 to index
      %get3A_972 = arith.constant 0 : index
      %get3A_973 = tpu.vector_load %arg7[%get3A_970, %get3A_971, %get3A_972] {strides = array<i32>} : memref<8x2x16xf32, #tpu.memory_space<vmem>>, vector<1x1x16xf32>,
      %get3A_974 = vector.shape_cast %get3A_973 : vector<1x1x16xf32> to vector<16xf32>
      %convert_element_type3A_975 = arith.fptosi %get3A_974 : vector<16xf32> to vector<16xi32>
      %eq3A_976 = arith.cmpi eq, %convert_element_type3A_975, %select_n3A_234 : vector<16xi32>
      %broadcast_in_dim3A_977 = vector.broadcast %squeeze3A : f32 to vector<16xf32>
      %select_n3A_978 = arith.select %eq3A_976, %broadcast_in_dim3A_977, %get3A_968 : vector<16xi1>, vector<16xf32>
      %eq3A_979 = arith.cmpi eq, %convert_element_type3A_975, %select_n3A_494 : vector<16xi32>
      %broadcast_in_dim3A_980 = vector.broadcast %squeeze3A : f32 to vector<16xf32>
      %select_n3A_981 = arith.select %eq3A_979, %broadcast_in_dim3A_980, %select_n3A_978 : vector<16xi1>, vector<16xf32>
      %eq3A_982 = arith.cmpi eq, %convert_element_type3A_975, %select_n3A_778 : vector<16xi32>
      %broadcast_in_dim3A_983 = vector.broadcast %squeeze3A : f32 to vector<16xf32>
      %select_n3A_984 = arith.select %eq3A_982, %broadcast_in_dim3A_983, %select_n3A_981 : vector<16xi1>, vector<16xf32>
      %gt3A_985 = arith.cmpf ogt, %select_n3A_984, %select_n3A_960 : vector<16xf32>
      %eq3A_986 = arith.cmpf oeq, %select_n3A_984, %select_n3A_960 : vector<16xf32>
      %lt3A_987 = arith.cmpi slt, %convert_element_type3A_975, %select_n3A_961 : vector<16xi32>
      %and3A_988 = arith.andi %eq3A_986, %lt3A_987 : vector<16xi1>
      %or3A_989 = arith.ori %gt3A_985, %and3A_988 : vector<16xi1>
      %select_n3A_990 = arith.select %or3A_989, %select_n3A_984, %select_n3A_960 : vector<16xi1>, vector<16xf32>
      %select_n3A_991 = arith.select %or3A_989, %convert_element_type3A_975, %select_n3A_961 : vector<16xi1>, vector<16xi32>
      %scan3A_992 = arith.constant 7 : i32
      %get3A_993 = arith.constant 0 : i32
      %get3A_994 = arith.index_cast %scan3A_992 : i32 to index
      %get3A_995 = arith.index_cast %get3A_993 : i32 to index
      %get3A_996 = arith.constant 0 : index
      %get3A_997 = tpu.vector_load %arg7[%get3A_994, %get3A_995, %get3A_996] {strides = array<i32>} : memref<8x2x16xf32, #tpu.memory_space<vmem>>, vector<1x1x16xf32>,
      %get3A_998 = vector.shape_cast %get3A_997 : vector<1x1x16xf32> to vector<16xf32>
      %get3A_999 = arith.constant 1 : i32
      %get3A_1000 = arith.index_cast %scan3A_992 : i32 to index
      %get3A_1001 = arith.index_cast %get3A_999 : i32 to index
      %get3A_1002 = arith.constant 0 : index
      %get3A_1003 = tpu.vector_load %arg7[%get3A_1000, %get3A_1001, %get3A_1002] {strides = array<i32>} : memref<8x2x16xf32, #tpu.memory_space<vmem>>, vector<1x1x16xf32>,
      %get3A_1004 = vector.shape_cast %get3A_1003 : vector<1x1x16xf32> to vector<16xf32>
      %convert_element_type3A_1005 = arith.fptosi %get3A_1004 : vector<16xf32> to vector<16xi32>
      %eq3A_1006 = arith.cmpi eq, %convert_element_type3A_1005, %select_n3A_234 : vector<16xi32>
      %broadcast_in_dim3A_1007 = vector.broadcast %squeeze3A : f32 to vector<16xf32>
      %select_n3A_1008 = arith.select %eq3A_1006, %broadcast_in_dim3A_1007, %get3A_998 : vector<16xi1>, vector<16xf32>
      %eq3A_1009 = arith.cmpi eq, %convert_element_type3A_1005, %select_n3A_494 : vector<16xi32>
      %broadcast_in_dim3A_1010 = vector.broadcast %squeeze3A : f32 to vector<16xf32>
      %select_n3A_1011 = arith.select %eq3A_1009, %broadcast_in_dim3A_1010, %select_n3A_1008 : vector<16xi1>, vector<16xf32>
      %eq3A_1012 = arith.cmpi eq, %convert_element_type3A_1005, %select_n3A_778 : vector<16xi32>
      %broadcast_in_dim3A_1013 = vector.broadcast %squeeze3A : f32 to vector<16xf32>
      %select_n3A_1014 = arith.select %eq3A_1012, %broadcast_in_dim3A_1013, %select_n3A_1011 : vector<16xi1>, vector<16xf32>
      %gt3A_1015 = arith.cmpf ogt, %select_n3A_1014, %select_n3A_990 : vector<16xf32>
      %eq3A_1016 = arith.cmpf oeq, %select_n3A_1014, %select_n3A_990 : vector<16xf32>
      %lt3A_1017 = arith.cmpi slt, %convert_element_type3A_1005, %select_n3A_991 : vector<16xi32>
      %and3A_1018 = arith.andi %eq3A_1016, %lt3A_1017 : vector<16xi1>
      %or3A_1019 = arith.ori %gt3A_1015, %and3A_1018 : vector<16xi1>
      %select_n3A_1020 = arith.select %or3A_1019, %select_n3A_1014, %select_n3A_990 : vector<16xi1>, vector<16xf32>
      %select_n3A_1021 = arith.select %or3A_1019, %convert_element_type3A_1005, %select_n3A_991 : vector<16xi1>, vector<16xi32>
      %scan3A_1022 = arith.constant 8 : i32
      %xor3A_1023 = arith.constant 8 : i32
      %xor3A_1024 = vector.broadcast %xor3A_1023 : i32 to vector<16xi32>
      %xor3A_1025 = arith.xori %iota3A, %xor3A_1024 : vector<16xi32>
      %broadcast_in_dim3A_1026 = vector.shape_cast %xor3A_1025 : vector<16xi32> to vector<16x1xi32>
      %gather3A_1027 = vector.shape_cast %broadcast_in_dim3A_1026 : vector<16x1xi32> to vector<16xi32>
      %gather3A_1028 = tpu.dynamic_gather %select_n3A_1020[%gather3A_1027] in [0] : vector<16xf32>, vector<16xi32> -> vector<16xf32>
      %broadcast_in_dim3A_1029 = vector.shape_cast %xor3A_1025 : vector<16xi32> to vector<16x1xi32>
      %gather3A_1030 = vector.shape_cast %broadcast_in_dim3A_1029 : vector<16x1xi32> to vector<16xi32>
      %gather3A_1031 = tpu.dynamic_gather %select_n3A_1021[%gather3A_1030] in [0] : vector<16xi32>, vector<16xi32> -> vector<16xi32>
      %gt3A_1032 = arith.cmpf ogt, %gather3A_1028, %select_n3A_1020 : vector<16xf32>
      %eq3A_1033 = arith.cmpf oeq, %gather3A_1028, %select_n3A_1020 : vector<16xf32>
      %lt3A_1034 = arith.cmpi slt, %gather3A_1031, %select_n3A_1021 : vector<16xi32>
      %and3A_1035 = arith.andi %eq3A_1033, %lt3A_1034 : vector<16xi1>
      %or3A_1036 = arith.ori %gt3A_1032, %and3A_1035 : vector<16xi1>
      %select_n3A_1037 = arith.select %or3A_1036, %gather3A_1028, %select_n3A_1020 : vector<16xi1>, vector<16xf32>
      %select_n3A_1038 = arith.select %or3A_1036, %gather3A_1031, %select_n3A_1021 : vector<16xi1>, vector<16xi32>
      %xor3A_1039 = arith.constant 4 : i32
      %xor3A_1040 = vector.broadcast %xor3A_1039 : i32 to vector<16xi32>
      %xor3A_1041 = arith.xori %iota3A, %xor3A_1040 : vector<16xi32>
      %broadcast_in_dim3A_1042 = vector.shape_cast %xor3A_1041 : vector<16xi32> to vector<16x1xi32>
      %gather3A_1043 = vector.shape_cast %broadcast_in_dim3A_1042 : vector<16x1xi32> to vector<16xi32>
      %gather3A_1044 = tpu.dynamic_gather %select_n3A_1037[%gather3A_1043] in [0] : vector<16xf32>, vector<16xi32> -> vector<16xf32>
      %broadcast_in_dim3A_1045 = vector.shape_cast %xor3A_1041 : vector<16xi32> to vector<16x1xi32>
      %gather3A_1046 = vector.shape_cast %broadcast_in_dim3A_1045 : vector<16x1xi32> to vector<16xi32>
      %gather3A_1047 = tpu.dynamic_gather %select_n3A_1038[%gather3A_1046] in [0] : vector<16xi32>, vector<16xi32> -> vector<16xi32>
      %gt3A_1048 = arith.cmpf ogt, %gather3A_1044, %select_n3A_1037 : vector<16xf32>
      %eq3A_1049 = arith.cmpf oeq, %gather3A_1044, %select_n3A_1037 : vector<16xf32>
      %lt3A_1050 = arith.cmpi slt, %gather3A_1047, %select_n3A_1038 : vector<16xi32>
      %and3A_1051 = arith.andi %eq3A_1049, %lt3A_1050 : vector<16xi1>
      %or3A_1052 = arith.ori %gt3A_1048, %and3A_1051 : vector<16xi1>
      %select_n3A_1053 = arith.select %or3A_1052, %gather3A_1044, %select_n3A_1037 : vector<16xi1>, vector<16xf32>
      %select_n3A_1054 = arith.select %or3A_1052, %gather3A_1047, %select_n3A_1038 : vector<16xi1>, vector<16xi32>
      %xor3A_1055 = arith.constant 2 : i32
      %xor3A_1056 = vector.broadcast %xor3A_1055 : i32 to vector<16xi32>
      %xor3A_1057 = arith.xori %iota3A, %xor3A_1056 : vector<16xi32>
      %broadcast_in_dim3A_1058 = vector.shape_cast %xor3A_1057 : vector<16xi32> to vector<16x1xi32>
      %gather3A_1059 = vector.shape_cast %broadcast_in_dim3A_1058 : vector<16x1xi32> to vector<16xi32>
      %gather3A_1060 = tpu.dynamic_gather %select_n3A_1053[%gather3A_1059] in [0] : vector<16xf32>, vector<16xi32> -> vector<16xf32>
      %broadcast_in_dim3A_1061 = vector.shape_cast %xor3A_1057 : vector<16xi32> to vector<16x1xi32>
      %gather3A_1062 = vector.shape_cast %broadcast_in_dim3A_1061 : vector<16x1xi32> to vector<16xi32>
      %gather3A_1063 = tpu.dynamic_gather %select_n3A_1054[%gather3A_1062] in [0] : vector<16xi32>, vector<16xi32> -> vector<16xi32>
      %gt3A_1064 = arith.cmpf ogt, %gather3A_1060, %select_n3A_1053 : vector<16xf32>
      %eq3A_1065 = arith.cmpf oeq, %gather3A_1060, %select_n3A_1053 : vector<16xf32>
      %lt3A_1066 = arith.cmpi slt, %gather3A_1063, %select_n3A_1054 : vector<16xi32>
      %and3A_1067 = arith.andi %eq3A_1065, %lt3A_1066 : vector<16xi1>
      %or3A_1068 = arith.ori %gt3A_1064, %and3A_1067 : vector<16xi1>
      %select_n3A_1069 = arith.select %or3A_1068, %gather3A_1060, %select_n3A_1053 : vector<16xi1>, vector<16xf32>
      %select_n3A_1070 = arith.select %or3A_1068, %gather3A_1063, %select_n3A_1054 : vector<16xi1>, vector<16xi32>
      %xor3A_1071 = arith.constant 1 : i32
      %xor3A_1072 = vector.broadcast %xor3A_1071 : i32 to vector<16xi32>
      %xor3A_1073 = arith.xori %iota3A, %xor3A_1072 : vector<16xi32>
      %broadcast_in_dim3A_1074 = vector.shape_cast %xor3A_1073 : vector<16xi32> to vector<16x1xi32>
      %gather3A_1075 = vector.shape_cast %broadcast_in_dim3A_1074 : vector<16x1xi32> to vector<16xi32>
      %gather3A_1076 = tpu.dynamic_gather %select_n3A_1069[%gather3A_1075] in [0] : vector<16xf32>, vector<16xi32> -> vector<16xf32>
      %broadcast_in_dim3A_1077 = vector.shape_cast %xor3A_1073 : vector<16xi32> to vector<16x1xi32>
      %gather3A_1078 = vector.shape_cast %broadcast_in_dim3A_1077 : vector<16x1xi32> to vector<16xi32>
      %gather3A_1079 = tpu.dynamic_gather %select_n3A_1070[%gather3A_1078] in [0] : vector<16xi32>, vector<16xi32> -> vector<16xi32>
      %gt3A_1080 = arith.cmpf ogt, %gather3A_1076, %select_n3A_1069 : vector<16xf32>
      %eq3A_1081 = arith.cmpf oeq, %gather3A_1076, %select_n3A_1069 : vector<16xf32>
      %lt3A_1082 = arith.cmpi slt, %gather3A_1079, %select_n3A_1070 : vector<16xi32>
      %and3A_1083 = arith.andi %eq3A_1081, %lt3A_1082 : vector<16xi1>
      %or3A_1084 = arith.ori %gt3A_1080, %and3A_1083 : vector<16xi1>
      %select_n3A_1085 = arith.select %or3A_1084, %gather3A_1076, %select_n3A_1069 : vector<16xi1>, vector<16xf32>
      %select_n3A_1086 = arith.select %or3A_1084, %gather3A_1079, %select_n3A_1070 : vector<16xi1>, vector<16xi32>
      %broadcast_in_dim3A_1087 = vector.broadcast %squeeze3A : f32 to vector<16xf32>
      %broadcast_in_dim3A_1088 = arith.constant 1073741824 : i32
      %broadcast_in_dim3A_1089 = vector.broadcast %broadcast_in_dim3A_1088 : i32 to vector<16xi32>
      %scan3A_1090 = arith.constant 0 : i32
      %get3A_1091 = arith.constant 0 : i32
      %get3A_1092 = arith.index_cast %scan3A_1090 : i32 to index
      %get3A_1093 = arith.index_cast %get3A_1091 : i32 to index
      %get3A_1094 = arith.constant 0 : index
      %get3A_1095 = tpu.vector_load %arg7[%get3A_1092, %get3A_1093, %get3A_1094] {strides = array<i32>} : memref<8x2x16xf32, #tpu.memory_space<vmem>>, vector<1x1x16xf32>,
      %get3A_1096 = vector.shape_cast %get3A_1095 : vector<1x1x16xf32> to vector<16xf32>
      %get3A_1097 = arith.constant 1 : i32
      %get3A_1098 = arith.index_cast %scan3A_1090 : i32 to index
      %get3A_1099 = arith.index_cast %get3A_1097 : i32 to index
      %get3A_1100 = arith.constant 0 : index
      %get3A_1101 = tpu.vector_load %arg7[%get3A_1098, %get3A_1099, %get3A_1100] {strides = array<i32>} : memref<8x2x16xf32, #tpu.memory_space<vmem>>, vector<1x1x16xf32>,
      %get3A_1102 = vector.shape_cast %get3A_1101 : vector<1x1x16xf32> to vector<16xf32>
      %convert_element_type3A_1103 = arith.fptosi %get3A_1102 : vector<16xf32> to vector<16xi32>
      %eq3A_1104 = arith.cmpi eq, %convert_element_type3A_1103, %select_n3A_234 : vector<16xi32>
      %broadcast_in_dim3A_1105 = vector.broadcast %squeeze3A : f32 to vector<16xf32>
      %select_n3A_1106 = arith.select %eq3A_1104, %broadcast_in_dim3A_1105, %get3A_1096 : vector<16xi1>, vector<16xf32>
      %eq3A_1107 = arith.cmpi eq, %convert_element_type3A_1103, %select_n3A_494 : vector<16xi32>
      %broadcast_in_dim3A_1108 = vector.broadcast %squeeze3A : f32 to vector<16xf32>
      %select_n3A_1109 = arith.select %eq3A_1107, %broadcast_in_dim3A_1108, %select_n3A_1106 : vector<16xi1>, vector<16xf32>
      %eq3A_1110 = arith.cmpi eq, %convert_element_type3A_1103, %select_n3A_778 : vector<16xi32>
      %broadcast_in_dim3A_1111 = vector.broadcast %squeeze3A : f32 to vector<16xf32>
      %select_n3A_1112 = arith.select %eq3A_1110, %broadcast_in_dim3A_1111, %select_n3A_1109 : vector<16xi1>, vector<16xf32>
      %eq3A_1113 = arith.cmpi eq, %convert_element_type3A_1103, %select_n3A_1086 : vector<16xi32>
      %broadcast_in_dim3A_1114 = vector.broadcast %squeeze3A : f32 to vector<16xf32>
      %select_n3A_1115 = arith.select %eq3A_1113, %broadcast_in_dim3A_1114, %select_n3A_1112 : vector<16xi1>, vector<16xf32>
      %gt3A_1116 = arith.cmpf ogt, %select_n3A_1115, %broadcast_in_dim3A_1087 : vector<16xf32>
      %eq3A_1117 = arith.cmpf oeq, %select_n3A_1115, %broadcast_in_dim3A_1087 : vector<16xf32>
      %lt3A_1118 = arith.cmpi slt, %convert_element_type3A_1103, %broadcast_in_dim3A_1089 : vector<16xi32>
      %and3A_1119 = arith.andi %eq3A_1117, %lt3A_1118 : vector<16xi1>
      %or3A_1120 = arith.ori %gt3A_1116, %and3A_1119 : vector<16xi1>
      %select_n3A_1121 = arith.select %or3A_1120, %select_n3A_1115, %broadcast_in_dim3A_1087 : vector<16xi1>, vector<16xf32>
      %select_n3A_1122 = arith.select %or3A_1120, %convert_element_type3A_1103, %broadcast_in_dim3A_1089 : vector<16xi1>, vector<16xi32>
      %scan3A_1123 = arith.constant 1 : i32
      %get3A_1124 = arith.constant 0 : i32
      %get3A_1125 = arith.index_cast %scan3A_1123 : i32 to index
      %get3A_1126 = arith.index_cast %get3A_1124 : i32 to index
      %get3A_1127 = arith.constant 0 : index
      %get3A_1128 = tpu.vector_load %arg7[%get3A_1125, %get3A_1126, %get3A_1127] {strides = array<i32>} : memref<8x2x16xf32, #tpu.memory_space<vmem>>, vector<1x1x16xf32>,
      %get3A_1129 = vector.shape_cast %get3A_1128 : vector<1x1x16xf32> to vector<16xf32>
      %get3A_1130 = arith.constant 1 : i32
      %get3A_1131 = arith.index_cast %scan3A_1123 : i32 to index
      %get3A_1132 = arith.index_cast %get3A_1130 : i32 to index
      %get3A_1133 = arith.constant 0 : index
      %get3A_1134 = tpu.vector_load %arg7[%get3A_1131, %get3A_1132, %get3A_1133] {strides = array<i32>} : memref<8x2x16xf32, #tpu.memory_space<vmem>>, vector<1x1x16xf32>,
      %get3A_1135 = vector.shape_cast %get3A_1134 : vector<1x1x16xf32> to vector<16xf32>
      %convert_element_type3A_1136 = arith.fptosi %get3A_1135 : vector<16xf32> to vector<16xi32>
      %eq3A_1137 = arith.cmpi eq, %convert_element_type3A_1136, %select_n3A_234 : vector<16xi32>
      %broadcast_in_dim3A_1138 = vector.broadcast %squeeze3A : f32 to vector<16xf32>
      %select_n3A_1139 = arith.select %eq3A_1137, %broadcast_in_dim3A_1138, %get3A_1129 : vector<16xi1>, vector<16xf32>
      %eq3A_1140 = arith.cmpi eq, %convert_element_type3A_1136, %select_n3A_494 : vector<16xi32>
      %broadcast_in_dim3A_1141 = vector.broadcast %squeeze3A : f32 to vector<16xf32>
      %select_n3A_1142 = arith.select %eq3A_1140, %broadcast_in_dim3A_1141, %select_n3A_1139 : vector<16xi1>, vector<16xf32>
      %eq3A_1143 = arith.cmpi eq, %convert_element_type3A_1136, %select_n3A_778 : vector<16xi32>
      %broadcast_in_dim3A_1144 = vector.broadcast %squeeze3A : f32 to vector<16xf32>
      %select_n3A_1145 = arith.select %eq3A_1143, %broadcast_in_dim3A_1144, %select_n3A_1142 : vector<16xi1>, vector<16xf32>
      %eq3A_1146 = arith.cmpi eq, %convert_element_type3A_1136, %select_n3A_1086 : vector<16xi32>
      %broadcast_in_dim3A_1147 = vector.broadcast %squeeze3A : f32 to vector<16xf32>
      %select_n3A_1148 = arith.select %eq3A_1146, %broadcast_in_dim3A_1147, %select_n3A_1145 : vector<16xi1>, vector<16xf32>
      %gt3A_1149 = arith.cmpf ogt, %select_n3A_1148, %select_n3A_1121 : vector<16xf32>
      %eq3A_1150 = arith.cmpf oeq, %select_n3A_1148, %select_n3A_1121 : vector<16xf32>
      %lt3A_1151 = arith.cmpi slt, %convert_element_type3A_1136, %select_n3A_1122 : vector<16xi32>
      %and3A_1152 = arith.andi %eq3A_1150, %lt3A_1151 : vector<16xi1>
      %or3A_1153 = arith.ori %gt3A_1149, %and3A_1152 : vector<16xi1>
      %select_n3A_1154 = arith.select %or3A_1153, %select_n3A_1148, %select_n3A_1121 : vector<16xi1>, vector<16xf32>
      %select_n3A_1155 = arith.select %or3A_1153, %convert_element_type3A_1136, %select_n3A_1122 : vector<16xi1>, vector<16xi32>
      %scan3A_1156 = arith.constant 2 : i32
      %get3A_1157 = arith.constant 0 : i32
      %get3A_1158 = arith.index_cast %scan3A_1156 : i32 to index
      %get3A_1159 = arith.index_cast %get3A_1157 : i32 to index
      %get3A_1160 = arith.constant 0 : index
      %get3A_1161 = tpu.vector_load %arg7[%get3A_1158, %get3A_1159, %get3A_1160] {strides = array<i32>} : memref<8x2x16xf32, #tpu.memory_space<vmem>>, vector<1x1x16xf32>,
      %get3A_1162 = vector.shape_cast %get3A_1161 : vector<1x1x16xf32> to vector<16xf32>
      %get3A_1163 = arith.constant 1 : i32
      %get3A_1164 = arith.index_cast %scan3A_1156 : i32 to index
      %get3A_1165 = arith.index_cast %get3A_1163 : i32 to index
      %get3A_1166 = arith.constant 0 : index
      %get3A_1167 = tpu.vector_load %arg7[%get3A_1164, %get3A_1165, %get3A_1166] {strides = array<i32>} : memref<8x2x16xf32, #tpu.memory_space<vmem>>, vector<1x1x16xf32>,
      %get3A_1168 = vector.shape_cast %get3A_1167 : vector<1x1x16xf32> to vector<16xf32>
      %convert_element_type3A_1169 = arith.fptosi %get3A_1168 : vector<16xf32> to vector<16xi32>
      %eq3A_1170 = arith.cmpi eq, %convert_element_type3A_1169, %select_n3A_234 : vector<16xi32>
      %broadcast_in_dim3A_1171 = vector.broadcast %squeeze3A : f32 to vector<16xf32>
      %select_n3A_1172 = arith.select %eq3A_1170, %broadcast_in_dim3A_1171, %get3A_1162 : vector<16xi1>, vector<16xf32>
      %eq3A_1173 = arith.cmpi eq, %convert_element_type3A_1169, %select_n3A_494 : vector<16xi32>
      %broadcast_in_dim3A_1174 = vector.broadcast %squeeze3A : f32 to vector<16xf32>
      %select_n3A_1175 = arith.select %eq3A_1173, %broadcast_in_dim3A_1174, %select_n3A_1172 : vector<16xi1>, vector<16xf32>
      %eq3A_1176 = arith.cmpi eq, %convert_element_type3A_1169, %select_n3A_778 : vector<16xi32>
      %broadcast_in_dim3A_1177 = vector.broadcast %squeeze3A : f32 to vector<16xf32>
      %select_n3A_1178 = arith.select %eq3A_1176, %broadcast_in_dim3A_1177, %select_n3A_1175 : vector<16xi1>, vector<16xf32>
      %eq3A_1179 = arith.cmpi eq, %convert_element_type3A_1169, %select_n3A_1086 : vector<16xi32>
      %broadcast_in_dim3A_1180 = vector.broadcast %squeeze3A : f32 to vector<16xf32>
      %select_n3A_1181 = arith.select %eq3A_1179, %broadcast_in_dim3A_1180, %select_n3A_1178 : vector<16xi1>, vector<16xf32>
      %gt3A_1182 = arith.cmpf ogt, %select_n3A_1181, %select_n3A_1154 : vector<16xf32>
      %eq3A_1183 = arith.cmpf oeq, %select_n3A_1181, %select_n3A_1154 : vector<16xf32>
      %lt3A_1184 = arith.cmpi slt, %convert_element_type3A_1169, %select_n3A_1155 : vector<16xi32>
      %and3A_1185 = arith.andi %eq3A_1183, %lt3A_1184 : vector<16xi1>
      %or3A_1186 = arith.ori %gt3A_1182, %and3A_1185 : vector<16xi1>
      %select_n3A_1187 = arith.select %or3A_1186, %select_n3A_1181, %select_n3A_1154 : vector<16xi1>, vector<16xf32>
      %select_n3A_1188 = arith.select %or3A_1186, %convert_element_type3A_1169, %select_n3A_1155 : vector<16xi1>, vector<16xi32>
      %scan3A_1189 = arith.constant 3 : i32
      %get3A_1190 = arith.constant 0 : i32
      %get3A_1191 = arith.index_cast %scan3A_1189 : i32 to index
      %get3A_1192 = arith.index_cast %get3A_1190 : i32 to index
      %get3A_1193 = arith.constant 0 : index
      %get3A_1194 = tpu.vector_load %arg7[%get3A_1191, %get3A_1192, %get3A_1193] {strides = array<i32>} : memref<8x2x16xf32, #tpu.memory_space<vmem>>, vector<1x1x16xf32>,
      %get3A_1195 = vector.shape_cast %get3A_1194 : vector<1x1x16xf32> to vector<16xf32>
      %get3A_1196 = arith.constant 1 : i32
      %get3A_1197 = arith.index_cast %scan3A_1189 : i32 to index
      %get3A_1198 = arith.index_cast %get3A_1196 : i32 to index
      %get3A_1199 = arith.constant 0 : index
      %get3A_1200 = tpu.vector_load %arg7[%get3A_1197, %get3A_1198, %get3A_1199] {strides = array<i32>} : memref<8x2x16xf32, #tpu.memory_space<vmem>>, vector<1x1x16xf32>,
      %get3A_1201 = vector.shape_cast %get3A_1200 : vector<1x1x16xf32> to vector<16xf32>
      %convert_element_type3A_1202 = arith.fptosi %get3A_1201 : vector<16xf32> to vector<16xi32>
      %eq3A_1203 = arith.cmpi eq, %convert_element_type3A_1202, %select_n3A_234 : vector<16xi32>
      %broadcast_in_dim3A_1204 = vector.broadcast %squeeze3A : f32 to vector<16xf32>
      %select_n3A_1205 = arith.select %eq3A_1203, %broadcast_in_dim3A_1204, %get3A_1195 : vector<16xi1>, vector<16xf32>
      %eq3A_1206 = arith.cmpi eq, %convert_element_type3A_1202, %select_n3A_494 : vector<16xi32>
      %broadcast_in_dim3A_1207 = vector.broadcast %squeeze3A : f32 to vector<16xf32>
      %select_n3A_1208 = arith.select %eq3A_1206, %broadcast_in_dim3A_1207, %select_n3A_1205 : vector<16xi1>, vector<16xf32>
      %eq3A_1209 = arith.cmpi eq, %convert_element_type3A_1202, %select_n3A_778 : vector<16xi32>
      %broadcast_in_dim3A_1210 = vector.broadcast %squeeze3A : f32 to vector<16xf32>
      %select_n3A_1211 = arith.select %eq3A_1209, %broadcast_in_dim3A_1210, %select_n3A_1208 : vector<16xi1>, vector<16xf32>
      %eq3A_1212 = arith.cmpi eq, %convert_element_type3A_1202, %select_n3A_1086 : vector<16xi32>
      %broadcast_in_dim3A_1213 = vector.broadcast %squeeze3A : f32 to vector<16xf32>
      %select_n3A_1214 = arith.select %eq3A_1212, %broadcast_in_dim3A_1213, %select_n3A_1211 : vector<16xi1>, vector<16xf32>
      %gt3A_1215 = arith.cmpf ogt, %select_n3A_1214, %select_n3A_1187 : vector<16xf32>
      %eq3A_1216 = arith.cmpf oeq, %select_n3A_1214, %select_n3A_1187 : vector<16xf32>
      %lt3A_1217 = arith.cmpi slt, %convert_element_type3A_1202, %select_n3A_1188 : vector<16xi32>
      %and3A_1218 = arith.andi %eq3A_1216, %lt3A_1217 : vector<16xi1>
      %or3A_1219 = arith.ori %gt3A_1215, %and3A_1218 : vector<16xi1>
      %select_n3A_1220 = arith.select %or3A_1219, %select_n3A_1214, %select_n3A_1187 : vector<16xi1>, vector<16xf32>
      %select_n3A_1221 = arith.select %or3A_1219, %convert_element_type3A_1202, %select_n3A_1188 : vector<16xi1>, vector<16xi32>
      %scan3A_1222 = arith.constant 4 : i32
      %get3A_1223 = arith.constant 0 : i32
      %get3A_1224 = arith.index_cast %scan3A_1222 : i32 to index
      %get3A_1225 = arith.index_cast %get3A_1223 : i32 to index
      %get3A_1226 = arith.constant 0 : index
      %get3A_1227 = tpu.vector_load %arg7[%get3A_1224, %get3A_1225, %get3A_1226] {strides = array<i32>} : memref<8x2x16xf32, #tpu.memory_space<vmem>>, vector<1x1x16xf32>,
      %get3A_1228 = vector.shape_cast %get3A_1227 : vector<1x1x16xf32> to vector<16xf32>
      %get3A_1229 = arith.constant 1 : i32
      %get3A_1230 = arith.index_cast %scan3A_1222 : i32 to index
      %get3A_1231 = arith.index_cast %get3A_1229 : i32 to index
      %get3A_1232 = arith.constant 0 : index
      %get3A_1233 = tpu.vector_load %arg7[%get3A_1230, %get3A_1231, %get3A_1232] {strides = array<i32>} : memref<8x2x16xf32, #tpu.memory_space<vmem>>, vector<1x1x16xf32>,
      %get3A_1234 = vector.shape_cast %get3A_1233 : vector<1x1x16xf32> to vector<16xf32>
      %convert_element_type3A_1235 = arith.fptosi %get3A_1234 : vector<16xf32> to vector<16xi32>
      %eq3A_1236 = arith.cmpi eq, %convert_element_type3A_1235, %select_n3A_234 : vector<16xi32>
      %broadcast_in_dim3A_1237 = vector.broadcast %squeeze3A : f32 to vector<16xf32>
      %select_n3A_1238 = arith.select %eq3A_1236, %broadcast_in_dim3A_1237, %get3A_1228 : vector<16xi1>, vector<16xf32>
      %eq3A_1239 = arith.cmpi eq, %convert_element_type3A_1235, %select_n3A_494 : vector<16xi32>
      %broadcast_in_dim3A_1240 = vector.broadcast %squeeze3A : f32 to vector<16xf32>
      %select_n3A_1241 = arith.select %eq3A_1239, %broadcast_in_dim3A_1240, %select_n3A_1238 : vector<16xi1>, vector<16xf32>
      %eq3A_1242 = arith.cmpi eq, %convert_element_type3A_1235, %select_n3A_778 : vector<16xi32>
      %broadcast_in_dim3A_1243 = vector.broadcast %squeeze3A : f32 to vector<16xf32>
      %select_n3A_1244 = arith.select %eq3A_1242, %broadcast_in_dim3A_1243, %select_n3A_1241 : vector<16xi1>, vector<16xf32>
      %eq3A_1245 = arith.cmpi eq, %convert_element_type3A_1235, %select_n3A_1086 : vector<16xi32>
      %broadcast_in_dim3A_1246 = vector.broadcast %squeeze3A : f32 to vector<16xf32>
      %select_n3A_1247 = arith.select %eq3A_1245, %broadcast_in_dim3A_1246, %select_n3A_1244 : vector<16xi1>, vector<16xf32>
      %gt3A_1248 = arith.cmpf ogt, %select_n3A_1247, %select_n3A_1220 : vector<16xf32>
      %eq3A_1249 = arith.cmpf oeq, %select_n3A_1247, %select_n3A_1220 : vector<16xf32>
      %lt3A_1250 = arith.cmpi slt, %convert_element_type3A_1235, %select_n3A_1221 : vector<16xi32>
      %and3A_1251 = arith.andi %eq3A_1249, %lt3A_1250 : vector<16xi1>
      %or3A_1252 = arith.ori %gt3A_1248, %and3A_1251 : vector<16xi1>
      %select_n3A_1253 = arith.select %or3A_1252, %select_n3A_1247, %select_n3A_1220 : vector<16xi1>, vector<16xf32>
      %select_n3A_1254 = arith.select %or3A_1252, %convert_element_type3A_1235, %select_n3A_1221 : vector<16xi1>, vector<16xi32>
      %scan3A_1255 = arith.constant 5 : i32
      %get3A_1256 = arith.constant 0 : i32
      %get3A_1257 = arith.index_cast %scan3A_1255 : i32 to index
      %get3A_1258 = arith.index_cast %get3A_1256 : i32 to index
      %get3A_1259 = arith.constant 0 : index
      %get3A_1260 = tpu.vector_load %arg7[%get3A_1257, %get3A_1258, %get3A_1259] {strides = array<i32>} : memref<8x2x16xf32, #tpu.memory_space<vmem>>, vector<1x1x16xf32>,
      %get3A_1261 = vector.shape_cast %get3A_1260 : vector<1x1x16xf32> to vector<16xf32>
      %get3A_1262 = arith.constant 1 : i32
      %get3A_1263 = arith.index_cast %scan3A_1255 : i32 to index
      %get3A_1264 = arith.index_cast %get3A_1262 : i32 to index
      %get3A_1265 = arith.constant 0 : index
      %get3A_1266 = tpu.vector_load %arg7[%get3A_1263, %get3A_1264, %get3A_1265] {strides = array<i32>} : memref<8x2x16xf32, #tpu.memory_space<vmem>>, vector<1x1x16xf32>,
      %get3A_1267 = vector.shape_cast %get3A_1266 : vector<1x1x16xf32> to vector<16xf32>
      %convert_element_type3A_1268 = arith.fptosi %get3A_1267 : vector<16xf32> to vector<16xi32>
      %eq3A_1269 = arith.cmpi eq, %convert_element_type3A_1268, %select_n3A_234 : vector<16xi32>
      %broadcast_in_dim3A_1270 = vector.broadcast %squeeze3A : f32 to vector<16xf32>
      %select_n3A_1271 = arith.select %eq3A_1269, %broadcast_in_dim3A_1270, %get3A_1261 : vector<16xi1>, vector<16xf32>
      %eq3A_1272 = arith.cmpi eq, %convert_element_type3A_1268, %select_n3A_494 : vector<16xi32>
      %broadcast_in_dim3A_1273 = vector.broadcast %squeeze3A : f32 to vector<16xf32>
      %select_n3A_1274 = arith.select %eq3A_1272, %broadcast_in_dim3A_1273, %select_n3A_1271 : vector<16xi1>, vector<16xf32>
      %eq3A_1275 = arith.cmpi eq, %convert_element_type3A_1268, %select_n3A_778 : vector<16xi32>
      %broadcast_in_dim3A_1276 = vector.broadcast %squeeze3A : f32 to vector<16xf32>
      %select_n3A_1277 = arith.select %eq3A_1275, %broadcast_in_dim3A_1276, %select_n3A_1274 : vector<16xi1>, vector<16xf32>
      %eq3A_1278 = arith.cmpi eq, %convert_element_type3A_1268, %select_n3A_1086 : vector<16xi32>
      %broadcast_in_dim3A_1279 = vector.broadcast %squeeze3A : f32 to vector<16xf32>
      %select_n3A_1280 = arith.select %eq3A_1278, %broadcast_in_dim3A_1279, %select_n3A_1277 : vector<16xi1>, vector<16xf32>
      %gt3A_1281 = arith.cmpf ogt, %select_n3A_1280, %select_n3A_1253 : vector<16xf32>
      %eq3A_1282 = arith.cmpf oeq, %select_n3A_1280, %select_n3A_1253 : vector<16xf32>
      %lt3A_1283 = arith.cmpi slt, %convert_element_type3A_1268, %select_n3A_1254 : vector<16xi32>
      %and3A_1284 = arith.andi %eq3A_1282, %lt3A_1283 : vector<16xi1>
      %or3A_1285 = arith.ori %gt3A_1281, %and3A_1284 : vector<16xi1>
      %select_n3A_1286 = arith.select %or3A_1285, %select_n3A_1280, %select_n3A_1253 : vector<16xi1>, vector<16xf32>
      %select_n3A_1287 = arith.select %or3A_1285, %convert_element_type3A_1268, %select_n3A_1254 : vector<16xi1>, vector<16xi32>
      %scan3A_1288 = arith.constant 6 : i32
      %get3A_1289 = arith.constant 0 : i32
      %get3A_1290 = arith.index_cast %scan3A_1288 : i32 to index
      %get3A_1291 = arith.index_cast %get3A_1289 : i32 to index
      %get3A_1292 = arith.constant 0 : index
      %get3A_1293 = tpu.vector_load %arg7[%get3A_1290, %get3A_1291, %get3A_1292] {strides = array<i32>} : memref<8x2x16xf32, #tpu.memory_space<vmem>>, vector<1x1x16xf32>,
      %get3A_1294 = vector.shape_cast %get3A_1293 : vector<1x1x16xf32> to vector<16xf32>
      %get3A_1295 = arith.constant 1 : i32
      %get3A_1296 = arith.index_cast %scan3A_1288 : i32 to index
      %get3A_1297 = arith.index_cast %get3A_1295 : i32 to index
      %get3A_1298 = arith.constant 0 : index
      %get3A_1299 = tpu.vector_load %arg7[%get3A_1296, %get3A_1297, %get3A_1298] {strides = array<i32>} : memref<8x2x16xf32, #tpu.memory_space<vmem>>, vector<1x1x16xf32>,
      %get3A_1300 = vector.shape_cast %get3A_1299 : vector<1x1x16xf32> to vector<16xf32>
      %convert_element_type3A_1301 = arith.fptosi %get3A_1300 : vector<16xf32> to vector<16xi32>
      %eq3A_1302 = arith.cmpi eq, %convert_element_type3A_1301, %select_n3A_234 : vector<16xi32>
      %broadcast_in_dim3A_1303 = vector.broadcast %squeeze3A : f32 to vector<16xf32>
      %select_n3A_1304 = arith.select %eq3A_1302, %broadcast_in_dim3A_1303, %get3A_1294 : vector<16xi1>, vector<16xf32>
      %eq3A_1305 = arith.cmpi eq, %convert_element_type3A_1301, %select_n3A_494 : vector<16xi32>
      %broadcast_in_dim3A_1306 = vector.broadcast %squeeze3A : f32 to vector<16xf32>
      %select_n3A_1307 = arith.select %eq3A_1305, %broadcast_in_dim3A_1306, %select_n3A_1304 : vector<16xi1>, vector<16xf32>
      %eq3A_1308 = arith.cmpi eq, %convert_element_type3A_1301, %select_n3A_778 : vector<16xi32>
      %broadcast_in_dim3A_1309 = vector.broadcast %squeeze3A : f32 to vector<16xf32>
      %select_n3A_1310 = arith.select %eq3A_1308, %broadcast_in_dim3A_1309, %select_n3A_1307 : vector<16xi1>, vector<16xf32>
      %eq3A_1311 = arith.cmpi eq, %convert_element_type3A_1301, %select_n3A_1086 : vector<16xi32>
      %broadcast_in_dim3A_1312 = vector.broadcast %squeeze3A : f32 to vector<16xf32>
      %select_n3A_1313 = arith.select %eq3A_1311, %broadcast_in_dim3A_1312, %select_n3A_1310 : vector<16xi1>, vector<16xf32>
      %gt3A_1314 = arith.cmpf ogt, %select_n3A_1313, %select_n3A_1286 : vector<16xf32>
      %eq3A_1315 = arith.cmpf oeq, %select_n3A_1313, %select_n3A_1286 : vector<16xf32>
      %lt3A_1316 = arith.cmpi slt, %convert_element_type3A_1301, %select_n3A_1287 : vector<16xi32>
      %and3A_1317 = arith.andi %eq3A_1315, %lt3A_1316 : vector<16xi1>
      %or3A_1318 = arith.ori %gt3A_1314, %and3A_1317 : vector<16xi1>
      %select_n3A_1319 = arith.select %or3A_1318, %select_n3A_1313, %select_n3A_1286 : vector<16xi1>, vector<16xf32>
      %select_n3A_1320 = arith.select %or3A_1318, %convert_element_type3A_1301, %select_n3A_1287 : vector<16xi1>, vector<16xi32>
      %scan3A_1321 = arith.constant 7 : i32
      %get3A_1322 = arith.constant 0 : i32
      %get3A_1323 = arith.index_cast %scan3A_1321 : i32 to index
      %get3A_1324 = arith.index_cast %get3A_1322 : i32 to index
      %get3A_1325 = arith.constant 0 : index
      %get3A_1326 = tpu.vector_load %arg7[%get3A_1323, %get3A_1324, %get3A_1325] {strides = array<i32>} : memref<8x2x16xf32, #tpu.memory_space<vmem>>, vector<1x1x16xf32>,
      %get3A_1327 = vector.shape_cast %get3A_1326 : vector<1x1x16xf32> to vector<16xf32>
      %get3A_1328 = arith.constant 1 : i32
      %get3A_1329 = arith.index_cast %scan3A_1321 : i32 to index
      %get3A_1330 = arith.index_cast %get3A_1328 : i32 to index
      %get3A_1331 = arith.constant 0 : index
      %get3A_1332 = tpu.vector_load %arg7[%get3A_1329, %get3A_1330, %get3A_1331] {strides = array<i32>} : memref<8x2x16xf32, #tpu.memory_space<vmem>>, vector<1x1x16xf32>,
      %get3A_1333 = vector.shape_cast %get3A_1332 : vector<1x1x16xf32> to vector<16xf32>
      %convert_element_type3A_1334 = arith.fptosi %get3A_1333 : vector<16xf32> to vector<16xi32>
      %eq3A_1335 = arith.cmpi eq, %convert_element_type3A_1334, %select_n3A_234 : vector<16xi32>
      %broadcast_in_dim3A_1336 = vector.broadcast %squeeze3A : f32 to vector<16xf32>
      %select_n3A_1337 = arith.select %eq3A_1335, %broadcast_in_dim3A_1336, %get3A_1327 : vector<16xi1>, vector<16xf32>
      %eq3A_1338 = arith.cmpi eq, %convert_element_type3A_1334, %select_n3A_494 : vector<16xi32>
      %broadcast_in_dim3A_1339 = vector.broadcast %squeeze3A : f32 to vector<16xf32>
      %select_n3A_1340 = arith.select %eq3A_1338, %broadcast_in_dim3A_1339, %select_n3A_1337 : vector<16xi1>, vector<16xf32>
      %eq3A_1341 = arith.cmpi eq, %convert_element_type3A_1334, %select_n3A_778 : vector<16xi32>
      %broadcast_in_dim3A_1342 = vector.broadcast %squeeze3A : f32 to vector<16xf32>
      %select_n3A_1343 = arith.select %eq3A_1341, %broadcast_in_dim3A_1342, %select_n3A_1340 : vector<16xi1>, vector<16xf32>
      %eq3A_1344 = arith.cmpi eq, %convert_element_type3A_1334, %select_n3A_1086 : vector<16xi32>
      %broadcast_in_dim3A_1345 = vector.broadcast %squeeze3A : f32 to vector<16xf32>
      %select_n3A_1346 = arith.select %eq3A_1344, %broadcast_in_dim3A_1345, %select_n3A_1343 : vector<16xi1>, vector<16xf32>
      %gt3A_1347 = arith.cmpf ogt, %select_n3A_1346, %select_n3A_1319 : vector<16xf32>
      %eq3A_1348 = arith.cmpf oeq, %select_n3A_1346, %select_n3A_1319 : vector<16xf32>
      %lt3A_1349 = arith.cmpi slt, %convert_element_type3A_1334, %select_n3A_1320 : vector<16xi32>
      %and3A_1350 = arith.andi %eq3A_1348, %lt3A_1349 : vector<16xi1>
      %or3A_1351 = arith.ori %gt3A_1347, %and3A_1350 : vector<16xi1>
      %select_n3A_1352 = arith.select %or3A_1351, %select_n3A_1346, %select_n3A_1319 : vector<16xi1>, vector<16xf32>
      %select_n3A_1353 = arith.select %or3A_1351, %convert_element_type3A_1334, %select_n3A_1320 : vector<16xi1>, vector<16xi32>
      %scan3A_1354 = arith.constant 8 : i32
      %xor3A_1355 = arith.constant 8 : i32
      %xor3A_1356 = vector.broadcast %xor3A_1355 : i32 to vector<16xi32>
      %xor3A_1357 = arith.xori %iota3A, %xor3A_1356 : vector<16xi32>
      %broadcast_in_dim3A_1358 = vector.shape_cast %xor3A_1357 : vector<16xi32> to vector<16x1xi32>
      %gather3A_1359 = vector.shape_cast %broadcast_in_dim3A_1358 : vector<16x1xi32> to vector<16xi32>
      %gather3A_1360 = tpu.dynamic_gather %select_n3A_1352[%gather3A_1359] in [0] : vector<16xf32>, vector<16xi32> -> vector<16xf32>
      %broadcast_in_dim3A_1361 = vector.shape_cast %xor3A_1357 : vector<16xi32> to vector<16x1xi32>
      %gather3A_1362 = vector.shape_cast %broadcast_in_dim3A_1361 : vector<16x1xi32> to vector<16xi32>
      %gather3A_1363 = tpu.dynamic_gather %select_n3A_1353[%gather3A_1362] in [0] : vector<16xi32>, vector<16xi32> -> vector<16xi32>
      %gt3A_1364 = arith.cmpf ogt, %gather3A_1360, %select_n3A_1352 : vector<16xf32>
      %eq3A_1365 = arith.cmpf oeq, %gather3A_1360, %select_n3A_1352 : vector<16xf32>
      %lt3A_1366 = arith.cmpi slt, %gather3A_1363, %select_n3A_1353 : vector<16xi32>
      %and3A_1367 = arith.andi %eq3A_1365, %lt3A_1366 : vector<16xi1>
      %or3A_1368 = arith.ori %gt3A_1364, %and3A_1367 : vector<16xi1>
      %select_n3A_1369 = arith.select %or3A_1368, %gather3A_1360, %select_n3A_1352 : vector<16xi1>, vector<16xf32>
      %select_n3A_1370 = arith.select %or3A_1368, %gather3A_1363, %select_n3A_1353 : vector<16xi1>, vector<16xi32>
      %xor3A_1371 = arith.constant 4 : i32
      %xor3A_1372 = vector.broadcast %xor3A_1371 : i32 to vector<16xi32>
      %xor3A_1373 = arith.xori %iota3A, %xor3A_1372 : vector<16xi32>
      %broadcast_in_dim3A_1374 = vector.shape_cast %xor3A_1373 : vector<16xi32> to vector<16x1xi32>
      %gather3A_1375 = vector.shape_cast %broadcast_in_dim3A_1374 : vector<16x1xi32> to vector<16xi32>
      %gather3A_1376 = tpu.dynamic_gather %select_n3A_1369[%gather3A_1375] in [0] : vector<16xf32>, vector<16xi32> -> vector<16xf32>
      %broadcast_in_dim3A_1377 = vector.shape_cast %xor3A_1373 : vector<16xi32> to vector<16x1xi32>
      %gather3A_1378 = vector.shape_cast %broadcast_in_dim3A_1377 : vector<16x1xi32> to vector<16xi32>
      %gather3A_1379 = tpu.dynamic_gather %select_n3A_1370[%gather3A_1378] in [0] : vector<16xi32>, vector<16xi32> -> vector<16xi32>
      %gt3A_1380 = arith.cmpf ogt, %gather3A_1376, %select_n3A_1369 : vector<16xf32>
      %eq3A_1381 = arith.cmpf oeq, %gather3A_1376, %select_n3A_1369 : vector<16xf32>
      %lt3A_1382 = arith.cmpi slt, %gather3A_1379, %select_n3A_1370 : vector<16xi32>
      %and3A_1383 = arith.andi %eq3A_1381, %lt3A_1382 : vector<16xi1>
      %or3A_1384 = arith.ori %gt3A_1380, %and3A_1383 : vector<16xi1>
      %select_n3A_1385 = arith.select %or3A_1384, %gather3A_1376, %select_n3A_1369 : vector<16xi1>, vector<16xf32>
      %select_n3A_1386 = arith.select %or3A_1384, %gather3A_1379, %select_n3A_1370 : vector<16xi1>, vector<16xi32>
      %xor3A_1387 = arith.constant 2 : i32
      %xor3A_1388 = vector.broadcast %xor3A_1387 : i32 to vector<16xi32>
      %xor3A_1389 = arith.xori %iota3A, %xor3A_1388 : vector<16xi32>
      %broadcast_in_dim3A_1390 = vector.shape_cast %xor3A_1389 : vector<16xi32> to vector<16x1xi32>
      %gather3A_1391 = vector.shape_cast %broadcast_in_dim3A_1390 : vector<16x1xi32> to vector<16xi32>
      %gather3A_1392 = tpu.dynamic_gather %select_n3A_1385[%gather3A_1391] in [0] : vector<16xf32>, vector<16xi32> -> vector<16xf32>
      %broadcast_in_dim3A_1393 = vector.shape_cast %xor3A_1389 : vector<16xi32> to vector<16x1xi32>
      %gather3A_1394 = vector.shape_cast %broadcast_in_dim3A_1393 : vector<16x1xi32> to vector<16xi32>
      %gather3A_1395 = tpu.dynamic_gather %select_n3A_1386[%gather3A_1394] in [0] : vector<16xi32>, vector<16xi32> -> vector<16xi32>
      %gt3A_1396 = arith.cmpf ogt, %gather3A_1392, %select_n3A_1385 : vector<16xf32>
      %eq3A_1397 = arith.cmpf oeq, %gather3A_1392, %select_n3A_1385 : vector<16xf32>
      %lt3A_1398 = arith.cmpi slt, %gather3A_1395, %select_n3A_1386 : vector<16xi32>
      %and3A_1399 = arith.andi %eq3A_1397, %lt3A_1398 : vector<16xi1>
      %or3A_1400 = arith.ori %gt3A_1396, %and3A_1399 : vector<16xi1>
      %select_n3A_1401 = arith.select %or3A_1400, %gather3A_1392, %select_n3A_1385 : vector<16xi1>, vector<16xf32>
      %select_n3A_1402 = arith.select %or3A_1400, %gather3A_1395, %select_n3A_1386 : vector<16xi1>, vector<16xi32>
      %xor3A_1403 = arith.constant 1 : i32
      %xor3A_1404 = vector.broadcast %xor3A_1403 : i32 to vector<16xi32>
      %xor3A_1405 = arith.xori %iota3A, %xor3A_1404 : vector<16xi32>
      %broadcast_in_dim3A_1406 = vector.shape_cast %xor3A_1405 : vector<16xi32> to vector<16x1xi32>
      %gather3A_1407 = vector.shape_cast %broadcast_in_dim3A_1406 : vector<16x1xi32> to vector<16xi32>
      %gather3A_1408 = tpu.dynamic_gather %select_n3A_1401[%gather3A_1407] in [0] : vector<16xf32>, vector<16xi32> -> vector<16xf32>
      %broadcast_in_dim3A_1409 = vector.shape_cast %xor3A_1405 : vector<16xi32> to vector<16x1xi32>
      %gather3A_1410 = vector.shape_cast %broadcast_in_dim3A_1409 : vector<16x1xi32> to vector<16xi32>
      %gather3A_1411 = tpu.dynamic_gather %select_n3A_1402[%gather3A_1410] in [0] : vector<16xi32>, vector<16xi32> -> vector<16xi32>
      %gt3A_1412 = arith.cmpf ogt, %gather3A_1408, %select_n3A_1401 : vector<16xf32>
      %eq3A_1413 = arith.cmpf oeq, %gather3A_1408, %select_n3A_1401 : vector<16xf32>
      %lt3A_1414 = arith.cmpi slt, %gather3A_1411, %select_n3A_1402 : vector<16xi32>
      %and3A_1415 = arith.andi %eq3A_1413, %lt3A_1414 : vector<16xi1>
      %or3A_1416 = arith.ori %gt3A_1412, %and3A_1415 : vector<16xi1>
      %select_n3A_1417 = arith.select %or3A_1416, %gather3A_1408, %select_n3A_1401 : vector<16xi1>, vector<16xf32>
      %select_n3A_1418 = arith.select %or3A_1416, %gather3A_1411, %select_n3A_1402 : vector<16xi1>, vector<16xi32>
      %sub3A = arith.subf %select_n3A_233, %select_n3A_233 : vector<16xf32>
      %exp3A = math.exp %sub3A : vector<16xf32>
      %sub3A_1419 = arith.subf %select_n3A_493, %select_n3A_233 : vector<16xf32>
      %exp3A_1420 = math.exp %sub3A_1419 : vector<16xf32>
      %sub3A_1421 = arith.subf %select_n3A_777, %select_n3A_233 : vector<16xf32>
      %exp3A_1422 = math.exp %sub3A_1421 : vector<16xf32>
      %sub3A_1423 = arith.subf %select_n3A_1085, %select_n3A_233 : vector<16xf32>
      %exp3A_1424 = math.exp %sub3A_1423 : vector<16xf32>
      %sub3A_1425 = arith.subf %select_n3A_1417, %select_n3A_233 : vector<16xf32>
      %exp3A_1426 = math.exp %sub3A_1425 : vector<16xf32>
      %add3A = arith.addf %exp3A, %exp3A_1420 : vector<16xf32>
      %add3A_1427 = arith.addf %add3A, %exp3A_1422 : vector<16xf32>
      %add3A_1428 = arith.addf %add3A_1427, %exp3A_1424 : vector<16xf32>
      %add3A_1429 = arith.addf %add3A_1428, %exp3A_1426 : vector<16xf32>
      %div3A = arith.divf %exp3A, %add3A_1429 : vector<16xf32>
      %div3A_1430 = arith.divf %exp3A_1420, %add3A_1429 : vector<16xf32>
      %div3A_1431 = arith.divf %exp3A_1422, %add3A_1429 : vector<16xf32>
      %div3A_1432 = arith.divf %exp3A_1424, %add3A_1429 : vector<16xf32>
      %div3A_1433 = arith.divf %exp3A_1426, %add3A_1429 : vector<16xf32>
      %slice3A_1434 = vector.extract_strided_slice %select_n3A_234 {offsets = [0], sizes = [1], strides = [1]} : vector<16xi32> to vector<1xi32>
      %squeeze3A_1435 = vector.extract %slice3A_1434[0] : i32 from vector<1xi32>
      "tpu.region"() ({
        %run_scoped3A = tpu.sem_alloc : memref<!tpu.dma_semaphore, #tpu.memory_space<semaphore_mem>>
        %dma_start3A = arith.constant 0 : i32
        %dma_start3A_1451 = arith.constant 0 : i32
        %dma_start3A_1452 = tpu.memref_slice %arg8[%dma_start3A, %dma_start3A_1451] : memref<5x1024xf32, #tpu.memory_space<vmem>> -> memref<1x1024xf32, #tpu.memory_space<vmem>>
        %dma_start3A_1453 = arith.constant 0 : i32
        %dma_start3A_1454 = tpu.memref_slice %arg3[%squeeze3A_1435, %dma_start3A_1453] : memref<8192x1024xf32, #tpu.memory_space<hbm>> -> memref<1x1024xf32, #tpu.memory_space<hbm>>
        %dma_start3A_1455 = arith.constant 0 : i32
        %dma_start3A_1456 = arith.constant 0 : i32
        %dma_start3A_1457 = tpu.memref_slice %arg8[%dma_start3A_1455, %dma_start3A_1456] : memref<5x1024xf32, #tpu.memory_space<vmem>> -> memref<1x1024xf32, #tpu.memory_space<vmem>>
        %dma_start3A_1458 = arith.constant 0 : i32
        %dma_start3A_1459 = tpu.memref_slice %arg3[%squeeze3A_1435, %dma_start3A_1458] : memref<8192x1024xf32, #tpu.memory_space<hbm>> -> memref<1x1024xf32, #tpu.memory_space<hbm>>
        tpu.enqueue_dma source(%dma_start3A_1459 : memref<1x1024xf32, #tpu.memory_space<hbm>>) target(%dma_start3A_1457 : memref<1x1024xf32, #tpu.memory_space<vmem>>) target_semaphore(%run_scoped3A : memref<!tpu.dma_semaphore, #tpu.memory_space<semaphore_mem>>)
        %dma_wait3A = arith.constant 0 : i32
        %dma_wait3A_1460 = arith.constant 0 : i32
        %dma_wait3A_1461 = tpu.memref_slice %arg8[%dma_wait3A, %dma_wait3A_1460] : memref<5x1024xf32, #tpu.memory_space<vmem>> -> memref<1x1024xf32, #tpu.memory_space<vmem>>
        %dma_wait3A_1462 = arith.constant 0 : i32
        %dma_wait3A_1463 = tpu.memref_slice %arg3[%squeeze3A_1435, %dma_wait3A_1462] : memref<8192x1024xf32, #tpu.memory_space<hbm>> -> memref<1x1024xf32, #tpu.memory_space<hbm>>
        %dma_wait3A_1464 = arith.constant 0 : i32
        %dma_wait3A_1465 = arith.constant 0 : i32
        %dma_wait3A_1466 = tpu.memref_slice %arg8[%dma_wait3A_1464, %dma_wait3A_1465] : memref<5x1024xf32, #tpu.memory_space<vmem>> -> memref<1x1024xf32, #tpu.memory_space<vmem>>
        %dma_wait3A_1467 = arith.constant 0 : i32
        %dma_wait3A_1468 = tpu.memref_slice %arg3[%squeeze3A_1435, %dma_wait3A_1467] : memref<8192x1024xf32, #tpu.memory_space<hbm>> -> memref<1x1024xf32, #tpu.memory_space<hbm>>
        tpu.wait_dma2 semaphore(%run_scoped3A : memref<!tpu.dma_semaphore, #tpu.memory_space<semaphore_mem>>) src(%dma_wait3A_1468 : memref<1x1024xf32, #tpu.memory_space<hbm>>) dst(%dma_wait3A_1466 : memref<1x1024xf32, #tpu.memory_space<vmem>>)
        tpu.yield
      }) : () -> ()
      %slice3A_1436 = vector.extract_strided_slice %select_n3A_494 {offsets = [0], sizes = [1], strides = [1]} : vector<16xi32> to vector<1xi32>
      %squeeze3A_1437 = vector.extract %slice3A_1436[0] : i32 from vector<1xi32>
      "tpu.region"() ({
        %run_scoped3A = tpu.sem_alloc : memref<!tpu.dma_semaphore, #tpu.memory_space<semaphore_mem>>
        %dma_start3A = arith.constant 1 : i32
        %dma_start3A_1451 = arith.constant 0 : i32
        %dma_start3A_1452 = tpu.memref_slice %arg8[%dma_start3A, %dma_start3A_1451] : memref<5x1024xf32, #tpu.memory_space<vmem>> -> memref<1x1024xf32, #tpu.memory_space<vmem>>
        %dma_start3A_1453 = arith.constant 0 : i32
        %dma_start3A_1454 = tpu.memref_slice %arg3[%squeeze3A_1437, %dma_start3A_1453] : memref<8192x1024xf32, #tpu.memory_space<hbm>> -> memref<1x1024xf32, #tpu.memory_space<hbm>>
        %dma_start3A_1455 = arith.constant 1 : i32
        %dma_start3A_1456 = arith.constant 0 : i32
        %dma_start3A_1457 = tpu.memref_slice %arg8[%dma_start3A_1455, %dma_start3A_1456] : memref<5x1024xf32, #tpu.memory_space<vmem>> -> memref<1x1024xf32, #tpu.memory_space<vmem>>
        %dma_start3A_1458 = arith.constant 0 : i32
        %dma_start3A_1459 = tpu.memref_slice %arg3[%squeeze3A_1437, %dma_start3A_1458] : memref<8192x1024xf32, #tpu.memory_space<hbm>> -> memref<1x1024xf32, #tpu.memory_space<hbm>>
        tpu.enqueue_dma source(%dma_start3A_1459 : memref<1x1024xf32, #tpu.memory_space<hbm>>) target(%dma_start3A_1457 : memref<1x1024xf32, #tpu.memory_space<vmem>>) target_semaphore(%run_scoped3A : memref<!tpu.dma_semaphore, #tpu.memory_space<semaphore_mem>>)
        %dma_wait3A = arith.constant 1 : i32
        %dma_wait3A_1460 = arith.constant 0 : i32
        %dma_wait3A_1461 = tpu.memref_slice %arg8[%dma_wait3A, %dma_wait3A_1460] : memref<5x1024xf32, #tpu.memory_space<vmem>> -> memref<1x1024xf32, #tpu.memory_space<vmem>>
        %dma_wait3A_1462 = arith.constant 0 : i32
        %dma_wait3A_1463 = tpu.memref_slice %arg3[%squeeze3A_1437, %dma_wait3A_1462] : memref<8192x1024xf32, #tpu.memory_space<hbm>> -> memref<1x1024xf32, #tpu.memory_space<hbm>>
        %dma_wait3A_1464 = arith.constant 1 : i32
        %dma_wait3A_1465 = arith.constant 0 : i32
        %dma_wait3A_1466 = tpu.memref_slice %arg8[%dma_wait3A_1464, %dma_wait3A_1465] : memref<5x1024xf32, #tpu.memory_space<vmem>> -> memref<1x1024xf32, #tpu.memory_space<vmem>>
        %dma_wait3A_1467 = arith.constant 0 : i32
        %dma_wait3A_1468 = tpu.memref_slice %arg3[%squeeze3A_1437, %dma_wait3A_1467] : memref<8192x1024xf32, #tpu.memory_space<hbm>> -> memref<1x1024xf32, #tpu.memory_space<hbm>>
        tpu.wait_dma2 semaphore(%run_scoped3A : memref<!tpu.dma_semaphore, #tpu.memory_space<semaphore_mem>>) src(%dma_wait3A_1468 : memref<1x1024xf32, #tpu.memory_space<hbm>>) dst(%dma_wait3A_1466 : memref<1x1024xf32, #tpu.memory_space<vmem>>)
        tpu.yield
      }) : () -> ()
      %slice3A_1438 = vector.extract_strided_slice %select_n3A_778 {offsets = [0], sizes = [1], strides = [1]} : vector<16xi32> to vector<1xi32>
      %squeeze3A_1439 = vector.extract %slice3A_1438[0] : i32 from vector<1xi32>
      "tpu.region"() ({
        %run_scoped3A = tpu.sem_alloc : memref<!tpu.dma_semaphore, #tpu.memory_space<semaphore_mem>>
        %dma_start3A = arith.constant 2 : i32
        %dma_start3A_1451 = arith.constant 0 : i32
        %dma_start3A_1452 = tpu.memref_slice %arg8[%dma_start3A, %dma_start3A_1451] : memref<5x1024xf32, #tpu.memory_space<vmem>> -> memref<1x1024xf32, #tpu.memory_space<vmem>>
        %dma_start3A_1453 = arith.constant 0 : i32
        %dma_start3A_1454 = tpu.memref_slice %arg3[%squeeze3A_1439, %dma_start3A_1453] : memref<8192x1024xf32, #tpu.memory_space<hbm>> -> memref<1x1024xf32, #tpu.memory_space<hbm>>
        %dma_start3A_1455 = arith.constant 2 : i32
        %dma_start3A_1456 = arith.constant 0 : i32
        %dma_start3A_1457 = tpu.memref_slice %arg8[%dma_start3A_1455, %dma_start3A_1456] : memref<5x1024xf32, #tpu.memory_space<vmem>> -> memref<1x1024xf32, #tpu.memory_space<vmem>>
        %dma_start3A_1458 = arith.constant 0 : i32
        %dma_start3A_1459 = tpu.memref_slice %arg3[%squeeze3A_1439, %dma_start3A_1458] : memref<8192x1024xf32, #tpu.memory_space<hbm>> -> memref<1x1024xf32, #tpu.memory_space<hbm>>
        tpu.enqueue_dma source(%dma_start3A_1459 : memref<1x1024xf32, #tpu.memory_space<hbm>>) target(%dma_start3A_1457 : memref<1x1024xf32, #tpu.memory_space<vmem>>) target_semaphore(%run_scoped3A : memref<!tpu.dma_semaphore, #tpu.memory_space<semaphore_mem>>)
        %dma_wait3A = arith.constant 2 : i32
        %dma_wait3A_1460 = arith.constant 0 : i32
        %dma_wait3A_1461 = tpu.memref_slice %arg8[%dma_wait3A, %dma_wait3A_1460] : memref<5x1024xf32, #tpu.memory_space<vmem>> -> memref<1x1024xf32, #tpu.memory_space<vmem>>
        %dma_wait3A_1462 = arith.constant 0 : i32
        %dma_wait3A_1463 = tpu.memref_slice %arg3[%squeeze3A_1439, %dma_wait3A_1462] : memref<8192x1024xf32, #tpu.memory_space<hbm>> -> memref<1x1024xf32, #tpu.memory_space<hbm>>
        %dma_wait3A_1464 = arith.constant 2 : i32
        %dma_wait3A_1465 = arith.constant 0 : i32
        %dma_wait3A_1466 = tpu.memref_slice %arg8[%dma_wait3A_1464, %dma_wait3A_1465] : memref<5x1024xf32, #tpu.memory_space<vmem>> -> memref<1x1024xf32, #tpu.memory_space<vmem>>
        %dma_wait3A_1467 = arith.constant 0 : i32
        %dma_wait3A_1468 = tpu.memref_slice %arg3[%squeeze3A_1439, %dma_wait3A_1467] : memref<8192x1024xf32, #tpu.memory_space<hbm>> -> memref<1x1024xf32, #tpu.memory_space<hbm>>
        tpu.wait_dma2 semaphore(%run_scoped3A : memref<!tpu.dma_semaphore, #tpu.memory_space<semaphore_mem>>) src(%dma_wait3A_1468 : memref<1x1024xf32, #tpu.memory_space<hbm>>) dst(%dma_wait3A_1466 : memref<1x1024xf32, #tpu.memory_space<vmem>>)
        tpu.yield
      }) : () -> ()
      %slice3A_1440 = vector.extract_strided_slice %select_n3A_1086 {offsets = [0], sizes = [1], strides = [1]} : vector<16xi32> to vector<1xi32>
      %squeeze3A_1441 = vector.extract %slice3A_1440[0] : i32 from vector<1xi32>
      "tpu.region"() ({
        %run_scoped3A = tpu.sem_alloc : memref<!tpu.dma_semaphore, #tpu.memory_space<semaphore_mem>>
        %dma_start3A = arith.constant 3 : i32
        %dma_start3A_1451 = arith.constant 0 : i32
        %dma_start3A_1452 = tpu.memref_slice %arg8[%dma_start3A, %dma_start3A_1451] : memref<5x1024xf32, #tpu.memory_space<vmem>> -> memref<1x1024xf32, #tpu.memory_space<vmem>>
        %dma_start3A_1453 = arith.constant 0 : i32
        %dma_start3A_1454 = tpu.memref_slice %arg3[%squeeze3A_1441, %dma_start3A_1453] : memref<8192x1024xf32, #tpu.memory_space<hbm>> -> memref<1x1024xf32, #tpu.memory_space<hbm>>
        %dma_start3A_1455 = arith.constant 3 : i32
        %dma_start3A_1456 = arith.constant 0 : i32
        %dma_start3A_1457 = tpu.memref_slice %arg8[%dma_start3A_1455, %dma_start3A_1456] : memref<5x1024xf32, #tpu.memory_space<vmem>> -> memref<1x1024xf32, #tpu.memory_space<vmem>>
        %dma_start3A_1458 = arith.constant 0 : i32
        %dma_start3A_1459 = tpu.memref_slice %arg3[%squeeze3A_1441, %dma_start3A_1458] : memref<8192x1024xf32, #tpu.memory_space<hbm>> -> memref<1x1024xf32, #tpu.memory_space<hbm>>
        tpu.enqueue_dma source(%dma_start3A_1459 : memref<1x1024xf32, #tpu.memory_space<hbm>>) target(%dma_start3A_1457 : memref<1x1024xf32, #tpu.memory_space<vmem>>) target_semaphore(%run_scoped3A : memref<!tpu.dma_semaphore, #tpu.memory_space<semaphore_mem>>)
        %dma_wait3A = arith.constant 3 : i32
        %dma_wait3A_1460 = arith.constant 0 : i32
        %dma_wait3A_1461 = tpu.memref_slice %arg8[%dma_wait3A, %dma_wait3A_1460] : memref<5x1024xf32, #tpu.memory_space<vmem>> -> memref<1x1024xf32, #tpu.memory_space<vmem>>
        %dma_wait3A_1462 = arith.constant 0 : i32
        %dma_wait3A_1463 = tpu.memref_slice %arg3[%squeeze3A_1441, %dma_wait3A_1462] : memref<8192x1024xf32, #tpu.memory_space<hbm>> -> memref<1x1024xf32, #tpu.memory_space<hbm>>
        %dma_wait3A_1464 = arith.constant 3 : i32
        %dma_wait3A_1465 = arith.constant 0 : i32
        %dma_wait3A_1466 = tpu.memref_slice %arg8[%dma_wait3A_1464, %dma_wait3A_1465] : memref<5x1024xf32, #tpu.memory_space<vmem>> -> memref<1x1024xf32, #tpu.memory_space<vmem>>
        %dma_wait3A_1467 = arith.constant 0 : i32
        %dma_wait3A_1468 = tpu.memref_slice %arg3[%squeeze3A_1441, %dma_wait3A_1467] : memref<8192x1024xf32, #tpu.memory_space<hbm>> -> memref<1x1024xf32, #tpu.memory_space<hbm>>
        tpu.wait_dma2 semaphore(%run_scoped3A : memref<!tpu.dma_semaphore, #tpu.memory_space<semaphore_mem>>) src(%dma_wait3A_1468 : memref<1x1024xf32, #tpu.memory_space<hbm>>) dst(%dma_wait3A_1466 : memref<1x1024xf32, #tpu.memory_space<vmem>>)
        tpu.yield
      }) : () -> ()
      %slice3A_1442 = vector.extract_strided_slice %select_n3A_1418 {offsets = [0], sizes = [1], strides = [1]} : vector<16xi32> to vector<1xi32>
      %squeeze3A_1443 = vector.extract %slice3A_1442[0] : i32 from vector<1xi32>
      "tpu.region"() ({
        %run_scoped3A = tpu.sem_alloc : memref<!tpu.dma_semaphore, #tpu.memory_space<semaphore_mem>>
        %dma_start3A = arith.constant 4 : i32
        %dma_start3A_1451 = arith.constant 0 : i32
        %dma_start3A_1452 = tpu.memref_slice %arg8[%dma_start3A, %dma_start3A_1451] : memref<5x1024xf32, #tpu.memory_space<vmem>> -> memref<1x1024xf32, #tpu.memory_space<vmem>>
        %dma_start3A_1453 = arith.constant 0 : i32
        %dma_start3A_1454 = tpu.memref_slice %arg3[%squeeze3A_1443, %dma_start3A_1453] : memref<8192x1024xf32, #tpu.memory_space<hbm>> -> memref<1x1024xf32, #tpu.memory_space<hbm>>
        %dma_start3A_1455 = arith.constant 4 : i32
        %dma_start3A_1456 = arith.constant 0 : i32
        %dma_start3A_1457 = tpu.memref_slice %arg8[%dma_start3A_1455, %dma_start3A_1456] : memref<5x1024xf32, #tpu.memory_space<vmem>> -> memref<1x1024xf32, #tpu.memory_space<vmem>>
        %dma_start3A_1458 = arith.constant 0 : i32
        %dma_start3A_1459 = tpu.memref_slice %arg3[%squeeze3A_1443, %dma_start3A_1458] : memref<8192x1024xf32, #tpu.memory_space<hbm>> -> memref<1x1024xf32, #tpu.memory_space<hbm>>
        tpu.enqueue_dma source(%dma_start3A_1459 : memref<1x1024xf32, #tpu.memory_space<hbm>>) target(%dma_start3A_1457 : memref<1x1024xf32, #tpu.memory_space<vmem>>) target_semaphore(%run_scoped3A : memref<!tpu.dma_semaphore, #tpu.memory_space<semaphore_mem>>)
        %dma_wait3A = arith.constant 4 : i32
        %dma_wait3A_1460 = arith.constant 0 : i32
        %dma_wait3A_1461 = tpu.memref_slice %arg8[%dma_wait3A, %dma_wait3A_1460] : memref<5x1024xf32, #tpu.memory_space<vmem>> -> memref<1x1024xf32, #tpu.memory_space<vmem>>
        %dma_wait3A_1462 = arith.constant 0 : i32
        %dma_wait3A_1463 = tpu.memref_slice %arg3[%squeeze3A_1443, %dma_wait3A_1462] : memref<8192x1024xf32, #tpu.memory_space<hbm>> -> memref<1x1024xf32, #tpu.memory_space<hbm>>
        %dma_wait3A_1464 = arith.constant 4 : i32
        %dma_wait3A_1465 = arith.constant 0 : i32
        %dma_wait3A_1466 = tpu.memref_slice %arg8[%dma_wait3A_1464, %dma_wait3A_1465] : memref<5x1024xf32, #tpu.memory_space<vmem>> -> memref<1x1024xf32, #tpu.memory_space<vmem>>
        %dma_wait3A_1467 = arith.constant 0 : i32
        %dma_wait3A_1468 = tpu.memref_slice %arg3[%squeeze3A_1443, %dma_wait3A_1467] : memref<8192x1024xf32, #tpu.memory_space<hbm>> -> memref<1x1024xf32, #tpu.memory_space<hbm>>
        tpu.wait_dma2 semaphore(%run_scoped3A : memref<!tpu.dma_semaphore, #tpu.memory_space<semaphore_mem>>) src(%dma_wait3A_1468 : memref<1x1024xf32, #tpu.memory_space<hbm>>) dst(%dma_wait3A_1466 : memref<1x1024xf32, #tpu.memory_space<vmem>>)
        tpu.yield
      }) : () -> ()
      %scan3A_1444 = arith.constant 0 : i32
      %scan3A_1445 = arith.constant 0 : i32
      %scan3A_1446 = arith.constant 64 : i32
      %scan3A_1447 = arith.addi %scan3A_1445, %scan3A_1446 : i32
      %scan3A_1448 = arith.constant 1 : i32
      %scan3A_1449 = scf.for %scan3A_1451 = %scan3A_1445 to %scan3A_1447 step %scan3A_1448 iter_args(%scan3A_1452 = %scan3A_1444) -> (i32)  : i32 {
        %mul3A_1453 = arith.constant 16 : i32
        %mul3A_1454 = arith.muli %scan3A_1451, %mul3A_1453 : i32
        %get3A_1455 = arith.constant 0 : i32
        %get3A_1456 = arith.index_cast %get3A_1455 : i32 to index
        %get3A_1457 = arith.index_cast %mul3A_1454 : i32 to index
        %get3A_1458 = tpu.vector_load %arg8[%get3A_1456, %get3A_1457] {strides = array<i32>} : memref<5x1024xf32, #tpu.memory_space<vmem>>, vector<1x16xf32>,
        %get3A_1459 = vector.shape_cast %get3A_1458 : vector<1x16xf32> to vector<16xf32>
        %mul3A_1460 = arith.mulf %div3A, %get3A_1459 : vector<16xf32>
        %get3A_1461 = arith.constant 1 : i32
        %get3A_1462 = arith.index_cast %get3A_1461 : i32 to index
        %get3A_1463 = arith.index_cast %mul3A_1454 : i32 to index
        %get3A_1464 = tpu.vector_load %arg8[%get3A_1462, %get3A_1463] {strides = array<i32>} : memref<5x1024xf32, #tpu.memory_space<vmem>>, vector<1x16xf32>,
        %get3A_1465 = vector.shape_cast %get3A_1464 : vector<1x16xf32> to vector<16xf32>
        %mul3A_1466 = arith.mulf %div3A_1430, %get3A_1465 : vector<16xf32>
        %add3A_1467 = arith.addf %mul3A_1460, %mul3A_1466 : vector<16xf32>
        %get3A_1468 = arith.constant 2 : i32
        %get3A_1469 = arith.index_cast %get3A_1468 : i32 to index
        %get3A_1470 = arith.index_cast %mul3A_1454 : i32 to index
        %get3A_1471 = tpu.vector_load %arg8[%get3A_1469, %get3A_1470] {strides = array<i32>} : memref<5x1024xf32, #tpu.memory_space<vmem>>, vector<1x16xf32>,
        %get3A_1472 = vector.shape_cast %get3A_1471 : vector<1x16xf32> to vector<16xf32>
        %mul3A_1473 = arith.mulf %div3A_1431, %get3A_1472 : vector<16xf32>
        %add3A_1474 = arith.addf %add3A_1467, %mul3A_1473 : vector<16xf32>
        %get3A_1475 = arith.constant 3 : i32
        %get3A_1476 = arith.index_cast %get3A_1475 : i32 to index
        %get3A_1477 = arith.index_cast %mul3A_1454 : i32 to index
        %get3A_1478 = tpu.vector_load %arg8[%get3A_1476, %get3A_1477] {strides = array<i32>} : memref<5x1024xf32, #tpu.memory_space<vmem>>, vector<1x16xf32>,
        %get3A_1479 = vector.shape_cast %get3A_1478 : vector<1x16xf32> to vector<16xf32>
        %mul3A_1480 = arith.mulf %div3A_1432, %get3A_1479 : vector<16xf32>
        %add3A_1481 = arith.addf %add3A_1474, %mul3A_1480 : vector<16xf32>
        %get3A_1482 = arith.constant 4 : i32
        %get3A_1483 = arith.index_cast %get3A_1482 : i32 to index
        %get3A_1484 = arith.index_cast %mul3A_1454 : i32 to index
        %get3A_1485 = tpu.vector_load %arg8[%get3A_1483, %get3A_1484] {strides = array<i32>} : memref<5x1024xf32, #tpu.memory_space<vmem>>, vector<1x16xf32>,
        %get3A_1486 = vector.shape_cast %get3A_1485 : vector<1x16xf32> to vector<16xf32>
        %mul3A_1487 = arith.mulf %div3A_1433, %get3A_1486 : vector<16xf32>
        %add3A_1488 = arith.addf %add3A_1481, %mul3A_1487 : vector<16xf32>
        %swap3A = arith.index_cast %mul3A_1454 : i32 to index
        %swap3A_1489 = tpu.vector_load %arg6[%swap3A] {strides = array<i32>} : memref<1024xf32, #tpu.memory_space<vmem>>, vector<16xf32>,
        %swap3A_1490 = vector.shape_cast %swap3A_1489 : vector<16xf32> to vector<16xf32>
        %swap3A_1491 = vector.shape_cast %add3A_1488 : vector<16xf32> to vector<16xf32>
        tpu.vector_store %arg6[%swap3A], %swap3A_1491 {strides = array<i32>} : memref<1024xf32, #tpu.memory_space<vmem>>, vector<16xf32>,
        %scan3A_1492 = arith.constant 0 : i32
        scf.yield %scan3A_1492 : i32
      }
      %scan3A_1450 = arith.constant 64 : i32
      "tpu.region"() ({
        %run_scoped3A = tpu.sem_alloc : memref<!tpu.dma_semaphore, #tpu.memory_space<semaphore_mem>>
        %dma_start3A = arith.constant 0 : i32
        %dma_start3A_1451 = tpu.memref_slice %arg5[%arg1, %dma_start3A] : memref<4x1024xf32, #tpu.memory_space<hbm>> -> memref<1x1024xf32, #tpu.memory_space<hbm>>
        %dma_start3A_1452 = tpu.memref_squeeze %dma_start3A_1451 : memref<1x1024xf32, #tpu.memory_space<hbm>> -> memref<1024xf32, #tpu.memory_space<hbm>>
        %dma_start3A_1453 = arith.constant 0 : i32
        %dma_start3A_1454 = tpu.memref_slice %arg5[%arg1, %dma_start3A_1453] : memref<4x1024xf32, #tpu.memory_space<hbm>> -> memref<1x1024xf32, #tpu.memory_space<hbm>>
        %dma_start3A_1455 = tpu.memref_squeeze %dma_start3A_1454 : memref<1x1024xf32, #tpu.memory_space<hbm>> -> memref<1024xf32, #tpu.memory_space<hbm>>
        tpu.enqueue_dma source(%arg6 : memref<1024xf32, #tpu.memory_space<vmem>>) target(%dma_start3A_1455 : memref<1024xf32, #tpu.memory_space<hbm>>) target_semaphore(%run_scoped3A : memref<!tpu.dma_semaphore, #tpu.memory_space<semaphore_mem>>)
        %dma_wait3A = arith.constant 0 : i32
        %dma_wait3A_1456 = tpu.memref_slice %arg5[%arg1, %dma_wait3A] : memref<4x1024xf32, #tpu.memory_space<hbm>> -> memref<1x1024xf32, #tpu.memory_space<hbm>>
        %dma_wait3A_1457 = tpu.memref_squeeze %dma_wait3A_1456 : memref<1x1024xf32, #tpu.memory_space<hbm>> -> memref<1024xf32, #tpu.memory_space<hbm>>
        %dma_wait3A_1458 = arith.constant 0 : i32
        %dma_wait3A_1459 = tpu.memref_slice %arg5[%arg1, %dma_wait3A_1458] : memref<4x1024xf32, #tpu.memory_space<hbm>> -> memref<1x1024xf32, #tpu.memory_space<hbm>>
        %dma_wait3A_1460 = tpu.memref_squeeze %dma_wait3A_1459 : memref<1x1024xf32, #tpu.memory_space<hbm>> -> memref<1024xf32, #tpu.memory_space<hbm>>
        tpu.wait_dma2 semaphore(%run_scoped3A : memref<!tpu.dma_semaphore, #tpu.memory_space<semaphore_mem>>) src(%arg6 : memref<1024xf32, #tpu.memory_space<vmem>>) dst(%dma_wait3A_1460 : memref<1024xf32, #tpu.memory_space<hbm>>)
        tpu.yield
      }) : () -> ()
    } else {
    }
    return
  }
}

module attributes {stable_mosaic.version = 14 : i64} {
  func.func @_sum_body(%arg0: i32, %arg1: memref<4x1024x1024xf32, #tpu.memory_space<vmem>>, %arg2: memref<4x1024xf32, #tpu.memory_space<vmem>>) attributes {dimension_semantics = [#tpu.dimension_semantics<arbitrary>], iteration_bounds = array<i64: 4>, scalar_prefetch = 0 : i64, scratch_operands = 0 : i64, tpu.core_type = #tpu.core_type<tc>, window_params = [{transform_indices = @transform_0, window_bounds = array<i64: 4, 1024, 1024>}, {pipeline_mode = #tpu.pipeline_mode<synchronous>, transform_indices = @transform_1, window_bounds = array<i64: 4, 1024>}]} {
    %eq3A = arith.constant 0 : i32
    %eq3A_0 = arith.cmpi eq, %arg0, %eq3A : i32
    %convert_element_type3A = arith.extui %eq3A_0 : i1 to i32
    %cond3A = arith.constant 0 : i32
    %cond3A_1 = arith.cmpi ne, %convert_element_type3A, %cond3A : i32
    scf.if %cond3A_1 {
      %broadcast_in_dim3A = arith.constant 0.000000e+00 : f32
      %broadcast_in_dim3A_11 = vector.broadcast %broadcast_in_dim3A : f32 to vector<4x1024xf32>
      %swap3A_12 = arith.constant 0 : index
      %swap3A_13 = arith.constant 0 : index
      %swap3A_14 = vector.load %arg2[%swap3A_12, %swap3A_13] : memref<4x1024xf32, #tpu.memory_space<vmem>>, vector<4x1024xf32>
      tpu.vector_store %arg2[%swap3A_12, %swap3A_13], %broadcast_in_dim3A_11 {strides = array<i32>} : memref<4x1024xf32, #tpu.memory_space<vmem>>, vector<4x1024xf32>,
    } else {
    }
    %get3A = arith.constant 0 : index
    %get3A_2 = arith.constant 0 : index
    %get3A_3 = vector.load %arg2[%get3A, %get3A_2] : memref<4x1024xf32, #tpu.memory_space<vmem>>, vector<4x1024xf32>
    %get3A_4 = arith.constant 0 : index
    %get3A_5 = arith.constant 0 : index
    %get3A_6 = arith.constant 0 : index
    %get3A_7 = vector.load %arg1[%get3A_4, %get3A_5, %get3A_6] : memref<4x1024x1024xf32, #tpu.memory_space<vmem>>, vector<4x1024x1024xf32>
    %reduce_sum3A = arith.constant dense<0.000000e+00> : vector<4x1024xf32>
    %reduce_sum3A_8 = vector.multi_reduction <add>, %get3A_7, %reduce_sum3A [1] : vector<4x1024x1024xf32> to vector<4x1024xf32>
    %add3A = arith.addf %get3A_3, %reduce_sum3A_8 : vector<4x1024xf32>
    %swap3A = arith.constant 0 : index
    %swap3A_9 = arith.constant 0 : index
    %swap3A_10 = vector.load %arg2[%swap3A, %swap3A_9] : memref<4x1024xf32, #tpu.memory_space<vmem>>, vector<4x1024xf32>
    tpu.vector_store %arg2[%swap3A, %swap3A_9], %add3A {strides = array<i32>} : memref<4x1024xf32, #tpu.memory_space<vmem>>, vector<4x1024xf32>,
    return
  }
  func.func @transform_0(%arg0: i32) -> (i32, i32, i32) {
    %c0_i32 = arith.constant 0 : i32
    %c0_i32_0 = arith.constant 0 : i32
    %c0_i32_1 = arith.constant 0 : i32
    return %c0_i32, %arg0, %c0_i32_0 : i32, i32, i32
  }
  func.func @transform_1(%arg0: i32) -> (i32, i32) {
    %c0_i32 = arith.constant 0 : i32
    %c0_i32_0 = arith.constant 0 : i32
    %c0_i32_1 = arith.constant 0 : i32
    return %c0_i32, %c0_i32_0 : i32, i32
  }
}

module attributes {stable_mosaic.version = 14 : i64} {
  func.func @_scores_body(%arg0: i32, %arg1: memref<4x1024xf32, #tpu.memory_space<vmem>>, %arg2: memref<1024x1024xf32, #tpu.memory_space<vmem>>, %arg3: memref<4x1024xf32, #tpu.memory_space<vmem>>) attributes {dimension_semantics = [#tpu.dimension_semantics<arbitrary>], iteration_bounds = array<i64: 8>, scalar_prefetch = 0 : i64, scratch_operands = 0 : i64, tpu.core_type = #tpu.core_type<tc>, window_params = [{pipeline_mode = #tpu.pipeline_mode<synchronous>, transform_indices = @transform_0, window_bounds = array<i64: 4, 1024>}, {transform_indices = @transform_1, window_bounds = array<i64: 1024, 1024>}, {transform_indices = @transform_2, window_bounds = array<i64: 4, 1024>}]} {
    %get3A = arith.constant 0 : index
    %get3A_0 = arith.constant 0 : index
    %get3A_1 = vector.load %arg1[%get3A, %get3A_0] : memref<4x1024xf32, #tpu.memory_space<vmem>>, vector<4x1024xf32>
    %div3A = arith.constant 4.096000e+03 : f32
    %div3A_2 = vector.broadcast %div3A : f32 to vector<4x1024xf32>
    %div3A_3 = arith.divf %get3A_1, %div3A_2 : vector<4x1024xf32>
    %mul3A = arith.mulf %div3A_3, %div3A_3 : vector<4x1024xf32>
    %reduce_sum3A = arith.constant dense<0.000000e+00> : vector<4xf32>
    %reduce_sum3A_4 = vector.multi_reduction <add>, %mul3A, %reduce_sum3A [1] : vector<4x1024xf32> to vector<4xf32>
    %broadcast_in_dim3A = vector.shape_cast %reduce_sum3A_4 : vector<4xf32> to vector<4x1xf32>
    %sqrt3A = math.sqrt %broadcast_in_dim3A : vector<4x1xf32>
    %max3A = arith.constant 9.99999996E-13 : f32
    %max3A_5 = vector.broadcast %max3A : f32 to vector<4x1xf32>
    %max3A_6 = arith.maximumf %sqrt3A, %max3A_5 : vector<4x1xf32>
    %div3A_7 = vector.broadcast %max3A_6 : vector<4x1xf32> to vector<4x1024xf32>
    %div3A_8 = arith.divf %div3A_3, %div3A_7 : vector<4x1024xf32>
    %get3A_9 = arith.constant 0 : index
    %get3A_10 = arith.constant 0 : index
    %get3A_11 = vector.load %arg2[%get3A_9, %get3A_10] : memref<1024x1024xf32, #tpu.memory_space<vmem>>, vector<1024x1024xf32>
    %mul3A_12 = arith.mulf %get3A_11, %get3A_11 : vector<1024x1024xf32>
    %reduce_sum3A_13 = arith.constant dense<0.000000e+00> : vector<1024xf32>
    %reduce_sum3A_14 = vector.multi_reduction <add>, %mul3A_12, %reduce_sum3A_13 [1] : vector<1024x1024xf32> to vector<1024xf32>
    %broadcast_in_dim3A_15 = vector.shape_cast %reduce_sum3A_14 : vector<1024xf32> to vector<1024x1xf32>
    %sqrt3A_16 = math.sqrt %broadcast_in_dim3A_15 : vector<1024x1xf32>
    %max3A_17 = arith.constant 9.99999996E-13 : f32
    %max3A_18 = vector.broadcast %max3A_17 : f32 to vector<1024x1xf32>
    %max3A_19 = arith.maximumf %sqrt3A_16, %max3A_18 : vector<1024x1xf32>
    %div3A_20 = vector.broadcast %max3A_19 : vector<1024x1xf32> to vector<1024x1024xf32>
    %div3A_21 = arith.divf %get3A_11, %div3A_20 : vector<1024x1024xf32>
    %dot_general3A = arith.constant dense<0.000000e+00> : vector<4x1024xf32>
    %dot_general3A_22 = tpu.matmul %div3A_8, %div3A_21, %dot_general3A {dimension_numbers = #tpu.dot_dimension_numbers<[1], [1], [0], [0], [0, 0, 1, 0], [], []>, transpose_lhs_hint = false} : vector<4x1024xf32>, vector<1024x1024xf32>, vector<4x1024xf32> -> vector<4x1024xf32>
    %swap3A = arith.constant 0 : index
    %swap3A_23 = arith.constant 0 : index
    %swap3A_24 = vector.load %arg3[%swap3A, %swap3A_23] : memref<4x1024xf32, #tpu.memory_space<vmem>>, vector<4x1024xf32>
    tpu.vector_store %arg3[%swap3A, %swap3A_23], %dot_general3A_22 {strides = array<i32>} : memref<4x1024xf32, #tpu.memory_space<vmem>>, vector<4x1024xf32>,
    return
  }
  func.func @transform_0(%arg0: i32) -> (i32, i32) {
    %c0_i32 = arith.constant 0 : i32
    %c0_i32_0 = arith.constant 0 : i32
    %c0_i32_1 = arith.constant 0 : i32
    return %c0_i32, %c0_i32_0 : i32, i32
  }
  func.func @transform_1(%arg0: i32) -> (i32, i32) {
    %c0_i32 = arith.constant 0 : i32
    %c0_i32_0 = arith.constant 0 : i32
    return %arg0, %c0_i32 : i32, i32
  }
  func.func @transform_2(%arg0: i32) -> (i32, i32) {
    %c0_i32 = arith.constant 0 : i32
    %c0_i32_0 = arith.constant 0 : i32
    return %c0_i32, %arg0 : i32, i32
  }
}

module attributes {stable_mosaic.version = 14 : i64} {
  func.func @_add_body(%arg0: i32, %arg1: memref<4x512x1024xf32, #tpu.memory_space<vmem>>, %arg2: memref<4x1024xf32, #tpu.memory_space<vmem>>, %arg3: memref<4x512x1024xf32, #tpu.memory_space<vmem>>) attributes {dimension_semantics = [#tpu.dimension_semantics<arbitrary>], iteration_bounds = array<i64: 8>, scalar_prefetch = 0 : i64, scratch_operands = 0 : i64, tpu.core_type = #tpu.core_type<tc>, window_params = [{transform_indices = @transform_0, window_bounds = array<i64: 4, 512, 1024>}, {pipeline_mode = #tpu.pipeline_mode<synchronous>, transform_indices = @transform_1, window_bounds = array<i64: 4, 1024>}, {transform_indices = @transform_2, window_bounds = array<i64: 4, 512, 1024>}]} {
    %get3A = arith.constant 0 : index
    %get3A_0 = arith.constant 0 : index
    %get3A_1 = arith.constant 0 : index
    %get3A_2 = vector.load %arg1[%get3A, %get3A_0, %get3A_1] : memref<4x512x1024xf32, #tpu.memory_space<vmem>>, vector<4x512x1024xf32>
    %get3A_3 = arith.constant 0 : index
    %get3A_4 = arith.constant 0 : index
    %get3A_5 = vector.load %arg2[%get3A_3, %get3A_4] : memref<4x1024xf32, #tpu.memory_space<vmem>>, vector<4x1024xf32>
    %broadcast_in_dim3A = vector.shape_cast %get3A_5 : vector<4x1024xf32> to vector<4x1x1024xf32>
    %mul3A = arith.constant 1.000000e-01 : f32
    %mul3A_6 = vector.broadcast %mul3A : f32 to vector<4x1x1024xf32>
    %mul3A_7 = arith.mulf %mul3A_6, %broadcast_in_dim3A : vector<4x1x1024xf32>
    %add3A = vector.broadcast %mul3A_7 : vector<4x1x1024xf32> to vector<4x512x1024xf32>
    %add3A_8 = arith.addf %get3A_2, %add3A : vector<4x512x1024xf32>
    %swap3A = arith.constant 0 : index
    %swap3A_9 = arith.constant 0 : index
    %swap3A_10 = arith.constant 0 : index
    %swap3A_11 = vector.load %arg3[%swap3A, %swap3A_9, %swap3A_10] : memref<4x512x1024xf32, #tpu.memory_space<vmem>>, vector<4x512x1024xf32>
    tpu.vector_store %arg3[%swap3A, %swap3A_9, %swap3A_10], %add3A_8 {strides = array<i32>} : memref<4x512x1024xf32, #tpu.memory_space<vmem>>, vector<4x512x1024xf32>,
    return
  }
  func.func @transform_0(%arg0: i32) -> (i32, i32, i32) {
    %c0_i32 = arith.constant 0 : i32
    %c0_i32_0 = arith.constant 0 : i32
    %c0_i32_1 = arith.constant 0 : i32
    return %c0_i32, %arg0, %c0_i32_0 : i32, i32, i32
  }
  func.func @transform_1(%arg0: i32) -> (i32, i32) {
    %c0_i32 = arith.constant 0 : i32
    %c0_i32_0 = arith.constant 0 : i32
    %c0_i32_1 = arith.constant 0 : i32
    return %c0_i32, %c0_i32_0 : i32, i32
  }
  func.func @transform_2(%arg0: i32) -> (i32, i32, i32) {
    %c0_i32 = arith.constant 0 : i32
    %c0_i32_0 = arith.constant 0 : i32
    %c0_i32_1 = arith.constant 0 : i32
    return %c0_i32, %arg0, %c0_i32_0 : i32, i32, i32
  }
}

</mosaic_0001>

<sc_bundles>
// kernel: kernel.10.cloned.1.call-start
scs
__scs_entry_jumppad:
0x0: {  	(pc) =	sbr.rel $0x88, $3  }
0x1: {  	(tag) =	ssettag $0x0;
	lr =	simm.s32 $0x1  }
0x2: {  	[smem:$0x3F9F] =	sst lr;
	_ =	strace $0xD0000000  }
0x3: {  	_ = 	snop  }
0x4: {  	_ = 	snop  }
0x5: {  	_ = 	snop  }
0x6: {  	_ = 	snop  }
0x7: {  	_ = 	snop  }
__scs_overlays_trampoline_lowered:
0x8: {  	[smem:$0x3FAE] =	sst s0  }
0x9: {  	[smem:$0x3FAF] =	sst s1  }
0xa: {  	[smem:$0x3FB0] =	sst s2  }
0xb: {  	[smem:$0x3FB1] =	sst s3  }
0xc: {  	[smem:$0x3FB2] =	sst s4  }
0xd: {  	[smem:$0x3FB3] =	sst s5  }
0xe: {  	[smem:$0x3FB4] =	sst s6  }
0xf: {  	[smem:$0x3FB5] =	sst s7  }
0x10: {  	[smem:$0x3FB6] =	sst s8  }
0x11: {  	[smem:$0x3FB7] =	sst s9;
	s0 =	simm.s32 @!p0 $0x0  }
0x12: {  	s1 =	sld [smem:$0x3F9D];
	s0 =	simm.s32 @p0 $0x1  }
0x13: {  	[smem:$0x3FB8] =	sst s0;
	s0 =	simm.s32 @!p1 $0x0  }
0x14: {  	s2 =	sld [smem:$0x3F9C];
	s0 =	simm.s32 @p1 $0x1  }
0x15: {  	[smem:$0x3FB9] =	sst s0;
	s0 =	simm.s32 @!p2 $0x0  }
0x16: {  	s3 =	sld [smem:$0x3FDB];
	s0 =	simm.s32 @p2 $0x1  }
0x17: {  	s4 =	simm.s32 $0x1BF5;
	[smem:$0x3FBB] =	sst s0  }
0x18: {  	s0 =	sld [smem:$0x3F9E];
	_ =	swait.ge [sflag:s4], $0x0  }
0x19: {  	s7 =	sld [smem:$0x3F9F]  }
0x1a: {  	s8 =	sadd.s32 $0xFFFFE003, lr  }
0x1b: {  	s9 =	sadd.s32 $0xFFFFFEF7, lr;
	s5 =	simm.s32 $0xFFFFFFFF;
	p2 =	slt.u32 s8, $0xFFFFF086  }
0x1c: {  	p1 =	slt.u32 s9, $0xF7A;
	s5 =	simm.s32 @!p2 $0x0  }
0x1d: {  	s5 =	simm.s32 @p1 $0x1;
	p0 =	seq.s32 s7, s2  }
0x1e: {  	s7 =	smul.u32 @!p0 $0xF7A, s2;
	p2 =	seq.s32 @!p0 s5, $0x0  }
0x1f: {  	s9 =	smul.u32 $0xF7A, s1;
	s8 =	simm.s32 @!p0 $0x1BF5;
	p2 =	por !p2, p0  }
0x20: {  	[sflag:s8] =	ssyncset.s32 @!p0 $0xFFFFF086;
	s6 =	sadd.s32 @!p0 s3, s7;
	s7 =	simm.s32 @!p0 $0x108  }
0x21: {  	s3 =	sadd.s32 s3, s9;
	s6 =	sadd.s32 @!p0 $0x88, s6;
	s7 =	simm.s32 @p2 $0x1082  }
0x22: {  	[simem:s7], [sflag:s8] =	dma.local @!p0 [hbm:s6], $0xF7A  }
0x23: {  	s9 =	sor.u32 $0xD0000000, s2;
	s6 =	simm.s32 $0x108;
	_ =	swait.ge @!p0 [sflag:s8], $0x0  }
0x24: {  	s3 =	sadd.s32 $0x88, s3;
	s6 =	simm.s32 @!p1 $0x1082;
	[sflag:s4] =	ssyncset.s32 $0xFFFFF086  }
0x25: {  	[simem:s6], [sflag:s4] =	dma.local [hbm:s3], $0xF7A  }
0x26: {  	[smem:$0x3F9F] =	sst s1;
	(tag) =	ssettag s2;
	_ =	strace s9  }
0x27: {  	s1 =	sld [smem:$0x3FAF]  }
0x28: {  	s2 =	sld [smem:$0x3FB0]  }
0x29: {  	s4 =	sld [smem:$0x3FB2]  }
0x2a: {  	p0 =	seq.s32 s5, $0x0;
	s5 =	sld [smem:$0x3FB3]  }
0x2b: {  	s6 =	sld [smem:$0x3FB4]  }
0x2c: {  	s7 =	sld [smem:$0x3FB5]  }
0x2d: {  	s3 =	simm.s32 $0x108;
	s8 =	sld [smem:$0x3FB6]  }
0x2e: {  	s3 =	simm.s32 @!p0 $0x1082;
	s9 =	sld [smem:$0x3FB7]  }
0x2f: {  	lr =	sadd.s32 s0, s3;
	s0 =	sld [smem:$0x3FAE]  }
0x30: {  	s3 =	sld [smem:$0x3FB1]  }
0x31: {  	[smem:$0x3FBA] =	sst s10  }
0x32: {  	s10 =	sld [smem:$0x3FB8];
	_ =	sdelay $0x3  }
0x33: {  	p0 =	seq.s32 s10, $0x1;
	s10 =	sld [smem:$0x3FBA];
	_ =	sdelay $0x3  }
0x34: {  	[smem:$0x3FBA] =	sst s10  }
0x35: {  	s10 =	sld [smem:$0x3FB9];
	_ =	sdelay $0x3  }
0x36: {  	p1 =	seq.s32 s10, $0x1;
	s10 =	sld [smem:$0x3FBA];
	_ =	sdelay $0x3  }
0x37: {  	[smem:$0x3FBA] =	sst s10  }
0x38: {  	s10 =	sld [smem:$0x3FBB]  }
0x39: {  	_ = 	snop;
	(pc) =	sbr.ind lr, $3  }
0x3a: {  	_ = 	snop  }
0x3b: {  	_ = 	snop  }
0x3c: {  	p2 =	seq.s32 s10, $0x1;
	s10 =	sld [smem:$0x3FBA]  }
0x3d: {  	_ =	shalt  }
0x3e: {  	_ =	shalt  }
0x3f: {  	_ =	shalt  }
0x40: {  	_ =	shalt  }
0x41: {  	_ =	shalt  }
0x42: {  	_ =	shalt  }
0x43: {  	_ =	shalt  }
0x44: {  	_ =	shalt  }
0x45: {  	_ =	shalt  }
0x46: {  	_ =	shalt  }
0x47: {  	_ =	shalt  }
0x48: {  	_ =	shalt  }
0x49: {  	_ =	shalt  }
0x4a: {  	_ =	shalt  }
0x4b: {  	_ =	shalt  }
0x4c: {  	_ =	shalt  }
0x4d: {  	_ =	shalt  }
0x4e: {  	_ =	shalt  }
0x4f: {  	_ =	shalt  }
0x50: {  	_ =	shalt  }
0x51: {  	_ =	shalt  }
0x52: {  	_ =	shalt  }
0x53: {  	_ =	shalt  }
0x54: {  	_ =	shalt  }
0x55: {  	_ =	shalt  }
0x56: {  	_ =	shalt  }
0x57: {  	_ =	shalt  }
0x58: {  	_ =	shalt  }
0x59: {  	_ =	shalt  }
0x5a: {  	_ =	shalt  }
0x5b: {  	_ =	shalt  }
0x5c: {  	_ =	shalt  }
0x5d: {  	_ =	shalt  }
0x5e: {  	_ =	shalt  }
0x5f: {  	_ =	shalt  }
0x60: {  	_ =	shalt  }
0x61: {  	_ =	shalt  }
0x62: {  	_ =	shalt  }
0x63: {  	_ =	shalt  }
0x64: {  	_ =	shalt  }
0x65: {  	_ =	shalt  }
0x66: {  	_ =	shalt  }
0x67: {  	_ =	shalt  }
0x68: {  	_ =	shalt  }
0x69: {  	_ =	shalt  }
0x6a: {  	_ =	shalt  }
0x6b: {  	_ =	shalt  }
0x6c: {  	_ =	shalt  }
0x6d: {  	_ =	shalt  }
0x6e: {  	_ =	shalt  }
0x6f: {  	_ =	shalt  }
0x70: {  	_ =	shalt  }
0x71: {  	_ =	shalt  }
0x72: {  	_ =	shalt  }
0x73: {  	_ =	shalt  }
0x74: {  	_ =	shalt  }
0x75: {  	_ =	shalt  }
0x76: {  	_ =	shalt  }
0x77: {  	_ =	shalt  }
0x78: {  	_ =	shalt  }
0x79: {  	_ =	shalt  }
0x7a: {  	_ =	shalt  }
0x7b: {  	_ =	shalt  }
0x7c: {  	_ =	shalt  }
0x7d: {  	_ =	shalt  }
0x7e: {  	_ =	shalt  }
0x7f: {  	_ =	shalt  }
0x80: {  	_ =	shalt  }
0x81: {  	_ =	shalt  }
0x82: {  	_ =	shalt  }
0x83: {  	_ =	shalt  }
0x84: {  	_ =	shalt  }
0x85: {  	_ =	shalt  }
0x86: {  	_ =	shalt  }
0x87: {  	_ =	shalt  }
.Lfunc_end0:
.L_simem_size_0:
called_computation.1_lowered:
.L_overlay_start_0:
0x88: {  	s2 =	sld [smem:$0x3FD9]  }
0x89: {  	s3 =	sld [smem:$0x3FFE];
	_ =	sdelay $0x1  }
0x8a: {  	s1 =	srdreg.scid  }
0x8b: {  	s0 =	sand.u32 $0x1, s1  }
0x8c: {  	s17 =	sshll.u32 s0, $0xA;
	s2 =	sadd.s32 s3, s2  }
0x8d: {  	s2 =	sadd.s32 s2, s17  }
0x8e: {  	[smem:$0x3FC6] =	sst s2  }
0x8f: {  	_ = 	snop  }
0x90: {  	s2 =	sld [smem:$0x3FC8]  }
0x91: {  	s18 =	sld [smem:$0x3FD0];
	(tm) =	ssettm $0x1  }
0x92: {  	s4 =	sld [smem:$0x3FFB];
	_ =	sdelay $0x3  }
0x93: {  	_ =	strace s4  }
0x94: {  	s4 =	sld [smem:$0x3FFC];
	_ =	sdelay $0x3  }
0x95: {  	_ =	strace s4  }
0x96: {  	s4 =	sld [smem:$0x3FFD];
	_ =	sdelay $0x3  }
0x97: {  	_ =	strace s4  }
0x98: {  	_ =	strace $0x8FFFFFFF  }
0x99: {  	s19 =	sld [smem:$0x3FDB];
	_ =	sdelay $0x1  }
0x9a: {  	s5 =	simm.s32 $_scs_section_size  }
0x9b: {  	s6 =	simm.s32 $_size__tile_overlayer_lowered;
	s7 =	simm.s32 $_tile_overlayer_lowered  }
0x9c: {  	s22 =	simm.s32 $0x1BFF;
	s21 =	sshll.u32 s7, $0x1;
	s4 =	sadd.s32 s5, s19  }
0x9d: {  	s8 =	simm.s32 $0x0;
	s20 =	sshll.u32 s6, $0x1;
	s6 =	sadd.s32 s21, s4  }
0x9e: {  	[timem:s8], [sflag:s22] =	dma.local [hbm:s6], s20  }
0x9f: {  	_ =	swait.ge [sflag:s22], s20  }
0xa0: {  	s5 =	ssub.s32 $0x0, s20;
	[sflag:s22] =	ssyncset.done $0x0  }
0xa1: {  	[sflag:s22] =	ssyncadd.s32 s5;
	_ =	sdelay $0x1  }
0xa2: {  	s23 =	simm.s32 $0x1B8B  }
0xa3: {  	_ =	swait.ge [sflag:s23], $0x1  }
0xa4: {  	[sflag:s23] =	ssyncset.done $0x0  }
0xa5: {  	s25 =	simm.s32 $0x1B8E;
	s24 =	sld [smem:$0x3FFE];
	[sflag:s23] =	ssyncadd.s32 $0xFFFFFFFF  }
0xa6: {  	s26 =	simm.s32 $execute0_lowered;
	[smem:$0x3FD2] =	sst s25  }
0xa7: {  	s6 =	sshll.u32 s26, $0x1;
	_ =	strace $0x80000049;
	[dreg:$0x1] =	wrdreg $0xFFFFFFFF  }
0xa8: {  	s28 =	simm.s32 $_size_execute0_lowered;
	s4 =	sadd.s32 s4, s6;
	[dreg:$0x0] =	wrdreg $0x0  }
0xa9: {  	s6 =	sshll.u32 s28, $0x1;
	[dreg:$0x2] =	wrdreg s4  }
0xaa: {  	[dreg:$0x3] =	wrdreg s6  }
0xab: {  	[dreg:$0x4] =	wrdreg $0xC0  }
0xac: {  	_ =	task [dreg:s8], $0x5FFFF  }
0xad: {  	[dreg:$0x1] =	wrdreg $0xFFFFFFFF  }
0xae: {  	[dreg:$0x0] =	wrdreg $0x60  }
0xaf: {  	[dreg:$0x2] =	wrdreg s24  }
0xb0: {  	[dreg:$0x3] =	wrdreg s2  }
0xb1: {  	[dreg:$0x4] =	wrdreg s18  }
0xb2: {  	[dreg:$0x5] =	wrdreg $0x9  }
0xb3: {  	_ =	task.clear_ibuf [dreg:s8], $0x6FFFF;
	_ =	strace $0x90000049  }
0xb4: {  	s29 =	simm.s32 $0x9;
	_ =	strace $0x8000004B  }
0xb5: {  	_ =	swait.ge [sflag:s29], $0x1  }
0xb6: {  	[sflag:s29] =	ssyncadd.s32 $0xFFFFFFFF  }
0xb7: {  	_ =	strace $0x9000004B  }
0xb8: {  	_ =	sfence  }
0xb9: {  	s30 =	sld [smem:$0x0];
	_ =	sdelay $0x2  }
0xba: {  	s31 =	sshll.u32 s1, $0xD;
	s1 =	sshrl.u32 s1, $0x2  }
0xbb: {  	s3 =	sand.u32 $0x4000, s31;
	s1 =	sadd.s32 s1, s30  }
0xbc: {  	s0 =	sor.u32 s3, s0;
	s1 =	sshll.u32 s1, $0x11  }
0xbd: {  	s0 =	sor.u32 s1, s0  }
0xbe: {  	s0 =	sadd.s32 $0x8F2B, s0  }
0xbf: {  	[sflag:s0] =	ssyncadd.remote.s32 $0x1  }
0xc0: {  	_ =	sfence.sel $0xFFFF  }
0xc1: {  	[dreg:$0x0] =	wrdreg $0xFFFFFFFF;
	(pc) =	sbr.abs _section_cstart, $3  }
0xc2: {  	[dreg:$0x1] =	wrdreg $0xFFFFFFFF  }
0xc3: {  	_ =	task.clear_ibuf [dreg:s8], $0x2FFFF;
	_ =	strace $0x9FFFFFFF  }
0xc4: {  	(tm) =	ssettm $0x7FFFFFFF  }
0xc5: {  	_ =	shalt  }
tec
execute0_lowered:
.L_overlay_start_1:
0x0: {  	(tag) =	ssettag $0x1  }
0x1: {  	s0 =	rddreg [dreg:$0x0]  }
0x2: {  	s2 =	rddreg [dreg:$0x1]  }
0x3: {  	s1 =	rddreg [dreg:$0x2];
	s3 =	simm.s32 $0x0;
	s8 =	stileid.u32;
	v0 =	vimm.s32 $0x76543210;
	v1 =	vimm.s32 $0xFEDCBA98;
	v2 =	vimm.s32 $0xBA98FEDC  }
0x4: {  	s4 =	srdreg.scid;
	s9 =	simm.s32 $0x1;
	v3 =	vimm.s32 $0x32107654;
	v4 =	vimm.s32 $0xDCFE98BA;
	s13 =	simm.s32 $0x1180  }
0x5: {  	v5 =	vimm.s32 $0x54761032;
	s14 =	simm.s32 $0x1580;
	s15 =	simm.s32 $0x1980;
	s16 =	simm.s32 $0x1D80  }
0x6: {  	v6 =	vimm.s32 $0xEFCDAB89;
	s17 =	simm.s32 $0x2180;
	s18 =	simm.s32 $0x2580;
	s19 =	simm.s32 $0x2980  }
0x7: {  	v7 =	vimm.s32 $0x67452301;
	s20 =	simm.s32 $0xE00;
	s21 =	simm.s32 $0x1200;
	s22 =	simm.s32 $0x1600  }
0x8: {  	s23 =	simm.s32 $0x1A00;
	s24 =	simm.s32 $0x1E00;
	s28 =	simm.s32 $0x2A00;
	v1 =	vunpack.c.l.s4.s8 v1;
	v0 =	vunpack.c.l.s4.s8 v0;
	v2 =	vunpack.c.l.s4.s8 v2  }
0x9: {  	s29 =	simm.s32 $0x80;
	s30 =	simm.s32 $0x200;
	s31 =	simm.s32 $0x0;
	v3 =	vunpack.c.l.s4.s8 v3;
	v4 =	vunpack.c.l.s4.s8 v4;
	v5 =	vunpack.c.l.s4.s8 v5  }
0xa: {  	[smem:$0x7FF] =	sst s3;
	s5 =	sshll.u32 s8, $0x8;
	s4 =	sand.u32 $0x1, s4;
	v6 =	vunpack.c.l.s4.s8 v6;
	v7 =	vunpack.c.l.s4.s8 v7;
	v1 =	vunpack.c.0.s8.s32 v1  }
0xb: {  	p1 =	slt.u32 s8, $0x4;
	s26 =	sshll.u32 s8, $0x4;
	s8 =	simm.s32 $0x2C00;
	v2 =	vunpack.c.0.s8.s32 v2;
	v3 =	vunpack.c.0.s8.s32 v3;
	v4 =	vunpack.c.0.s8.s32 v4  }
.Ltmp0:
0xc: {  	_ =	strace $0x8000004A;
	s5 =	sadd.s32 s5, s0;
	v5 =	vunpack.c.0.s8.s32 v5;
	v6 =	vunpack.c.0.s8.s32 v6;
	v7 =	vunpack.c.0.s8.s32 v7;
	(pc) =	sbr.rel .LBB2_1-.Ltmp0, $4  }
0xd: {  	s6 =	ssub.s32 $0x2, s4;
	p0 =	seq.s32 s4, $0x0;
	s4 =	sadd.s32 $0xC00, s0;
	v0 =	vunpack.c.0.s8.s32 v0;
	v2 =	vcombine.low v3, v2  }
0xe: {  	s7 =	sshrl.u32 s6, $0x1;
	p0 =	por !p0, !p1;
	s5 =	sadd.s32 $0xE00, s5;
	v3 =	vcombine.low v5, v4;
	v4 =	vcombine.low v7, v6;
	v1 =	vand.u32 $0xF, v1  }
0xf: {  	s25 =	ssub.s32 s6, s7;
	p0 =	por !p0, !p0;
	s6 =	sadd.s32 s1, s26;
	v0 =	vcombine.low v1, v0  }
0x10: {  	s26 =	simm.s32 $0x2600;
	s7 =	smax.u32 s25, $0x1;
	s25 =	simm.s32 $0x2200;
	v1 =	vand.u32 $0xF, v2;
	v2 =	vand.u32 $0xF, v3;
	v3 =	vand.u32 $0xF, v4  }
.LBB2_4:
0x11: {  	v9 =	vld [tilespmem:s11+$0xC00]  }
0x12: {  	v10 =	vld [tilespmem:s11+$0xC80];
	_ =	sdelay $0x1  }
0x13: {  	v11 =	vld [tilespmem:s11+$0xD00];
	_ =	sdelay $0x1  }
0x14: {  	v12 =	vld [tilespmem:s11+$0xD80]  }
0x15: {  	v5 =	vmul.f32 v9, v5;
	v6 =	vmul.f32 v10, v6  }
0x16: {  	v63 =	vld [tilespmem:s11+$0xE00]  }
0x17: {  	v4 =	vmul.f32 v11, v4;
	v5 =	vadd.f32 v6, v5;
	_ =	sdelay $0x1  }
0x18: {  	v4 =	vadd.f32 v4, v5;
	v5 =	vmul.f32 v12, v7;
	_ =	sdelay $0x1  }
0x19: {  	v4 =	vadd.f32 v5, v4;
	v5 =	vmul.f32 v63, v8;
	_ =	sdelay $0x1  }
0x1a: {  	v4 =	vadd.f32 v5, v4  }
0x1b: {  	s0 =	sadd.s32 $0x10, s0  }
0x1c: {  	[tilespmem:s0+$0x0] =	vst v4  }
0x1d: {  	[hbm4b:s6+s29] =	stream.strided.scatter [tilespmem:s3], [sflag:$0x1], $0x400, s30, s29, $0x38;
	[tilespmem:$0x2C80] =	vst v63  }
0x1e: {  	_ =	swait.ge [sflag:s9], $0x400  }
0x1f: {  	[sflag:s9] =	ssyncset.done $0x0  }
0x20: {  	[sflag:s9] =	ssyncadd.s32 $0xFFFFFC00  }
.LBB2_5:
0x21: {  	s31 =	sadd.s32 $0x1, s31  }
0x22: {  	p1 =	sne.s32 s31, s7  }
.Ltmp1:
0x23: {  	_ = 	snop;
	(pc) =	sbr.rel @!p1 .LBB2_6-.Ltmp1, $1  }
0x24: {  	_ =	sdelay $0x3  }
.LBB2_1:
.Ltmp2:
0x25: {  	(pc) =	sbr.rel @!p0 .LBB2_5-.Ltmp2, $4  }
0x26: {  	[tilespmem:s8], [sflag:$0x1] =	stream.linear.gather [hbm4b:s4+s3], $0x1, $0x38;
	[tilespmem:$0x2C80] =	vst v63  }
0x27: {  	_ =	swait.ge [sflag:s9], $0x1  }
0x28: {  	[sflag:s9] =	ssyncset.done $0x0  }
0x29: {  	[sflag:s9] =	ssyncadd.s32 $0xFFFFFFFF  }
0x2a: {  	s0 =	simm.s32 $0x0;
	s1 =	simm.s32 $0x400  }
0x2b: {  	v4 =	vld.msk [tilespmem:$0x2C00 ss:$0x0], $0xffff;
	[tilespmem:s1], [sflag:$0x1] =	stream.linear.gather [hbm4b:s5+s0], $0x800, $0x38  }
0x2c: {  	_ =	swait.ge [sflag:s9], $0x800  }
0x2d: {  	[sflag:s9] =	ssyncset.done $0x0  }
0x2e: {  	[sflag:s9] =	ssyncadd.s32 $0xFFFFF800  }
0x2f: {  	v5 =	vld [tilespmem:$0x480];
	_ =	sdelay $0x2  }
0x30: {  	v15 =	vld [tilespmem:$0x400]  }
0x31: {  	v6 =	vld [tilespmem:$0x580]  }
0x32: {  	v5 =	vtrunc.f32 v5  }
0x33: {  	v14 =	vcvt.f32.s32 v5  }
0x34: {  	v16 =	vld [tilespmem:$0x500]  }
0x35: {  	vm0 =	veq.f32 v15, v4;
	v5 =	vld [tilespmem:$0x680];
	vm1 =	vlt.s32 v14, $0x40000000  }
0x36: {  	vm2 =	vgt.f32 v15, v4;
	v6 =	vtrunc.f32 v6;
	vm0 =	vmand vm0, vm1  }
0x37: {  	v13 =	vcvt.f32.s32 v6;
	vm0 =	vmor vm2, vm0  }
0x38: {  	v18 =	vld [tilespmem:$0x600];
	v6 =	vsel vm0, v15, v4;
	v7 =	vnsel vm0, $0x40000000, v14  }
0x39: {  	v8 =	vld [tilespmem:$0x780];
	vm14 =	veq.f32 v16, v6;
	vm15 =	vgt.s32 v7, v13  }
0x3a: {  	v5 =	vtrunc.f32 v5;
	vm3 =	vgt.f32 v16, v6;
	vm0 =	vmand vm14, vm15  }
0x3b: {  	v11 =	vcvt.f32.s32 v5;
	vm0 =	vmor vm3, vm0  }
0x3c: {  	v19 =	vld [tilespmem:$0x700];
	v5 =	vsel vm0, v16, v6;
	v6 =	vsel vm0, v13, v7  }
0x3d: {  	v7 =	vld [tilespmem:$0x880];
	vm6 =	veq.f32 v18, v5;
	vm7 =	vgt.s32 v6, v11  }
0x3e: {  	v8 =	vtrunc.f32 v8;
	vm8 =	vgt.f32 v18, v5;
	vm0 =	vmand vm6, vm7  }
0x3f: {  	v9 =	vcvt.f32.s32 v8;
	vm0 =	vmor vm8, vm0  }
0x40: {  	v20 =	vld [tilespmem:$0x800];
	v5 =	vsel vm0, v18, v5;
	v6 =	vsel vm0, v11, v6  }
0x41: {  	v8 =	vld [tilespmem:$0x980];
	vm9 =	veq.f32 v19, v5;
	vm10 =	vgt.s32 v6, v9  }
0x42: {  	vm11 =	vgt.f32 v19, v5;
	v7 =	vtrunc.f32 v7;
	vm0 =	vmand vm9, vm10  }
0x43: {  	v7 =	vcvt.f32.s32 v7;
	vm0 =	vmor vm11, vm0  }
0x44: {  	v21 =	vld [tilespmem:$0x900];
	v5 =	vsel vm0, v19, v5;
	v6 =	vsel vm0, v9, v6  }
0x45: {  	v10 =	vld [tilespmem:$0xA80];
	vm12 =	veq.f32 v20, v5;
	vm13 =	vgt.s32 v6, v7  }
0x46: {  	v8 =	vtrunc.f32 v8;
	vm14 =	vgt.f32 v20, v5;
	vm0 =	vmand vm12, vm13  }
0x47: {  	v8 =	vcvt.f32.s32 v8;
	vm0 =	vmor vm14, vm0  }
0x48: {  	v22 =	vld [tilespmem:$0xA00];
	v5 =	vsel vm0, v20, v5;
	v6 =	vsel vm0, v7, v6  }
0x49: {  	v12 =	vld [tilespmem:$0xB80];
	vm15 =	veq.f32 v21, v5;
	vm6 =	vgt.s32 v6, v8  }
0x4a: {  	v10 =	vtrunc.f32 v10;
	vm7 =	vgt.f32 v21, v5;
	vm0 =	vmand vm15, vm6  }
0x4b: {  	v10 =	vcvt.f32.s32 v10;
	vm0 =	vmor vm7, vm0  }
0x4c: {  	v23 =	vld [tilespmem:$0xB00];
	v5 =	vsel vm0, v21, v5;
	v6 =	vsel vm0, v8, v6  }
0x4d: {  	vm8 =	veq.f32 v22, v5;
	vm9 =	vgt.s32 v6, v10  }
0x4e: {  	v12 =	vtrunc.f32 v12;
	vm10 =	vgt.f32 v22, v5;
	vm0 =	vmand vm8, vm9  }
0x4f: {  	v12 =	vcvt.f32.s32 v12;
	vm0 =	vmor vm10, vm0  }
0x50: {  	v5 =	vsel vm0, v22, v5;
	v6 =	vsel vm0, v10, v6  }
0x51: {  	vm11 =	veq.f32 v23, v5;
	vm12 =	vgt.s32 v6, v12  }
0x52: {  	vm13 =	vgt.f32 v23, v5;
	vm0 =	vmand vm11, vm12  }
0x53: {  	vm0 =	vmor vm13, vm0  }
0x54: {  	v5 =	vsel vm0, v23, v5;
	v6 =	vsel vm0, v12, v6  }
0x55: {  	v17 =	vperm.xlane v5, v0;
	v24 =	vperm.xlane v6, v0;
	_ =	sdelay $0x1  }
0x56: {  	vm14 =	veq.f32 v17, v5;
	vm15 =	vlt.s32 v24, v6  }
0x57: {  	vm6 =	vgt.f32 v17, v5;
	vm0 =	vmand vm14, vm15  }
0x58: {  	vm0 =	vmor vm6, vm0  }
0x59: {  	v5 =	vsel vm0, v17, v5;
	v6 =	vsel vm0, v24, v6  }
0x5a: {  	v17 =	vperm.xlane v5, v1;
	v24 =	vperm.xlane v6, v1;
	_ =	sdelay $0x1  }
0x5b: {  	vm7 =	veq.f32 v17, v5;
	vm8 =	vlt.s32 v24, v6  }
0x5c: {  	vm9 =	vgt.f32 v17, v5;
	vm0 =	vmand vm7, vm8  }
0x5d: {  	vm0 =	vmor vm9, vm0  }
0x5e: {  	v5 =	vsel vm0, v17, v5;
	v6 =	vsel vm0, v24, v6  }
0x5f: {  	v17 =	vperm.xlane v5, v2;
	v24 =	vperm.xlane v6, v2;
	_ =	sdelay $0x1  }
0x60: {  	vm10 =	veq.f32 v17, v5;
	vm11 =	vlt.s32 v24, v6  }
0x61: {  	vm12 =	vgt.f32 v17, v5;
	vm0 =	vmand vm10, vm11  }
0x62: {  	vm0 =	vmor vm12, vm0  }
0x63: {  	v5 =	vsel vm0, v17, v5;
	v44 =	vsel vm0, v24, v6  }
0x64: {  	v6 =	vperm.xlane v5, v3;
	v24 =	vperm.xlane v44, v3;
	_ =	sdelay $0x1  }
0x65: {  	vm13 =	veq.f32 v6, v5;
	vm14 =	vlt.s32 v24, v44  }
0x66: {  	vm15 =	vgt.f32 v6, v5;
	vm0 =	vmand vm13, vm14  }
0x67: {  	vm0 =	vmor vm15, vm0  }
0x68: {  	v17 =	vsel vm0, v24, v44  }
0x69: {  	vm5 =	veq.s32 v17, v14  }
0x6a: {  	v45 =	vsel vm5, v4, v15  }
0x6b: {  	vm2 =	veq.f32 v45, v4  }
0x6c: {  	vm6 =	vgt.f32 v45, v4;
	vm2 =	vmand vm1, vm2  }
0x6d: {  	vm7 =	veq.s32 v17, v13;
	vm2 =	vmor vm6, vm2  }
0x6e: {  	v26 =	vsel vm7, v4, v16;
	v15 =	vsel vm2, v45, v4;
	v25 =	vnsel vm2, $0x40000000, v14  }
0x6f: {  	vm8 =	veq.f32 v26, v15;
	vm9 =	vgt.s32 v25, v13  }
0x70: {  	vm4 =	vgt.f32 v26, v15;
	vm2 =	vmand vm8, vm9  }
0x71: {  	vm10 =	veq.s32 v17, v11;
	vm2 =	vmor vm4, vm2  }
0x72: {  	v18 =	vsel vm10, v4, v18;
	v15 =	vsel vm2, v26, v15;
	v46 =	vsel vm2, v13, v25  }
0x73: {  	vm11 =	veq.f32 v18, v15;
	vm12 =	vgt.s32 v46, v11  }
0x74: {  	vm13 =	vgt.f32 v18, v15;
	vm2 =	vmand vm11, vm12  }
0x75: {  	vm14 =	veq.s32 v17, v9;
	vm2 =	vmor vm13, vm2  }
0x76: {  	v47 =	vsel vm14, v4, v19;
	v15 =	vsel vm2, v18, v15;
	v16 =	vsel vm2, v11, v46  }
0x77: {  	vm15 =	veq.f32 v47, v15;
	vm8 =	vgt.s32 v16, v9  }
0x78: {  	vm9 =	vgt.f32 v47, v15;
	vm2 =	vmand vm15, vm8  }
0x79: {  	vm10 =	veq.s32 v17, v7;
	vm2 =	vmor vm9, vm2  }
0x7a: {  	v20 =	vsel vm10, v4, v20;
	v15 =	vsel vm2, v47, v15;
	v16 =	vsel vm2, v9, v16  }
0x7b: {  	vm11 =	veq.f32 v20, v15;
	vm12 =	vgt.s32 v16, v7  }
0x7c: {  	vm13 =	vgt.f32 v20, v15;
	vm2 =	vmand vm11, vm12  }
0x7d: {  	vm14 =	veq.s32 v17, v8;
	vm2 =	vmor vm13, vm2  }
0x7e: {  	v27 =	vsel vm14, v4, v21;
	v15 =	vsel vm2, v20, v15;
	v16 =	vsel vm2, v7, v16  }
0x7f: {  	vm15 =	veq.f32 v27, v15;
	vm8 =	vgt.s32 v16, v8  }
0x80: {  	vm9 =	vgt.f32 v27, v15;
	vm2 =	vmand vm15, vm8  }
0x81: {  	vm10 =	veq.s32 v17, v10;
	vm2 =	vmor vm9, vm2  }
0x82: {  	v28 =	vsel vm10, v4, v22;
	v15 =	vsel vm2, v27, v15;
	v16 =	vsel vm2, v8, v16  }
0x83: {  	vm11 =	veq.f32 v28, v15;
	vm12 =	vgt.s32 v16, v10  }
0x84: {  	vm13 =	vgt.f32 v28, v15;
	vm2 =	vmand vm11, vm12  }
0x85: {  	vm14 =	veq.s32 v17, v12;
	vm2 =	vmor vm13, vm2  }
0x86: {  	v30 =	vsel vm14, v4, v23;
	v15 =	vsel vm2, v28, v15;
	v16 =	vsel vm2, v10, v16  }
0x87: {  	vm15 =	veq.f32 v30, v15;
	vm8 =	vgt.s32 v16, v12  }
0x88: {  	vm9 =	vgt.f32 v30, v15;
	vm2 =	vmand vm15, vm8  }
0x89: {  	vm2 =	vmor vm9, vm2  }
0x8a: {  	v15 =	vsel vm2, v30, v15;
	v16 =	vsel vm2, v12, v16  }
0x8b: {  	v48 =	vperm.xlane v15, v0;
	v49 =	vperm.xlane v16, v0;
	_ =	sdelay $0x1  }
0x8c: {  	vm10 =	veq.f32 v48, v15;
	vm11 =	vlt.s32 v49, v16  }
0x8d: {  	vm12 =	vgt.f32 v48, v15;
	vm2 =	vmand vm10, vm11  }
0x8e: {  	vm2 =	vmor vm12, vm2  }
0x8f: {  	v15 =	vsel vm2, v48, v15;
	v16 =	vsel vm2, v49, v16  }
0x90: {  	v19 =	vperm.xlane v15, v1;
	v21 =	vperm.xlane v16, v1;
	_ =	sdelay $0x1  }
0x91: {  	vm13 =	veq.f32 v19, v15;
	vm14 =	vlt.s32 v21, v16  }
0x92: {  	vm15 =	vgt.f32 v19, v15;
	vm2 =	vmand vm13, vm14  }
0x93: {  	vm2 =	vmor vm15, vm2  }
0x94: {  	v15 =	vsel vm2, v19, v15;
	v16 =	vsel vm2, v21, v16  }
0x95: {  	v19 =	vperm.xlane v15, v2;
	v21 =	vperm.xlane v16, v2;
	_ =	sdelay $0x1  }
0x96: {  	vm8 =	veq.f32 v19, v15;
	vm9 =	vlt.s32 v21, v16  }
0x97: {  	vm10 =	vgt.f32 v19, v15;
	vm2 =	vmand vm8, vm9  }
0x98: {  	vm2 =	vmor vm10, vm2  }
0x99: {  	v15 =	vsel vm2, v19, v15;
	v50 =	vsel vm2, v21, v16  }
0x9a: {  	v16 =	vperm.xlane v15, v3;
	v21 =	vperm.xlane v50, v3;
	_ =	sdelay $0x1  }
0x9b: {  	vm11 =	veq.f32 v16, v15;
	vm12 =	vlt.s32 v21, v50  }
0x9c: {  	vm13 =	vgt.f32 v16, v15;
	vm2 =	vmand vm11, vm12  }
0x9d: {  	vm2 =	vmor vm13, vm2  }
0x9e: {  	v19 =	vsel vm2, v21, v50  }
0x9f: {  	vm14 =	veq.s32 v19, v14  }
0xa0: {  	v31 =	vsel vm14, v4, v45  }
0xa1: {  	vm3 =	veq.f32 v31, v4  }
0xa2: {  	vm15 =	vgt.f32 v31, v4;
	vm3 =	vmand vm1, vm3  }
0xa3: {  	vm8 =	veq.s32 v19, v13;
	vm3 =	vmor vm15, vm3  }
0xa4: {  	v53 =	vsel vm8, v4, v26;
	v51 =	vsel vm3, v31, v4;
	v52 =	vnsel vm3, $0x40000000, v14  }
0xa5: {  	vm9 =	veq.f32 v53, v51;
	vm10 =	vgt.s32 v52, v13  }
0xa6: {  	vm5 =	vgt.f32 v53, v51;
	vm3 =	vmand vm9, vm10  }
0xa7: {  	vm11 =	veq.s32 v19, v11;
	vm3 =	vmor vm5, vm3  }
0xa8: {  	v55 =	vsel vm11, v4, v18;
	v54 =	vsel vm3, v53, v51;
	v22 =	vsel vm3, v13, v52  }
0xa9: {  	vm12 =	veq.f32 v55, v54;
	vm13 =	vgt.s32 v22, v11  }
0xaa: {  	vm14 =	vgt.f32 v55, v54;
	vm3 =	vmand vm12, vm13  }
0xab: {  	vm15 =	veq.s32 v19, v9;
	vm3 =	vmor vm14, vm3  }
0xac: {  	v57 =	vsel vm15, v4, v47;
	v18 =	vsel vm3, v55, v54;
	v56 =	vsel vm3, v11, v22  }
0xad: {  	vm8 =	veq.f32 v57, v18;
	vm9 =	vgt.s32 v56, v9  }
0xae: {  	vm10 =	vgt.f32 v57, v18;
	vm3 =	vmand vm8, vm9  }
0xaf: {  	vm11 =	veq.s32 v19, v7;
	vm3 =	vmor vm10, vm3  }
0xb0: {  	v58 =	vsel vm11, v4, v20;
	v18 =	vsel vm3, v57, v18;
	v23 =	vsel vm3, v9, v56  }
0xb1: {  	vm12 =	veq.f32 v58, v18;
	vm13 =	vgt.s32 v23, v7  }
0xb2: {  	vm14 =	vgt.f32 v58, v18;
	vm3 =	vmand vm12, vm13  }
0xb3: {  	vm15 =	veq.s32 v19, v8;
	vm3 =	vmor vm14, vm3  }
0xb4: {  	v29 =	vsel vm15, v4, v27;
	v18 =	vsel vm3, v58, v18;
	v59 =	vsel vm3, v7, v23  }
0xb5: {  	vm8 =	veq.f32 v29, v18;
	vm9 =	vgt.s32 v59, v8  }
0xb6: {  	vm10 =	vgt.f32 v29, v18;
	vm3 =	vmand vm8, vm9  }
0xb7: {  	(v2sf) =	vpush v17, $0x0;
	vm11 =	veq.s32 v19, v10;
	vm3 =	vmor vm10, vm3  }
0xb8: {  	v60 =	vsel vm11, v4, v28;
	v18 =	vsel vm3, v29, v18;
	v20 =	vsel vm3, v8, v59  }
0xb9: {  	vm12 =	veq.f32 v60, v18;
	vm13 =	vgt.s32 v20, v10  }
0xba: {  	vm14 =	vgt.f32 v60, v18;
	vm3 =	vmand vm12, vm13  }
0xbb: {  	vm15 =	veq.s32 v19, v12;
	vm3 =	vmor vm14, vm3  }
0xbc: {  	v63 =	vsel vm15, v4, v30;
	v61 =	vsel vm3, v60, v18;
	v62 =	vsel vm3, v10, v20  }
0xbd: {  	vm8 =	veq.f32 v63, v61;
	vm9 =	vgt.s32 v62, v12  }
0xbe: {  	vm10 =	vgt.f32 v63, v61;
	vm3 =	vmand vm8, vm9  }
0xbf: {  	vm3 =	vmor vm10, vm3  }
0xc0: {  	v17 =	vsel vm3, v63, v61;
	v18 =	vsel vm3, v12, v62  }
0xc1: {  	v32 =	vperm.xlane v17, v0;
	v33 =	vperm.xlane v18, v0;
	_ =	sdelay $0x1  }
0xc2: {  	vm11 =	veq.f32 v32, v17;
	vm12 =	vlt.s32 v33, v18  }
0xc3: {  	vm13 =	vgt.f32 v32, v17;
	vm3 =	vmand vm11, vm12  }
0xc4: {  	vm3 =	vmor vm13, vm3  }
0xc5: {  	v17 =	vsel vm3, v32, v17;
	v18 =	vsel vm3, v33, v18  }
0xc6: {  	s12 =	spop (v2sf);
	v26 =	vperm.xlane v17, v1;
	v27 =	vperm.xlane v18, v1  }
0xc7: {  	s10 =	sshll.u32 s12, $0xA;
	s1 =	sshll.u32 s12, $0x7  }
0xc8: {  	s10 =	sand.u32 $0xFFFFE000, s10;
	s1 =	sand.u32 $0x380, s1;
	vm14 =	veq.f32 v26, v17;
	vm15 =	vlt.s32 v27, v18  }
0xc9: {  	s1 =	sor.u32 s1, s10;
	vm8 =	vgt.f32 v26, v17;
	vm3 =	vmand vm14, vm15  }
0xca: {  	s1 =	sshrl.u32 s1, $0x3;
	vm3 =	vmor vm8, vm3  }
0xcb: {  	s11 =	simm.s32 $0xC00;
	s1 =	sadd.s32 s2, s1;
	v17 =	vsel vm3, v26, v17;
	v18 =	vsel vm3, v27, v18  }
0xcc: {  	[tilespmem:s11], [sflag:$0x1] =	stream.linear.gather [hbm4b:s1+s0], $0x80, $0x38;
	v26 =	vperm.xlane v17, v2;
	v27 =	vperm.xlane v18, v2;
	[tilespmem:$0x2C80] =	vst v63  }
0xcd: {  	s12 =	sadd.s32 $0x80, s1;
	s11 =	simm.s32 $0x1000  }
0xce: {  	[tilespmem:s11], [sflag:$0x1] =	stream.linear.gather [hbm4b:s12+s0], $0x80, $0x38;
	vm9 =	veq.f32 v26, v17;
	vm10 =	vlt.s32 v27, v18;
	[tilespmem:$0x2C80] =	vst v63  }
0xcf: {  	s11 =	sadd.s32 $0x100, s1;
	s12 =	simm.s32 $0x1400;
	vm11 =	vgt.f32 v26, v17;
	vm3 =	vmand vm9, vm10  }
0xd0: {  	[tilespmem:s12], [sflag:$0x1] =	stream.linear.gather [hbm4b:s11+s0], $0x80, $0x38;
	vm3 =	vmor vm11, vm3;
	[tilespmem:$0x2C80] =	vst v63  }
0xd1: {  	s11 =	sadd.s32 $0x180, s1;
	s12 =	simm.s32 $0x1800;
	v17 =	vsel vm3, v26, v17;
	v34 =	vsel vm3, v27, v18  }
0xd2: {  	[tilespmem:s12], [sflag:$0x1] =	stream.linear.gather [hbm4b:s11+s0], $0x80, $0x38;
	v35 =	vperm.xlane v17, v3;
	v27 =	vperm.xlane v34, v3;
	[tilespmem:$0x2C80] =	vst v63  }
0xd3: {  	s11 =	sadd.s32 $0x200, s1;
	s12 =	simm.s32 $0x1C00  }
0xd4: {  	[tilespmem:s12], [sflag:$0x1] =	stream.linear.gather [hbm4b:s11+s0], $0x80, $0x38;
	vm12 =	veq.f32 v35, v17;
	vm13 =	vlt.s32 v27, v34;
	[tilespmem:$0x2C80] =	vst v63  }
0xd5: {  	s11 =	sadd.s32 $0x280, s1;
	s12 =	simm.s32 $0x2000;
	vm14 =	vgt.f32 v35, v17;
	vm3 =	vmand vm12, vm13  }
0xd6: {  	[tilespmem:s12], [sflag:$0x1] =	stream.linear.gather [hbm4b:s11+s0], $0x80, $0x38;
	vm3 =	vmor vm14, vm3;
	[tilespmem:$0x2C80] =	vst v63  }
0xd7: {  	s11 =	sadd.s32 $0x300, s1;
	s12 =	simm.s32 $0x2400;
	v36 =	vsel vm3, v27, v34  }
0xd8: {  	[tilespmem:s12], [sflag:$0x1] =	stream.linear.gather [hbm4b:s11+s0], $0x80, $0x38;
	vm15 =	veq.s32 v36, v14;
	[tilespmem:$0x2C80] =	vst v63  }
0xd9: {  	s1 =	sadd.s32 $0x380, s1;
	s12 =	simm.s32 $0x2800;
	v37 =	vsel vm15, v4, v31  }
0xda: {  	[tilespmem:s12], [sflag:$0x1] =	stream.linear.gather [hbm4b:s1+s0], $0x80, $0x38;
	vm4 =	veq.f32 v37, v4;
	[tilespmem:$0x2C80] =	vst v63  }
0xdb: {  	_ =	swait.ge [sflag:s9], $0x400;
	vm8 =	vgt.f32 v37, v4;
	vm4 =	vmand vm1, vm4  }
0xdc: {  	(v2sf) =	vpush v19, $0x0;
	vm9 =	veq.s32 v36, v13;
	vm4 =	vmor vm8, vm4  }
0xdd: {  	v40 =	vsel vm9, v4, v53;
	v38 =	vsel vm4, v37, v4;
	v39 =	vnsel vm4, $0x40000000, v14  }
0xde: {  	vm10 =	veq.f32 v40, v38;
	vm11 =	vgt.s32 v39, v13  }
0xdf: {  	vm6 =	vgt.f32 v40, v38;
	vm4 =	vmand vm10, vm11  }
0xe0: {  	vm12 =	veq.s32 v36, v11;
	vm4 =	vmor vm6, vm4  }
0xe1: {  	v43 =	vsel vm12, v4, v55;
	v41 =	vsel vm4, v40, v38;
	v42 =	vsel vm4, v13, v39  }
0xe2: {  	vm13 =	veq.f32 v43, v41;
	vm14 =	vgt.s32 v42, v11  }
0xe3: {  	vm15 =	vgt.f32 v43, v41;
	vm4 =	vmand vm13, vm14  }
0xe4: {  	vm8 =	veq.s32 v36, v9;
	vm4 =	vmor vm15, vm4  }
0xe5: {  	v45 =	vsel vm8, v4, v57;
	v19 =	vsel vm4, v43, v41;
	v44 =	vsel vm4, v11, v42  }
0xe6: {  	vm9 =	veq.f32 v45, v19;
	vm10 =	vgt.s32 v44, v9  }
0xe7: {  	vm11 =	vgt.f32 v45, v19;
	vm4 =	vmand vm9, vm10  }
0xe8: {  	vm12 =	veq.s32 v36, v7;
	vm4 =	vmor vm11, vm4  }
0xe9: {  	v46 =	vsel vm12, v4, v58;
	v19 =	vsel vm4, v45, v19;
	v21 =	vsel vm4, v9, v44  }
0xea: {  	vm13 =	veq.f32 v46, v19;
	vm14 =	vgt.s32 v21, v7  }
0xeb: {  	s10 =	spop (v2sf);
	vm15 =	vgt.f32 v46, v19;
	vm4 =	vmand vm13, vm14  }
0xec: {  	s11 =	sshll.u32 s10, $0xA;
	s1 =	sshll.u32 s10, $0x7;
	vm8 =	veq.s32 v36, v8;
	vm4 =	vmor vm15, vm4  }
0xed: {  	s10 =	sand.u32 $0xFFFFE000, s11;
	s1 =	sand.u32 $0x380, s1;
	v48 =	vsel vm8, v4, v29;
	v19 =	vsel vm4, v46, v19;
	v47 =	vsel vm4, v7, v21  }
0xee: {  	s1 =	sor.u32 s1, s10;
	vm9 =	veq.f32 v48, v19;
	vm10 =	vgt.s32 v47, v8  }
0xef: {  	[sflag:s9] =	ssyncset.done $0x0;
	s1 =	sshrl.u32 s1, $0x3;
	vm11 =	vgt.f32 v48, v19;
	vm4 =	vmand vm9, vm10  }
0xf0: {  	s12 =	simm.s32 $0xC80;
	[sflag:s9] =	ssyncadd.s32 $0xFFFFFC00;
	s1 =	sadd.s32 s2, s1;
	vm12 =	veq.s32 v36, v10;
	vm4 =	vmor vm11, vm4  }
0xf1: {  	[tilespmem:s12], [sflag:$0x1] =	stream.linear.gather [hbm4b:s1+s0], $0x80, $0x38;
	v23 =	vsel vm12, v4, v60;
	v19 =	vsel vm4, v48, v19;
	v25 =	vsel vm4, v8, v47;
	[tilespmem:$0x2C80] =	vst v63  }
0xf2: {  	s11 =	sadd.s32 $0x80, s1;
	s12 =	simm.s32 $0x1080;
	vm13 =	veq.f32 v23, v19;
	vm14 =	vgt.s32 v25, v10  }
0xf3: {  	[tilespmem:s12], [sflag:$0x1] =	stream.linear.gather [hbm4b:s11+s0], $0x80, $0x38;
	vm15 =	vgt.f32 v23, v19;
	vm4 =	vmand vm13, vm14;
	[tilespmem:$0x2C80] =	vst v63  }
0xf4: {  	s11 =	sadd.s32 $0x100, s1;
	s12 =	simm.s32 $0x1480;
	vm8 =	veq.s32 v36, v12;
	vm4 =	vmor vm15, vm4  }
0xf5: {  	[tilespmem:s12], [sflag:$0x1] =	stream.linear.gather [hbm4b:s11+s0], $0x80, $0x38;
	v50 =	vsel vm8, v4, v63;
	v19 =	vsel vm4, v23, v19;
	v49 =	vsel vm4, v10, v25;
	[tilespmem:$0x2C80] =	vst v63  }
0xf6: {  	s11 =	sadd.s32 $0x180, s1;
	s12 =	simm.s32 $0x1880;
	vm9 =	veq.f32 v50, v19;
	vm10 =	vgt.s32 v49, v12  }
0xf7: {  	[tilespmem:s12], [sflag:$0x1] =	stream.linear.gather [hbm4b:s11+s0], $0x80, $0x38;
	vm11 =	vgt.f32 v50, v19;
	vm4 =	vmand vm9, vm10;
	[tilespmem:$0x2C80] =	vst v63  }
0xf8: {  	s11 =	sadd.s32 $0x200, s1;
	s12 =	simm.s32 $0x1C80;
	vm4 =	vmor vm11, vm4  }
0xf9: {  	[tilespmem:s12], [sflag:$0x1] =	stream.linear.gather [hbm4b:s11+s0], $0x80, $0x38;
	v19 =	vsel vm4, v50, v19;
	v51 =	vsel vm4, v12, v49;
	[tilespmem:$0x2C80] =	vst v63  }
0xfa: {  	s11 =	sadd.s32 $0x280, s1;
	s12 =	simm.s32 $0x2080;
	v52 =	vperm.xlane v19, v0;
	v53 =	vperm.xlane v51, v0  }
0xfb: {  	[tilespmem:s12], [sflag:$0x1] =	stream.linear.gather [hbm4b:s11+s0], $0x80, $0x38;
	[tilespmem:$0x2C80] =	vst v63  }
0xfc: {  	s11 =	sadd.s32 $0x300, s1;
	s12 =	simm.s32 $0x2480;
	vm12 =	veq.f32 v52, v19;
	vm13 =	vlt.s32 v53, v51  }
0xfd: {  	[tilespmem:s12], [sflag:$0x1] =	stream.linear.gather [hbm4b:s11+s0], $0x80, $0x38;
	vm14 =	vgt.f32 v52, v19;
	vm4 =	vmand vm12, vm13;
	[tilespmem:$0x2C80] =	vst v63  }
0xfe: {  	s1 =	sadd.s32 $0x380, s1;
	s12 =	simm.s32 $0x2880;
	vm4 =	vmor vm14, vm4  }
0xff: {  	[tilespmem:s12], [sflag:$0x1] =	stream.linear.gather [hbm4b:s1+s0], $0x80, $0x38;
	v19 =	vsel vm4, v52, v19;
	v20 =	vsel vm4, v53, v51;
	[tilespmem:$0x2C80] =	vst v63  }
0x100: {  	_ =	swait.ge [sflag:s9], $0x400;
	v29 =	vperm.xlane v19, v1;
	v31 =	vperm.xlane v20, v1  }
0x101: {  	(v2sf) =	vpush v36, $0x0  }
0x102: {  	vm15 =	veq.f32 v29, v19;
	vm9 =	vlt.s32 v31, v20  }
0x103: {  	vm10 =	vgt.f32 v29, v19;
	vm4 =	vmand vm15, vm9  }
0x104: {  	vm4 =	vmor vm10, vm4  }
0x105: {  	v19 =	vsel vm4, v29, v19;
	v20 =	vsel vm4, v31, v20  }
0x106: {  	v29 =	vperm.xlane v19, v2;
	v54 =	vperm.xlane v20, v2;
	_ =	sdelay $0x1  }
0x107: {  	vm11 =	veq.f32 v29, v19;
	vm12 =	vlt.s32 v54, v20  }
0x108: {  	vm13 =	vgt.f32 v29, v19;
	vm4 =	vmand vm11, vm12  }
0x109: {  	vm4 =	vmor vm13, vm4  }
0x10a: {  	v19 =	vsel vm4, v29, v19;
	v55 =	vsel vm4, v54, v20  }
0x10b: {  	v56 =	vperm.xlane v19, v3;
	v30 =	vperm.xlane v55, v3;
	_ =	sdelay $0x1  }
0x10c: {  	vm14 =	veq.f32 v56, v19;
	vm15 =	vlt.s32 v30, v55  }
0x10d: {  	vm9 =	vgt.f32 v56, v19;
	vm4 =	vmand vm14, vm15  }
0x10e: {  	s10 =	spop (v2sf);
	vm4 =	vmor vm9, vm4  }
0x10f: {  	s11 =	sshll.u32 s10, $0xA;
	s1 =	sshll.u32 s10, $0x7;
	v29 =	vsel vm4, v30, v55  }
0x110: {  	s10 =	sand.u32 $0xFFFFE000, s11;
	s1 =	sand.u32 $0x380, s1;
	vm10 =	veq.s32 v29, v14  }
0x111: {  	s1 =	sor.u32 s1, s10;
	v28 =	vsel vm10, v4, v37  }
0x112: {  	[sflag:s9] =	ssyncset.done $0x0;
	s1 =	sshrl.u32 s1, $0x3;
	vm5 =	veq.f32 v28, v4  }
0x113: {  	s12 =	simm.s32 $0xD00;
	[sflag:s9] =	ssyncadd.s32 $0xFFFFFC00;
	s1 =	sadd.s32 s2, s1;
	vm11 =	vgt.f32 v28, v4;
	vm1 =	vmand vm1, vm5  }
0x114: {  	[tilespmem:s12], [sflag:$0x1] =	stream.linear.gather [hbm4b:s1+s0], $0x80, $0x38;
	vm12 =	veq.s32 v29, v13;
	vm1 =	vmor vm11, vm1;
	[tilespmem:$0x2C80] =	vst v63  }
0x115: {  	s11 =	sadd.s32 $0x80, s1;
	s12 =	simm.s32 $0x1100;
	v27 =	vsel vm12, v4, v40;
	v28 =	vsel vm1, v28, v4;
	v14 =	vnsel vm1, $0x40000000, v14  }
0x116: {  	[tilespmem:s12], [sflag:$0x1] =	stream.linear.gather [hbm4b:s11+s0], $0x80, $0x38;
	vm13 =	veq.f32 v27, v28;
	vm14 =	vgt.s32 v14, v13;
	[tilespmem:$0x2C80] =	vst v63  }
0x117: {  	s11 =	sadd.s32 $0x100, s1;
	s12 =	simm.s32 $0x1500;
	vm15 =	vgt.f32 v27, v28;
	vm1 =	vmand vm13, vm14  }
0x118: {  	[tilespmem:s12], [sflag:$0x1] =	stream.linear.gather [hbm4b:s11+s0], $0x80, $0x38;
	vm8 =	veq.s32 v29, v11;
	vm1 =	vmor vm15, vm1;
	[tilespmem:$0x2C80] =	vst v63  }
0x119: {  	s11 =	sadd.s32 $0x180, s1;
	s12 =	simm.s32 $0x1900;
	v57 =	vsel vm8, v4, v43;
	v27 =	vsel vm1, v27, v28;
	v13 =	vsel vm1, v13, v14  }
0x11a: {  	[tilespmem:s12], [sflag:$0x1] =	stream.linear.gather [hbm4b:s11+s0], $0x80, $0x38;
	vm9 =	veq.f32 v57, v27;
	vm10 =	vgt.s32 v13, v11;
	[tilespmem:$0x2C80] =	vst v63  }
0x11b: {  	s11 =	sadd.s32 $0x200, s1;
	s12 =	simm.s32 $0x1D00;
	vm11 =	vgt.f32 v57, v27;
	vm1 =	vmand vm9, vm10  }
0x11c: {  	[tilespmem:s12], [sflag:$0x1] =	stream.linear.gather [hbm4b:s11+s0], $0x80, $0x38;
	vm12 =	veq.s32 v29, v9;
	vm1 =	vmor vm11, vm1;
	[tilespmem:$0x2C80] =	vst v63  }
0x11d: {  	s11 =	sadd.s32 $0x280, s1;
	s12 =	simm.s32 $0x2100;
	v58 =	vsel vm12, v4, v45;
	v14 =	vsel vm1, v57, v27;
	v11 =	vsel vm1, v11, v13  }
0x11e: {  	[tilespmem:s12], [sflag:$0x1] =	stream.linear.gather [hbm4b:s11+s0], $0x80, $0x38;
	vm13 =	veq.f32 v58, v14;
	vm14 =	vgt.s32 v11, v9;
	[tilespmem:$0x2C80] =	vst v63  }
0x11f: {  	s11 =	sadd.s32 $0x300, s1;
	s12 =	simm.s32 $0x2500;
	vm15 =	vgt.f32 v58, v14;
	vm1 =	vmand vm13, vm14  }
0x120: {  	[tilespmem:s12], [sflag:$0x1] =	stream.linear.gather [hbm4b:s11+s0], $0x80, $0x38;
	vm9 =	veq.s32 v29, v7;
	vm1 =	vmor vm15, vm1;
	[tilespmem:$0x2C80] =	vst v63  }
0x121: {  	s1 =	sadd.s32 $0x380, s1;
	s12 =	simm.s32 $0x2900;
	v13 =	vsel vm1, v58, v14;
	v9 =	vsel vm1, v9, v11;
	v11 =	vsel vm9, v4, v46  }
0x122: {  	[tilespmem:s12], [sflag:$0x1] =	stream.linear.gather [hbm4b:s1+s0], $0x80, $0x38;
	vm10 =	veq.f32 v11, v13;
	vm11 =	vgt.s32 v9, v7;
	[tilespmem:$0x2C80] =	vst v63  }
0x123: {  	_ =	swait.ge [sflag:s9], $0x400;
	vm12 =	vgt.f32 v11, v13;
	vm1 =	vmand vm10, vm11  }
0x124: {  	(v2sf) =	vpush v29, $0x0;
	vm13 =	veq.s32 v29, v8;
	vm1 =	vmor vm12, vm1  }
0x125: {  	v11 =	vsel vm1, v11, v13;
	v7 =	vsel vm1, v7, v9;
	v9 =	vsel vm13, v4, v48  }
0x126: {  	vm14 =	veq.f32 v9, v11;
	vm15 =	vgt.s32 v7, v8  }
0x127: {  	vm9 =	vgt.f32 v9, v11;
	vm1 =	vmand vm14, vm15  }
0x128: {  	vm10 =	veq.s32 v29, v10;
	vm1 =	vmor vm9, vm1  }
0x129: {  	v9 =	vsel vm1, v9, v11;
	v7 =	vsel vm1, v8, v7;
	v8 =	vsel vm10, v4, v23  }
0x12a: {  	vm11 =	veq.f32 v8, v9;
	vm12 =	vgt.s32 v7, v10  }
0x12b: {  	vm13 =	vgt.f32 v8, v9;
	vm1 =	vmand vm11, vm12  }
0x12c: {  	vm14 =	veq.s32 v29, v12;
	vm1 =	vmor vm13, vm1  }
0x12d: {  	v4 =	vsel vm14, v4, v50;
	v8 =	vsel vm1, v8, v9;
	v7 =	vsel vm1, v10, v7  }
0x12e: {  	vm15 =	veq.f32 v4, v8;
	vm9 =	vgt.s32 v7, v12  }
0x12f: {  	vm10 =	vgt.f32 v4, v8;
	vm1 =	vmand vm15, vm9  }
0x130: {  	vm1 =	vmor vm10, vm1  }
0x131: {  	v4 =	vsel vm1, v4, v8;
	v7 =	vsel vm1, v12, v7  }
0x132: {  	v8 =	vperm.xlane v4, v0;
	v9 =	vperm.xlane v7, v0;
	_ =	sdelay $0x1  }
0x133: {  	s10 =	spop (v2sf);
	vm11 =	veq.f32 v8, v4;
	vm12 =	vlt.s32 v9, v7  }
0x134: {  	s11 =	sshll.u32 s10, $0xA;
	s1 =	sshll.u32 s10, $0x7;
	vm13 =	vgt.f32 v8, v4;
	vm1 =	vmand vm11, vm12  }
0x135: {  	s10 =	sand.u32 $0xFFFFE000, s11;
	s1 =	sand.u32 $0x380, s1;
	vm1 =	vmor vm13, vm1  }
0x136: {  	s1 =	sor.u32 s1, s10;
	v4 =	vsel vm1, v8, v4;
	v7 =	vsel vm1, v9, v7  }
0x137: {  	[sflag:s9] =	ssyncset.done $0x0;
	s1 =	sshrl.u32 s1, $0x3;
	v8 =	vperm.xlane v4, v1;
	v9 =	vperm.xlane v7, v1  }
0x138: {  	s12 =	simm.s32 $0xD80;
	[sflag:s9] =	ssyncadd.s32 $0xFFFFFC00;
	s1 =	sadd.s32 s2, s1  }
0x139: {  	[tilespmem:s12], [sflag:$0x1] =	stream.linear.gather [hbm4b:s1+s0], $0x80, $0x38;
	vm14 =	veq.f32 v8, v4;
	vm15 =	vlt.s32 v9, v7;
	[tilespmem:$0x2C80] =	vst v63  }
0x13a: {  	s11 =	sadd.s32 $0x80, s1;
	vm9 =	vgt.f32 v8, v4;
	vm1 =	vmand vm14, vm15  }
0x13b: {  	[tilespmem:s13], [sflag:$0x1] =	stream.linear.gather [hbm4b:s11+s0], $0x80, $0x38;
	vm1 =	vmor vm9, vm1;
	[tilespmem:$0x2C80] =	vst v63  }
0x13c: {  	s12 =	sadd.s32 $0x100, s1;
	v4 =	vsel vm1, v8, v4;
	v7 =	vsel vm1, v9, v7  }
0x13d: {  	[tilespmem:s14], [sflag:$0x1] =	stream.linear.gather [hbm4b:s12+s0], $0x80, $0x38;
	v8 =	vperm.xlane v4, v2;
	v9 =	vperm.xlane v7, v2;
	[tilespmem:$0x2C80] =	vst v63  }
0x13e: {  	s11 =	sadd.s32 $0x180, s1  }
0x13f: {  	[tilespmem:s15], [sflag:$0x1] =	stream.linear.gather [hbm4b:s11+s0], $0x80, $0x38;
	vm10 =	veq.f32 v8, v4;
	vm11 =	vlt.s32 v9, v7;
	[tilespmem:$0x2C80] =	vst v63  }
0x140: {  	s12 =	sadd.s32 $0x200, s1;
	vm12 =	vgt.f32 v8, v4;
	vm1 =	vmand vm10, vm11  }
0x141: {  	[tilespmem:s16], [sflag:$0x1] =	stream.linear.gather [hbm4b:s12+s0], $0x80, $0x38;
	vm1 =	vmor vm12, vm1;
	[tilespmem:$0x2C80] =	vst v63  }
0x142: {  	s11 =	sadd.s32 $0x280, s1;
	v4 =	vsel vm1, v8, v4;
	v7 =	vsel vm1, v9, v7  }
0x143: {  	[tilespmem:s17], [sflag:$0x1] =	stream.linear.gather [hbm4b:s11+s0], $0x80, $0x38;
	v8 =	vperm.xlane v4, v3;
	v9 =	vperm.xlane v7, v3;
	[tilespmem:$0x2C80] =	vst v63  }
0x144: {  	s12 =	sadd.s32 $0x300, s1  }
0x145: {  	[tilespmem:s18], [sflag:$0x1] =	stream.linear.gather [hbm4b:s12+s0], $0x80, $0x38;
	vm13 =	veq.f32 v8, v4;
	vm14 =	vlt.s32 v9, v7;
	[tilespmem:$0x2C80] =	vst v63  }
0x146: {  	s1 =	sadd.s32 $0x380, s1;
	vm15 =	vgt.f32 v8, v4;
	vm1 =	vmand vm13, vm14  }
0x147: {  	[tilespmem:s19], [sflag:$0x1] =	stream.linear.gather [hbm4b:s1+s0], $0x80, $0x38;
	vm1 =	vmor vm15, vm1;
	[tilespmem:$0x2C80] =	vst v63  }
0x148: {  	_ =	swait.ge [sflag:s9], $0x400;
	v7 =	vsel vm1, v9, v7  }
0x149: {  	(v2sf) =	vpush v7, $0x0;
	_ =	sdelay $0x1  }
0x14a: {  	v5 =	vsel vm0, v6, v5  }
0x14b: {  	v6 =	vsel vm2, v16, v15;
	v7 =	vsub.f32 v5, v5  }
0x14c: {  	v6 =	vsub.f32 v6, v5  }
0x14d: {  	v9 =	vsel vm3, v35, v17;
	v7 =	vmul.f32 $1.442695020e+00, v7  }
0x14e: {  	v6 =	vmul.f32 $1.442695020e+00, v6;
	v9 =	vsub.f32 v9, v5  }
0x14f: {  	v10 =	vsel vm4, v56, v19;
	(erf) = vpow2.f32 v7  }
0x150: {  	v7 =	vsub.f32 v10, v5;
	(erf) = vpow2.f32 v6;
	v6 =	vmul.f32 $1.442695020e+00, v9  }
0x151: {  	v4 =	vsel vm1, v8, v4  }
0x152: {  	v4 =	vsub.f32 v4, v5;
	(erf) = vpow2.f32 v6;
	v6 =	vmul.f32 $1.442695020e+00, v7;
	_ =	sdelay $0x1  }
0x153: {  	v4 =	vmul.f32 $1.442695020e+00, v4;
	(erf) = vpow2.f32 v6;
	_ =	sdelay $0x1  }
0x154: {  	(erf) = vpow2.f32 v4  }
0x155: {  	s11 =	spop (v2sf)  }
0x156: {  	v4 =	vpop (erf);
	s12 =	sshll.u32 s11, $0xA;
	s1 =	sshll.u32 s11, $0x7  }
0x157: {  	v6 =	vpop (erf);
	s10 =	sand.u32 $0xFFFFE000, s12;
	s1 =	sand.u32 $0x380, s1  }
0x158: {  	v5 =	vadd.f32 v6, v4;
	s1 =	sor.u32 s1, s10  }
0x159: {  	[sflag:s9] =	ssyncset.done $0x0;
	v7 =	vpop (erf);
	s1 =	sshrl.u32 s1, $0x3  }
0x15a: {  	[sflag:s9] =	ssyncadd.s32 $0xFFFFFC00;
	v5 =	vadd.f32 v7, v5;
	s1 =	sadd.s32 s2, s1  }
0x15b: {  	v8 =	vpop (erf);
	[tilespmem:s20], [sflag:$0x1] =	stream.linear.gather [hbm4b:s1+s0], $0x80, $0x38;
	[tilespmem:$0x2C80] =	vst v63  }
0x15c: {  	v5 =	vadd.f32 v8, v5;
	s11 =	sadd.s32 $0x80, s1  }
0x15d: {  	v9 =	vpop (erf);
	[tilespmem:s21], [sflag:$0x1] =	stream.linear.gather [hbm4b:s11+s0], $0x80, $0x38;
	[tilespmem:$0x2C80] =	vst v63  }
0x15e: {  	s12 =	sadd.s32 $0x100, s1;
	v5 =	vadd.f32 v9, v5  }
0x15f: {  	[tilespmem:s22], [sflag:$0x1] =	stream.linear.gather [hbm4b:s12+s0], $0x80, $0x38;
	[tilespmem:$0x2C80] =	vst v63  }
0x160: {  	s11 =	sadd.s32 $0x180, s1;
	(erf) = vrcp.f32 v5  }
0x161: {  	[tilespmem:s23], [sflag:$0x1] =	stream.linear.gather [hbm4b:s11+s0], $0x80, $0x38;
	[tilespmem:$0x2C80] =	vst v63  }
0x162: {  	s12 =	sadd.s32 $0x200, s1  }
0x163: {  	[tilespmem:s24], [sflag:$0x1] =	stream.linear.gather [hbm4b:s12+s0], $0x80, $0x38;
	[tilespmem:$0x2C80] =	vst v63  }
0x164: {  	s11 =	sadd.s32 $0x280, s1  }
0x165: {  	[tilespmem:s25], [sflag:$0x1] =	stream.linear.gather [hbm4b:s11+s0], $0x80, $0x38;
	[tilespmem:$0x2C80] =	vst v63  }
0x166: {  	s12 =	sadd.s32 $0x300, s1  }
0x167: {  	[tilespmem:s26], [sflag:$0x1] =	stream.linear.gather [hbm4b:s12+s0], $0x80, $0x38;
	[tilespmem:$0x2C80] =	vst v63  }
0x168: {  	s1 =	sadd.s32 $0x380, s1  }
0x169: {  	v10 =	vpop (erf);
	[tilespmem:s28], [sflag:$0x1] =	stream.linear.gather [hbm4b:s1+s0], $0x80, $0x38;
	[tilespmem:$0x2C80] =	vst v63  }
0x16a: {  	_ =	swait.ge [sflag:s9], $0x400  }
0x16b: {  	s11 =	sand.u32 $0x70, s0;
	s12 =	sand.u32 $0x1C00, s0;
	[sflag:s9] =	ssyncset.done $0x0  }
0x16c: {  	s1 =	sor.u32 s11, s12;
	[sflag:s9] =	ssyncadd.s32 $0xFFFFFC00  }
0x16d: {  	v11 =	vld [tilespmem:s1+$0xC00]  }
0x16e: {  	v59 =	vld [tilespmem:s1+$0xC80];
	_ =	sdelay $0x1  }
0x16f: {  	v60 =	vld [tilespmem:s1+$0xD00]  }
0x170: {  	v5 =	vmul.f32 v10, v4;
	v6 =	vmul.f32 v10, v6  }
0x171: {  	v4 =	vmul.f32 v10, v7;
	v61 =	vld [tilespmem:s1+$0xD80]  }
0x172: {  	v11 =	vmul.f32 v11, v5;
	v12 =	vmul.f32 v59, v6  }
0x173: {  	v62 =	vld [tilespmem:s1+$0xE00]  }
0x174: {  	v7 =	vmul.f32 v10, v8;
	v63 =	vmul.f32 v60, v4;
	v11 =	vadd.f32 v12, v11;
	_ =	sdelay $0x1  }
0x175: {  	v8 =	vmul.f32 v10, v9;
	v10 =	vmul.f32 v61, v7;
	v9 =	vadd.f32 v63, v11;
	_ =	sdelay $0x1  }
0x176: {  	v9 =	vadd.f32 v10, v9;
	v10 =	vmul.f32 v62, v8;
	_ =	sdelay $0x1  }
0x177: {  	s11 =	simm.s32 $0x10;
	s1 =	simm.s32 $0x80;
	v9 =	vadd.f32 v10, v9  }
0x178: {  	s10 =	sand.u32 $0x70, s11;
	s12 =	sand.u32 $0x1C00, s1  }
0x179: {  	s11 =	sor.u32 s10, s12;
	s10 =	simm.s32 $0x20;
	[tilespmem:s0+$0x0] =	vst v9  }
.LBB2_3:
0x17a: {  	p1 =	sne.s32 s10, $0x3F0;
	v9 =	vld [tilespmem:s11+$0xC00]  }
0x17b: {  	v10 =	vld [tilespmem:s11+$0xC80];
	_ =	sdelay $0x1  }
0x17c: {  	v11 =	vld [tilespmem:s11+$0xD00];
	_ =	sdelay $0x1  }
0x17d: {  	v12 =	vld [tilespmem:s11+$0xD80]  }
0x17e: {  	v9 =	vmul.f32 v9, v5;
	v10 =	vmul.f32 v10, v6  }
0x17f: {  	v13 =	vld [tilespmem:s11+$0xE00]  }
0x180: {  	v9 =	vadd.f32 v10, v9;
	v10 =	vmul.f32 v11, v4;
	_ =	sdelay $0x1  }
0x181: {  	v9 =	vadd.f32 v10, v9;
	v10 =	vmul.f32 v12, v7;
	_ =	sdelay $0x1  }
.Ltmp3:
0x182: {  	v9 =	vadd.f32 v10, v9;
	v10 =	vmul.f32 v13, v8;
	(pc) =	sbr.rel @p1 .LBB2_3-.Ltmp3, $4  }
0x183: {  	_ = 	snop  }
0x184: {  	s1 =	sadd.s32 $0x80, s1;
	v9 =	vadd.f32 v10, v9  }
0x185: {  	s0 =	sadd.s32 $0x10, s0;
	s12 =	sand.u32 $0x1C00, s1;
	s11 =	sand.u32 $0x70, s10  }
0x186: {  	s10 =	sadd.s32 $0x10, s10;
	s11 =	sor.u32 s11, s12;
	[tilespmem:s0+$0x0] =	vst v9  }
.Ltmp4:
0x187: {  	_ = 	snop;
	(pc) =	sbr.rel .LBB2_4-.Ltmp4, $1  }
0x188: {  	_ =	sdelay $0x3  }
.LBB2_6:
0x189: {  	_ =	sfence.sel $0x180000  }
0x18a: {  	[bflag:$0x0] =	sbarrier.arrive $0xFFFF  }
0x18b: {  	_ =	strace $0x9000004A  }
0x18c: {  	s0 =	stileid.u32;
	[bflag:$0x2] =	sbarrier.arrive $0xFFFF  }
0x18d: {  	p0 =	sne.s32 s0, $0x0;
	s0 =	rddreg [dreg:$0x3]  }
0x18e: {  	s0 =	sadd.s32 @!p0 $0x100000, s0  }
0x18f: {  	[sflag:s0] =	ssyncadd.tile.s32 @!p0 $0x1;
	_ =	shalt  }
.Lfunc_end2:
_tile_overlayer_lowered:
.L_overlay_start_2:
0x190: {  	(tag) =	ssettag $0x2  }
0x191: {  	s0 =	rddreg [dreg:$0x0];
	s2 =	stileid.u32  }
0x192: {  	s1 =	rddreg [dreg:$0x1];
	p0 =	sne.s32 s2, $0x0  }
0x193: {  	s3 =	rddreg [dreg:$0x2];
	[bflag:$0x3] =	sbarrier.arrive $0xFFFF;
	s2 =	simm.s32 @!p0 $0x1C01  }
0x194: {  	[timem:s3], [sflag:s2] =	dma.local @!p0 [hbm:s0], s1  }
0x195: {  	s0 =	simm.s32 @!p0 $0x1  }
0x196: {  	_ =	swait.ge @!p0 [sflag:s0], s1  }
0x197: {  	s1 =	ssub.s32 @!p0 $0x0, s1;
	[sflag:s0] =	ssyncset.done @!p0 $0x0  }
0x198: {  	[sflag:s0] =	ssyncadd.s32 @!p0 s1  }
0x199: {  	[bflag:$0x3] =	sbarrier.arrive $0xFFFF  }
0x19a: {  	_ =	shalt  }

// kernel: kernel.7.cloned.1.call-start
scs
__scs_entry_jumppad:
0x0: {  	(pc) =	sbr.rel $0x88, $3  }
0x1: {  	(tag) =	ssettag $0x0;
	lr =	simm.s32 $0x1  }
0x2: {  	[smem:$0x3F9F] =	sst lr;
	_ =	strace $0xD0000000  }
0x3: {  	_ = 	snop  }
0x4: {  	_ = 	snop  }
0x5: {  	_ = 	snop  }
0x6: {  	_ = 	snop  }
0x7: {  	_ = 	snop  }
__scs_overlays_trampoline_lowered:
0x8: {  	[smem:$0x3FAE] =	sst s0  }
0x9: {  	[smem:$0x3FAF] =	sst s1  }
0xa: {  	[smem:$0x3FB0] =	sst s2  }
0xb: {  	[smem:$0x3FB1] =	sst s3  }
0xc: {  	[smem:$0x3FB2] =	sst s4  }
0xd: {  	[smem:$0x3FB3] =	sst s5  }
0xe: {  	[smem:$0x3FB4] =	sst s6  }
0xf: {  	[smem:$0x3FB5] =	sst s7  }
0x10: {  	[smem:$0x3FB6] =	sst s8  }
0x11: {  	[smem:$0x3FB7] =	sst s9;
	s0 =	simm.s32 @!p0 $0x0  }
0x12: {  	s1 =	sld [smem:$0x3F9D];
	s0 =	simm.s32 @p0 $0x1  }
0x13: {  	[smem:$0x3FB8] =	sst s0;
	s0 =	simm.s32 @!p1 $0x0  }
0x14: {  	s2 =	sld [smem:$0x3F9C];
	s0 =	simm.s32 @p1 $0x1  }
0x15: {  	[smem:$0x3FB9] =	sst s0;
	s0 =	simm.s32 @!p2 $0x0  }
0x16: {  	s3 =	sld [smem:$0x3FDB];
	s0 =	simm.s32 @p2 $0x1  }
0x17: {  	s4 =	simm.s32 $0x1BF5;
	[smem:$0x3FBB] =	sst s0  }
0x18: {  	s0 =	sld [smem:$0x3F9E];
	_ =	swait.ge [sflag:s4], $0x0  }
0x19: {  	s7 =	sld [smem:$0x3F9F]  }
0x1a: {  	s8 =	sadd.s32 $0xFFFFE003, lr  }
0x1b: {  	s9 =	sadd.s32 $0xFFFFFEF7, lr;
	s5 =	simm.s32 $0xFFFFFFFF;
	p2 =	slt.u32 s8, $0xFFFFF086  }
0x1c: {  	p1 =	slt.u32 s9, $0xF7A;
	s5 =	simm.s32 @!p2 $0x0  }
0x1d: {  	s5 =	simm.s32 @p1 $0x1;
	p0 =	seq.s32 s7, s2  }
0x1e: {  	s7 =	smul.u32 @!p0 $0xF7A, s2;
	p2 =	seq.s32 @!p0 s5, $0x0  }
0x1f: {  	s9 =	smul.u32 $0xF7A, s1;
	s8 =	simm.s32 @!p0 $0x1BF5;
	p2 =	por !p2, p0  }
0x20: {  	[sflag:s8] =	ssyncset.s32 @!p0 $0xFFFFF086;
	s6 =	sadd.s32 @!p0 s3, s7;
	s7 =	simm.s32 @!p0 $0x108  }
0x21: {  	s3 =	sadd.s32 s3, s9;
	s6 =	sadd.s32 @!p0 $0x88, s6;
	s7 =	simm.s32 @p2 $0x1082  }
0x22: {  	[simem:s7], [sflag:s8] =	dma.local @!p0 [hbm:s6], $0xF7A  }
0x23: {  	s9 =	sor.u32 $0xD0000000, s2;
	s6 =	simm.s32 $0x108;
	_ =	swait.ge @!p0 [sflag:s8], $0x0  }
0x24: {  	s3 =	sadd.s32 $0x88, s3;
	s6 =	simm.s32 @!p1 $0x1082;
	[sflag:s4] =	ssyncset.s32 $0xFFFFF086  }
0x25: {  	[simem:s6], [sflag:s4] =	dma.local [hbm:s3], $0xF7A  }
0x26: {  	[smem:$0x3F9F] =	sst s1;
	(tag) =	ssettag s2;
	_ =	strace s9  }
0x27: {  	s1 =	sld [smem:$0x3FAF]  }
0x28: {  	s2 =	sld [smem:$0x3FB0]  }
0x29: {  	s4 =	sld [smem:$0x3FB2]  }
0x2a: {  	p0 =	seq.s32 s5, $0x0;
	s5 =	sld [smem:$0x3FB3]  }
0x2b: {  	s6 =	sld [smem:$0x3FB4]  }
0x2c: {  	s7 =	sld [smem:$0x3FB5]  }
0x2d: {  	s3 =	simm.s32 $0x108;
	s8 =	sld [smem:$0x3FB6]  }
0x2e: {  	s3 =	simm.s32 @!p0 $0x1082;
	s9 =	sld [smem:$0x3FB7]  }
0x2f: {  	lr =	sadd.s32 s0, s3;
	s0 =	sld [smem:$0x3FAE]  }
0x30: {  	s3 =	sld [smem:$0x3FB1]  }
0x31: {  	[smem:$0x3FBA] =	sst s10  }
0x32: {  	s10 =	sld [smem:$0x3FB8];
	_ =	sdelay $0x3  }
0x33: {  	p0 =	seq.s32 s10, $0x1;
	s10 =	sld [smem:$0x3FBA];
	_ =	sdelay $0x3  }
0x34: {  	[smem:$0x3FBA] =	sst s10  }
0x35: {  	s10 =	sld [smem:$0x3FB9];
	_ =	sdelay $0x3  }
0x36: {  	p1 =	seq.s32 s10, $0x1;
	s10 =	sld [smem:$0x3FBA];
	_ =	sdelay $0x3  }
0x37: {  	[smem:$0x3FBA] =	sst s10  }
0x38: {  	s10 =	sld [smem:$0x3FBB]  }
0x39: {  	_ = 	snop;
	(pc) =	sbr.ind lr, $3  }
0x3a: {  	_ = 	snop  }
0x3b: {  	_ = 	snop  }
0x3c: {  	p2 =	seq.s32 s10, $0x1;
	s10 =	sld [smem:$0x3FBA]  }
0x3d: {  	_ =	shalt  }
0x3e: {  	_ =	shalt  }
0x3f: {  	_ =	shalt  }
0x40: {  	_ =	shalt  }
0x41: {  	_ =	shalt  }
0x42: {  	_ =	shalt  }
0x43: {  	_ =	shalt  }
0x44: {  	_ =	shalt  }
0x45: {  	_ =	shalt  }
0x46: {  	_ =	shalt  }
0x47: {  	_ =	shalt  }
0x48: {  	_ =	shalt  }
0x49: {  	_ =	shalt  }
0x4a: {  	_ =	shalt  }
0x4b: {  	_ =	shalt  }
0x4c: {  	_ =	shalt  }
0x4d: {  	_ =	shalt  }
0x4e: {  	_ =	shalt  }
0x4f: {  	_ =	shalt  }
0x50: {  	_ =	shalt  }
0x51: {  	_ =	shalt  }
0x52: {  	_ =	shalt  }
0x53: {  	_ =	shalt  }
0x54: {  	_ =	shalt  }
0x55: {  	_ =	shalt  }
0x56: {  	_ =	shalt  }
0x57: {  	_ =	shalt  }
0x58: {  	_ =	shalt  }
0x59: {  	_ =	shalt  }
0x5a: {  	_ =	shalt  }
0x5b: {  	_ =	shalt  }
0x5c: {  	_ =	shalt  }
0x5d: {  	_ =	shalt  }
0x5e: {  	_ =	shalt  }
0x5f: {  	_ =	shalt  }
0x60: {  	_ =	shalt  }
0x61: {  	_ =	shalt  }
0x62: {  	_ =	shalt  }
0x63: {  	_ =	shalt  }
0x64: {  	_ =	shalt  }
0x65: {  	_ =	shalt  }
0x66: {  	_ =	shalt  }
0x67: {  	_ =	shalt  }
0x68: {  	_ =	shalt  }
0x69: {  	_ =	shalt  }
0x6a: {  	_ =	shalt  }
0x6b: {  	_ =	shalt  }
0x6c: {  	_ =	shalt  }
0x6d: {  	_ =	shalt  }
0x6e: {  	_ =	shalt  }
0x6f: {  	_ =	shalt  }
0x70: {  	_ =	shalt  }
0x71: {  	_ =	shalt  }
0x72: {  	_ =	shalt  }
0x73: {  	_ =	shalt  }
0x74: {  	_ =	shalt  }
0x75: {  	_ =	shalt  }
0x76: {  	_ =	shalt  }
0x77: {  	_ =	shalt  }
0x78: {  	_ =	shalt  }
0x79: {  	_ =	shalt  }
0x7a: {  	_ =	shalt  }
0x7b: {  	_ =	shalt  }
0x7c: {  	_ =	shalt  }
0x7d: {  	_ =	shalt  }
0x7e: {  	_ =	shalt  }
0x7f: {  	_ =	shalt  }
0x80: {  	_ =	shalt  }
0x81: {  	_ =	shalt  }
0x82: {  	_ =	shalt  }
0x83: {  	_ =	shalt  }
0x84: {  	_ =	shalt  }
0x85: {  	_ =	shalt  }
0x86: {  	_ =	shalt  }
0x87: {  	_ =	shalt  }
.Lfunc_end0:
.L_simem_size_0:
called_computation_lowered:
.L_overlay_start_0:
0x88: {  	s2 =	sld [smem:$0x3FD9]  }
0x89: {  	s3 =	sld [smem:$0x3FFE];
	_ =	sdelay $0x1  }
0x8a: {  	s1 =	srdreg.scid  }
0x8b: {  	s0 =	sand.u32 $0x1, s1  }
0x8c: {  	s17 =	sshll.u32 s0, $0xA;
	s2 =	sadd.s32 s3, s2  }
0x8d: {  	s2 =	sadd.s32 s2, s17  }
0x8e: {  	[smem:$0x3FC6] =	sst s2  }
0x8f: {  	_ = 	snop  }
0x90: {  	s2 =	sld [smem:$0x3FD0];
	(tm) =	ssettm $0x1  }
0x91: {  	s18 =	sld [smem:$0x3FFB];
	_ =	sdelay $0x3  }
0x92: {  	_ =	strace s18  }
0x93: {  	s3 =	sld [smem:$0x3FFC];
	_ =	sdelay $0x3  }
0x94: {  	_ =	strace s3  }
0x95: {  	s3 =	sld [smem:$0x3FFD];
	_ =	sdelay $0x3  }
0x96: {  	_ =	strace s3  }
0x97: {  	_ =	strace $0x8FFFFFFF  }
0x98: {  	s19 =	sld [smem:$0x3FDB];
	_ =	sdelay $0x1  }
0x99: {  	s4 =	simm.s32 $_scs_section_size  }
0x9a: {  	s5 =	simm.s32 $_size__tile_overlayer_lowered;
	s6 =	simm.s32 $_tile_overlayer_lowered  }
0x9b: {  	s22 =	simm.s32 $0x1BFF;
	s21 =	sshll.u32 s6, $0x1;
	s3 =	sadd.s32 s4, s19  }
0x9c: {  	s7 =	simm.s32 $0x0;
	s20 =	sshll.u32 s5, $0x1;
	s5 =	sadd.s32 s21, s3  }
0x9d: {  	[timem:s7], [sflag:s22] =	dma.local [hbm:s5], s20  }
0x9e: {  	_ =	swait.ge [sflag:s22], s20  }
0x9f: {  	s4 =	ssub.s32 $0x0, s20;
	[sflag:s22] =	ssyncset.done $0x0  }
0xa0: {  	[sflag:s22] =	ssyncadd.s32 s4;
	_ =	sdelay $0x1  }
0xa1: {  	s23 =	simm.s32 $0x1B8B  }
0xa2: {  	_ =	swait.ge [sflag:s23], $0x1  }
0xa3: {  	[sflag:s23] =	ssyncset.done $0x0  }
0xa4: {  	s25 =	simm.s32 $0x1B8E;
	s24 =	sld [smem:$0x3FFE];
	[sflag:s23] =	ssyncadd.s32 $0xFFFFFFFF  }
0xa5: {  	s26 =	simm.s32 $execute0_lowered;
	[smem:$0x3FD2] =	sst s25  }
0xa6: {  	s5 =	sshll.u32 s26, $0x1;
	_ =	strace $0x80000046;
	[dreg:$0x1] =	wrdreg $0xFFFFFFFF  }
0xa7: {  	s28 =	simm.s32 $_size_execute0_lowered;
	s3 =	sadd.s32 s3, s5;
	[dreg:$0x0] =	wrdreg $0x0  }
0xa8: {  	s5 =	sshll.u32 s28, $0x1;
	[dreg:$0x2] =	wrdreg s3  }
0xa9: {  	[dreg:$0x3] =	wrdreg s5  }
0xaa: {  	[dreg:$0x4] =	wrdreg $0xC0  }
0xab: {  	_ =	task [dreg:s7], $0x5FFFF  }
0xac: {  	[dreg:$0x1] =	wrdreg $0xFFFFFFFF  }
0xad: {  	[dreg:$0x0] =	wrdreg $0x60  }
0xae: {  	[dreg:$0x2] =	wrdreg s2  }
0xaf: {  	[dreg:$0x3] =	wrdreg s24  }
0xb0: {  	[dreg:$0x4] =	wrdreg $0x9  }
0xb1: {  	_ =	task.clear_ibuf [dreg:s7], $0x5FFFF;
	_ =	strace $0x90000046  }
0xb2: {  	s29 =	simm.s32 $0x9;
	_ =	strace $0x80000048  }
0xb3: {  	_ =	swait.ge [sflag:s29], $0x1  }
0xb4: {  	[sflag:s29] =	ssyncadd.s32 $0xFFFFFFFF  }
0xb5: {  	_ =	strace $0x90000048  }
0xb6: {  	_ =	sfence  }
0xb7: {  	s30 =	sld [smem:$0x0];
	_ =	sdelay $0x2  }
0xb8: {  	s31 =	sshll.u32 s1, $0xD;
	s1 =	sshrl.u32 s1, $0x2  }
0xb9: {  	s3 =	sand.u32 $0x4000, s31;
	s1 =	sadd.s32 s1, s30  }
0xba: {  	s0 =	sor.u32 s3, s0;
	s1 =	sshll.u32 s1, $0x11  }
0xbb: {  	s0 =	sor.u32 s1, s0  }
0xbc: {  	s0 =	sadd.s32 $0x8F2B, s0  }
0xbd: {  	[sflag:s0] =	ssyncadd.remote.s32 $0x1  }
0xbe: {  	_ =	sfence.sel $0xFFFF  }
0xbf: {  	[dreg:$0x0] =	wrdreg $0xFFFFFFFF;
	(pc) =	sbr.abs _section_cstart, $3  }
0xc0: {  	[dreg:$0x1] =	wrdreg $0xFFFFFFFF  }
0xc1: {  	_ =	task.clear_ibuf [dreg:s7], $0x2FFFF;
	_ =	strace $0x9FFFFFFF  }
0xc2: {  	(tm) =	ssettm $0x7FFFFFFF  }
0xc3: {  	_ =	shalt  }
tec
execute0_lowered:
.L_overlay_start_1:
0x0: {  	(tag) =	ssettag $0x1  }
0x1: {  	v0 =	vimm.s32 $0xFEDCBA98  }
0x2: {  	v1 =	vimm.s32 $0x76543210;
	s5 =	rddreg [dreg:$0x0];
	v2 =	vimm.s32 $0xBA98FEDC;
	v3 =	vimm.s32 $0x32107654  }
0x3: {  	s6 =	rddreg [dreg:$0x1];
	v4 =	vimm.s32 $0xDCFE98BA;
	v5 =	vimm.s32 $0x54761032;
	v6 =	vimm.s32 $0xEFCDAB89  }
0x4: {  	s0 =	simm.s32 $0x0;
	s3 =	srdreg.scid;
	s1 =	rddreg [dreg:$0x2];
	v7 =	vimm.s32 $0x67452301;
	vm0 =	vcmask $0x314;
	vm1 =	vcmask $0x714  }
0x5: {  	s2 =	stileid.u32;
	s11 =	simm.s32 $0x0;
	v0 =	vunpack.c.l.s4.s8 v0;
	v1 =	vunpack.c.l.s4.s8 v1;
	[smem:$0x7FF] =	sst s0;
	v2 =	vunpack.c.l.s4.s8 v2  }
0x6: {  	v3 =	vunpack.c.l.s4.s8 v3;
	v4 =	vunpack.c.l.s4.s8 v4;
	s7 =	sand.u32 $0x1, s3;
	s8 =	sshrl.u32 s2, $0x3;
	v5 =	vunpack.c.l.s4.s8 v5;
	s3 =	sadd.s32 $0xA00, s6  }
0x7: {  	v6 =	vunpack.c.l.s4.s8 v6;
	v7 =	vunpack.c.l.s4.s8 v7;
	s9 =	sand.u32 $0x7, s2;
	_ =	strace $0x80000047;
	s4 =	sshll.u32 s7, $0x1;
	v0 =	vunpack.c.0.s8.s32 v0  }
0x8: {  	s10 =	sshll.u32 s9, $0x5;
	s7 =	ssub.s32 $0x2, s7;
	s8 =	sor.u32 s8, s4;
	v2 =	vunpack.c.0.s8.s32 v2;
	v3 =	vunpack.c.0.s8.s32 v3;
	v4 =	vunpack.c.0.s8.s32 v4  }
0x9: {  	s4 =	sshll.u32 s9, $0xA;
	v5 =	vunpack.c.0.s8.s32 v5;
	v6 =	vunpack.c.0.s8.s32 v6;
	v7 =	vunpack.c.0.s8.s32 v7;
	s6 =	sadd.s32 s10, s6;
	s31 =	sshrl.u32 s7, $0x1  }
0xa: {  	vm2 =	vcmask $0xB14;
	v1 =	vunpack.c.0.s8.s32 v1;
	s10 =	simm.s32 $0x400;
	s30 =	sshll.u32 s8, $0xD;
	s8 =	sshll.u32 s8, $0x8;
	v2 =	vcombine.low v3, v2  }
0xb: {  	s7 =	ssub.s32 s7, s31;
	s9 =	sor.u32 s4, s30;
	v3 =	vcombine.low v5, v4;
	v4 =	vand.u32 $0xF, v0;
	v5 =	vcombine.low v7, v6;
	s6 =	sadd.s32 s8, s6  }
0xc: {  	vm3 =	vcmask $0xF14;
	v0 =	vlaneseq.u32;
	s7 =	smax.u32 s7, $0x1;
	s8 =	simm.s32 $0x500;
	s9 =	sshrl.u32 s9, $0x3;
	v1 =	vcombine.low v4, v1  }
0xd: {  	s6 =	sadd.s32 $0xE00, s6;
	s5 =	sadd.s32 s5, s9;
	v2 =	vand.u32 $0xF, v2;
	v3 =	vand.u32 $0xF, v3;
	v4 =	vand.u32 $0xF, v5;
	s9 =	simm.s32 $0x1  }
.LBB2_1:
0xe: {  	[tilespmem:s8], [sflag:$0x1] =	stream.linear.gather [hbm4b:s3+s0], $0x1, $0x38;
	[tilespmem:$0x580] =	vst v63  }
0xf: {  	_ =	swait.ge [sflag:s9], $0x1  }
0x10: {  	[sflag:s9] =	ssyncset.done $0x0  }
0x11: {  	[sflag:s9] =	ssyncadd.s32 $0xFFFFFFFF  }
0x12: {  	v5 =	vld.msk [tilespmem:$0x500 ss:$0x0], $0xffff;
	[tilespmem:s0], [sflag:$0x1] =	stream.linear.gather [hbm4b:s5+s0], $0x400, $0x38  }
0x13: {  	_ =	swait.ge [sflag:s9], $0x400  }
0x14: {  	[sflag:s9] =	ssyncset.done $0x0  }
0x15: {  	s13 =	simm.s32 $0x0;
	[sflag:s9] =	ssyncadd.s32 $0xFFFFFC00  }
0x16: {  	v7 =	vld [tilespmem:s13+$0x0];
	_ =	sdelay $0x3  }
0x17: {  	v6 =	vimm.s32 $0x40000000;
	s12 =	simm.s32 $0x40;
	v9 =	vor.u32 s4, v0;
	s13 =	smov.u32 s4;
	v8 =	vmov v5  }
.LBB2_2:
0x18: {  	s14 =	sshra.s32 s12, $0x2;
	p0 =	sne.s32 s12, $0xFC0;
	s12 =	sadd.s32 $0x40, s12;
	vm4 =	veq.f32 v7, v8;
	vm5 =	vlt.s32 v9, v6;
	v10 =	vmov v7  }
.Ltmp0:
0x19: {  	v7 =	vld [tilespmem:s14+$0x0];
	vm6 =	vgt.f32 v10, v8;
	vm4 =	vmand vm5, vm4;
	(pc) =	sbr.rel @p0 .LBB2_2-.Ltmp0, $4  }
0x1a: {  	vm4 =	vmor vm6, vm4  }
0x1b: {  	v8 =	vsel vm4, v10, v8;
	v6 =	vsel vm4, v9, v6  }
0x1c: {  	s13 =	sadd.s32 $0x10, s13  }
0x1d: {  	v9 =	vor.u32 s13, v0  }
0x1e: {  	vm4 =	veq.f32 v7, v8;
	vm5 =	vlt.s32 v9, v6  }
0x1f: {  	vm6 =	vgt.f32 v7, v8;
	vm4 =	vmand vm5, vm4  }
0x20: {  	vm4 =	vmor vm6, vm4  }
0x21: {  	v7 =	vsel vm4, v7, v8;
	v6 =	vsel vm4, v9, v6  }
0x22: {  	v8 =	vperm.xlane v7, v1;
	v9 =	vperm.xlane v6, v1;
	_ =	sdelay $0x1  }
0x23: {  	vm4 =	veq.f32 v8, v7;
	vm5 =	vlt.s32 v9, v6  }
0x24: {  	vm6 =	vgt.f32 v8, v7;
	vm4 =	vmand vm4, vm5  }
0x25: {  	vm4 =	vmor vm6, vm4  }
0x26: {  	v7 =	vsel vm4, v8, v7;
	v6 =	vsel vm4, v9, v6  }
0x27: {  	v8 =	vperm.xlane v7, v2;
	v9 =	vperm.xlane v6, v2;
	_ =	sdelay $0x1  }
0x28: {  	vm4 =	veq.f32 v8, v7;
	vm5 =	vlt.s32 v9, v6  }
0x29: {  	vm6 =	vgt.f32 v8, v7;
	vm4 =	vmand vm4, vm5  }
0x2a: {  	vm4 =	vmor vm6, vm4  }
0x2b: {  	v7 =	vsel vm4, v8, v7;
	v6 =	vsel vm4, v9, v6  }
0x2c: {  	v8 =	vperm.xlane v7, v3;
	v9 =	vperm.xlane v6, v3;
	_ =	sdelay $0x1  }
0x2d: {  	vm4 =	veq.f32 v8, v7;
	vm5 =	vlt.s32 v9, v6  }
0x2e: {  	vm6 =	vgt.f32 v8, v7;
	vm4 =	vmand vm4, vm5  }
0x2f: {  	vm4 =	vmor vm6, vm4  }
0x30: {  	v7 =	vsel vm4, v8, v7;
	v6 =	vsel vm4, v9, v6  }
0x31: {  	v8 =	vperm.xlane v7, v4;
	v9 =	vperm.xlane v6, v4  }
0x32: {  	s13 =	simm.s32 $0x0  }
0x33: {  	v12 =	vld [tilespmem:s13+$0x0];
	vm4 =	veq.f32 v8, v7;
	vm5 =	vlt.s32 v9, v6  }
0x34: {  	vm6 =	vgt.f32 v8, v7;
	vm4 =	vmand vm4, vm5  }
0x35: {  	vm4 =	vmor vm6, vm4  }
0x36: {  	v6 =	vsel vm4, v9, v6;
	v9 =	vor.u32 s4, v0  }
0x37: {  	v10 =	vimm.s32 $0x40000000;
	s12 =	simm.s32 $0x40;
	v11 =	vmov v5;
	s13 =	smov.u32 s4;
	vm5 =	veq.s32 v9, v6  }
.LBB2_4:
0x38: {  	s14 =	sshra.s32 s12, $0x2;
	p0 =	sne.s32 s12, $0xFC0;
	s12 =	sadd.s32 $0x40, s12;
	v13 =	vsel vm5, v5, v12  }
.Ltmp1:
0x39: {  	vm6 =	vlt.s32 v9, v10;
	v12 =	vld [tilespmem:s14+$0x0];
	vm5 =	veq.f32 v13, v11;
	(pc) =	sbr.rel @p0 .LBB2_4-.Ltmp1, $4  }
0x3a: {  	vm7 =	vgt.f32 v13, v11;
	vm5 =	vmand vm6, vm5  }
0x3b: {  	s13 =	sadd.s32 $0x10, s13;
	vm5 =	vmor vm7, vm5  }
0x3c: {  	v11 =	vsel vm5, v13, v11;
	v10 =	vsel vm5, v9, v10;
	v9 =	vor.u32 s13, v0  }
0x3d: {  	vm5 =	veq.s32 v9, v6  }
0x3e: {  	v12 =	vsel vm5, v5, v12  }
0x3f: {  	vm6 =	vlt.s32 v9, v10;
	vm5 =	veq.f32 v12, v11  }
0x40: {  	vm7 =	vgt.f32 v12, v11;
	vm5 =	vmand vm6, vm5  }
0x41: {  	vm5 =	vmor vm7, vm5  }
0x42: {  	v11 =	vsel vm5, v12, v11;
	v9 =	vsel vm5, v9, v10  }
0x43: {  	v10 =	vperm.xlane v11, v1;
	v12 =	vperm.xlane v9, v1;
	_ =	sdelay $0x1  }
0x44: {  	vm5 =	veq.f32 v10, v11;
	vm6 =	vlt.s32 v12, v9  }
0x45: {  	vm7 =	vgt.f32 v10, v11;
	vm5 =	vmand vm5, vm6  }
0x46: {  	vm5 =	vmor vm7, vm5  }
0x47: {  	v10 =	vsel vm5, v10, v11;
	v9 =	vsel vm5, v12, v9  }
0x48: {  	v11 =	vperm.xlane v10, v2;
	v12 =	vperm.xlane v9, v2;
	_ =	sdelay $0x1  }
0x49: {  	vm5 =	veq.f32 v11, v10;
	vm6 =	vlt.s32 v12, v9  }
0x4a: {  	vm7 =	vgt.f32 v11, v10;
	vm5 =	vmand vm5, vm6  }
0x4b: {  	vm5 =	vmor vm7, vm5  }
0x4c: {  	v10 =	vsel vm5, v11, v10;
	v9 =	vsel vm5, v12, v9  }
0x4d: {  	v11 =	vperm.xlane v10, v3;
	v12 =	vperm.xlane v9, v3;
	_ =	sdelay $0x1  }
0x4e: {  	vm5 =	veq.f32 v11, v10;
	vm6 =	vlt.s32 v12, v9  }
0x4f: {  	vm7 =	vgt.f32 v11, v10;
	vm5 =	vmand vm5, vm6  }
0x50: {  	vm5 =	vmor vm7, vm5  }
0x51: {  	v10 =	vsel vm5, v11, v10;
	v9 =	vsel vm5, v12, v9  }
0x52: {  	v11 =	vperm.xlane v10, v4;
	v12 =	vperm.xlane v9, v4;
	_ =	sdelay $0x1  }
0x53: {  	s13 =	simm.s32 $0x0;
	vm5 =	veq.f32 v11, v10;
	vm6 =	vlt.s32 v12, v9  }
0x54: {  	v16 =	vld [tilespmem:s13+$0x0];
	vm7 =	vgt.f32 v11, v10;
	vm5 =	vmand vm5, vm6  }
0x55: {  	vm5 =	vmor vm7, vm5  }
0x56: {  	v9 =	vsel vm5, v12, v9;
	v12 =	vor.u32 s4, v0  }
0x57: {  	vm6 =	veq.s32 v12, v6;
	vm8 =	veq.s32 v12, v9  }
0x58: {  	v13 =	vimm.s32 $0x40000000;
	s12 =	simm.s32 $0x40;
	v14 =	vmovc v5;
	s13 =	smov.u32 s4;
	v15 =	vmov v12;
	vm7 =	vmor vm8, vm6  }
.LBB2_6:
0x59: {  	s14 =	sshra.s32 s12, $0x2;
	p0 =	sne.s32 s12, $0xFC0;
	s12 =	sadd.s32 $0x40, s12;
	v17 =	vsel vm7, v5, v16  }
.Ltmp2:
0x5a: {  	vm9 =	vlt.s32 v15, v13;
	s13 =	sadd.s32 $0x10, s13;
	v16 =	vld [tilespmem:s14+$0x0];
	vm7 =	veq.f32 v17, v14;
	(pc) =	sbr.rel @p0 .LBB2_6-.Ltmp2, $4  }
0x5b: {  	v18 =	vor.u32 s13, v0;
	vm10 =	vgt.f32 v17, v14;
	vm7 =	vmand vm9, vm7  }
0x5c: {  	vm9 =	veq.s32 v18, v6;
	vm7 =	vmor vm10, vm7  }
0x5d: {  	vm10 =	veq.s32 v18, v9;
	v14 =	vsel vm7, v17, v14;
	v13 =	vsel vm7, v15, v13;
	v15 =	vmovc v18  }
0x5e: {  	vm7 =	vmor vm10, vm9  }
0x5f: {  	v16 =	vsel vm7, v5, v16  }
0x60: {  	vm9 =	vlt.s32 v15, v13;
	vm7 =	veq.f32 v16, v14  }
0x61: {  	vm10 =	vgt.f32 v16, v14;
	vm7 =	vmand vm9, vm7  }
0x62: {  	vm7 =	vmor vm10, vm7  }
0x63: {  	v14 =	vsel vm7, v16, v14;
	v13 =	vsel vm7, v15, v13  }
0x64: {  	v15 =	vperm.xlane v14, v1;
	v16 =	vperm.xlane v13, v1;
	_ =	sdelay $0x1  }
0x65: {  	vm7 =	veq.f32 v15, v14;
	vm9 =	vlt.s32 v16, v13  }
0x66: {  	vm10 =	vgt.f32 v15, v14;
	vm7 =	vmand vm7, vm9  }
0x67: {  	vm7 =	vmor vm10, vm7  }
0x68: {  	v14 =	vsel vm7, v15, v14;
	v13 =	vsel vm7, v16, v13  }
0x69: {  	v15 =	vperm.xlane v14, v2;
	v16 =	vperm.xlane v13, v2;
	_ =	sdelay $0x1  }
0x6a: {  	vm7 =	veq.f32 v15, v14;
	vm9 =	vlt.s32 v16, v13  }
0x6b: {  	vm10 =	vgt.f32 v15, v14;
	vm7 =	vmand vm7, vm9  }
0x6c: {  	vm7 =	vmor vm10, vm7  }
0x6d: {  	v14 =	vsel vm7, v15, v14;
	v13 =	vsel vm7, v16, v13  }
0x6e: {  	v15 =	vperm.xlane v14, v3;
	v16 =	vperm.xlane v13, v3;
	_ =	sdelay $0x1  }
0x6f: {  	vm7 =	veq.f32 v15, v14;
	vm9 =	vlt.s32 v16, v13  }
0x70: {  	vm10 =	vgt.f32 v15, v14;
	vm7 =	vmand vm7, vm9  }
0x71: {  	vm7 =	vmor vm10, vm7  }
0x72: {  	v14 =	vsel vm7, v15, v14;
	v13 =	vsel vm7, v16, v13  }
0x73: {  	v15 =	vperm.xlane v14, v4;
	v16 =	vperm.xlane v13, v4;
	_ =	sdelay $0x1  }
0x74: {  	vm7 =	veq.f32 v15, v14;
	vm9 =	vlt.s32 v16, v13  }
0x75: {  	s13 =	simm.s32 $0x0;
	vm10 =	vgt.f32 v15, v14;
	vm7 =	vmand vm7, vm9  }
0x76: {  	v19 =	vld [tilespmem:s13+$0x0];
	vm7 =	vmor vm10, vm7  }
0x77: {  	v13 =	vsel vm7, v16, v13  }
0x78: {  	vm10 =	veq.s32 v12, v13  }
0x79: {  	vm9 =	vmor vm10, vm8  }
0x7a: {  	s12 =	simm.s32 $0x40;
	v17 =	vmovc v5;
	v18 =	vmov v12;
	s13 =	sadd.s32 $0x10, s4;
	v16 =	vimm.s32 $0x40000000;
	vm9 =	vmor vm9, vm6  }
.LBB2_8:
0x7b: {  	s14 =	sshra.s32 s12, $0x2;
	p0 =	sne.s32 s12, $0xFC0;
	s12 =	sadd.s32 $0x40, s12;
	v20 =	vsel vm9, v5, v19  }
.Ltmp3:
0x7c: {  	v21 =	vor.u32 s13, v0;
	vm11 =	vlt.s32 v18, v16;
	v19 =	vld [tilespmem:s14+$0x0];
	vm9 =	veq.f32 v20, v17;
	(pc) =	sbr.rel @p0 .LBB2_8-.Ltmp3, $4  }
0x7d: {  	vm12 =	veq.s32 v21, v6;
	vm13 =	vgt.f32 v20, v17;
	vm9 =	vmand vm11, vm9  }
0x7e: {  	vm14 =	veq.s32 v21, v13;
	vm11 =	veq.s32 v21, v9;
	vm9 =	vmor vm13, vm9  }
0x7f: {  	vm11 =	vmor vm14, vm11;
	v17 =	vsel vm9, v20, v17;
	v16 =	vsel vm9, v18, v16;
	v18 =	vmovc v21  }
0x80: {  	s13 =	sadd.s32 $0x10, s13;
	vm9 =	vmor vm11, vm12  }
0x81: {  	v19 =	vsel vm9, v5, v19  }
0x82: {  	vm11 =	vlt.s32 v18, v16;
	vm9 =	veq.f32 v19, v17  }
0x83: {  	vm12 =	vgt.f32 v19, v17;
	vm9 =	vmand vm11, vm9  }
0x84: {  	vm9 =	vmor vm12, vm9  }
0x85: {  	v17 =	vsel vm9, v19, v17;
	v16 =	vsel vm9, v18, v16  }
0x86: {  	v18 =	vperm.xlane v17, v1;
	v19 =	vperm.xlane v16, v1;
	_ =	sdelay $0x1  }
0x87: {  	vm9 =	veq.f32 v18, v17;
	vm11 =	vlt.s32 v19, v16  }
0x88: {  	vm12 =	vgt.f32 v18, v17;
	vm9 =	vmand vm9, vm11  }
0x89: {  	vm9 =	vmor vm12, vm9  }
0x8a: {  	v17 =	vsel vm9, v18, v17;
	v16 =	vsel vm9, v19, v16  }
0x8b: {  	v18 =	vperm.xlane v17, v2;
	v19 =	vperm.xlane v16, v2;
	_ =	sdelay $0x1  }
0x8c: {  	vm9 =	veq.f32 v18, v17;
	vm11 =	vlt.s32 v19, v16  }
0x8d: {  	vm12 =	vgt.f32 v18, v17;
	vm9 =	vmand vm9, vm11  }
0x8e: {  	vm9 =	vmor vm12, vm9  }
0x8f: {  	v17 =	vsel vm9, v18, v17;
	v16 =	vsel vm9, v19, v16  }
0x90: {  	v18 =	vperm.xlane v17, v3;
	v19 =	vperm.xlane v16, v3;
	_ =	sdelay $0x1  }
0x91: {  	vm9 =	veq.f32 v18, v17;
	vm11 =	vlt.s32 v19, v16  }
0x92: {  	vm12 =	vgt.f32 v18, v17;
	vm9 =	vmand vm9, vm11  }
0x93: {  	vm9 =	vmor vm12, vm9  }
0x94: {  	v17 =	vsel vm9, v18, v17;
	v16 =	vsel vm9, v19, v16  }
0x95: {  	v18 =	vperm.xlane v17, v4;
	v19 =	vperm.xlane v16, v4;
	_ =	sdelay $0x1  }
0x96: {  	vm9 =	veq.f32 v18, v17;
	vm11 =	vlt.s32 v19, v16  }
0x97: {  	vm12 =	vgt.f32 v18, v17;
	vm9 =	vmand vm9, vm11  }
0x98: {  	s13 =	simm.s32 $0x0;
	vm9 =	vmor vm12, vm9  }
0x99: {  	v21 =	vld [tilespmem:s13+$0x0];
	v16 =	vsel vm9, v19, v16  }
0x9a: {  	vm11 =	veq.s32 v12, v16  }
0x9b: {  	vm10 =	vmor vm11, vm10  }
0x9c: {  	s12 =	simm.s32 $0x40;
	v20 =	vmov v5;
	s13 =	sadd.s32 $0x10, s4;
	v19 =	vimm.s32 $0x40000000;
	vm8 =	vmor vm10, vm8  }
.LBB2_10:
0x9d: {  	v22 =	vor.u32 s13, v0;
	vm8 =	vmor vm8, vm6;
	p0 =	sne.s32 s12, $0xFC0  }
.Ltmp4:
0x9e: {  	s14 =	sshra.s32 s12, $0x2;
	s12 =	sadd.s32 $0x40, s12;
	vm6 =	veq.s32 v22, v6;
	v23 =	vsel vm8, v5, v21;
	(pc) =	sbr.rel @p0 .LBB2_10-.Ltmp4, $4  }
0x9f: {  	vm11 =	vlt.s32 v12, v19;
	vm8 =	veq.s32 v22, v13;
	v21 =	vld [tilespmem:s14+$0x0];
	vm10 =	veq.f32 v23, v20  }
0xa0: {  	vm12 =	veq.s32 v22, v16;
	vm13 =	vgt.f32 v23, v20;
	vm10 =	vmand vm11, vm10  }
0xa1: {  	vm8 =	vmor vm12, vm8;
	vm11 =	veq.s32 v22, v9;
	vm10 =	vmor vm13, vm10  }
0xa2: {  	s13 =	sadd.s32 $0x10, s13;
	vm8 =	vmor vm8, vm11;
	v20 =	vsel vm10, v23, v20;
	v19 =	vsel vm10, v12, v19;
	v12 =	vmovc v22  }
0xa3: {  	vm6 =	vmor vm8, vm6  }
0xa4: {  	v21 =	vsel vm6, v5, v21  }
0xa5: {  	vm14 =	vlt.s32 v12, v19;
	vm6 =	veq.f32 v21, v20  }
0xa6: {  	vm10 =	vgt.f32 v21, v20;
	vm6 =	vmand vm14, vm6  }
0xa7: {  	vm6 =	vmor vm10, vm6  }
0xa8: {  	v54 =	vsel vm6, v21, v20;
	v55 =	vsel vm6, v12, v19  }
0xa9: {  	v56 =	vperm.xlane v54, v1;
	v57 =	vperm.xlane v55, v1;
	_ =	sdelay $0x1  }
0xaa: {  	vm15 =	veq.f32 v56, v54;
	vm12 =	vlt.s32 v57, v55  }
0xab: {  	vm13 =	vgt.f32 v56, v54;
	vm6 =	vmand vm15, vm12  }
0xac: {  	vm6 =	vmor vm13, vm6  }
0xad: {  	v19 =	vsel vm6, v56, v54;
	v12 =	vsel vm6, v57, v55  }
0xae: {  	v20 =	vperm.xlane v19, v2;
	v21 =	vperm.xlane v12, v2;
	_ =	sdelay $0x1  }
0xaf: {  	vm14 =	veq.f32 v20, v19;
	vm15 =	vlt.s32 v21, v12  }
0xb0: {  	vm12 =	vgt.f32 v20, v19;
	vm6 =	vmand vm14, vm15  }
0xb1: {  	vm6 =	vmor vm12, vm6  }
0xb2: {  	v19 =	vsel vm6, v20, v19;
	v12 =	vsel vm6, v21, v12  }
0xb3: {  	v20 =	vperm.xlane v19, v3;
	v21 =	vperm.xlane v12, v3;
	_ =	sdelay $0x1  }
0xb4: {  	vm13 =	veq.f32 v20, v19;
	vm14 =	vlt.s32 v21, v12  }
0xb5: {  	vm15 =	vgt.f32 v20, v19;
	vm6 =	vmand vm13, vm14  }
0xb6: {  	vm6 =	vmor vm15, vm6  }
0xb7: {  	v19 =	vsel vm6, v20, v19;
	v12 =	vsel vm6, v21, v12  }
0xb8: {  	v20 =	vperm.xlane v19, v4;
	v21 =	vperm.xlane v12, v4  }
0xb9: {  	v7 =	vsel vm4, v8, v7;
	v58 =	vsel vm5, v11, v10;
	v59 =	vsel vm7, v15, v14  }
0xba: {  	v60 =	vsel vm9, v18, v17;
	vm4 =	veq.f32 v20, v19;
	vm6 =	vlt.s32 v21, v12  }
0xbb: {  	v6 =	vcvt.s32.f32 v6;
	vm5 =	vgt.f32 v20, v19;
	vm4 =	vmand vm4, vm6  }
0xbc: {  	v62 =	vcvt.s32.f32 v13;
	vm4 =	vmor vm5, vm4;
	vm5 =	vmmov $0x1  }
0xbd: {  	v61 =	vsel vm4, v20, v19;
	v5 =	vsel vm5, v7, v5;
	v7 =	vcvt.s32.f32 v9  }
0xbe: {  	v12 =	vsel vm4, v21, v12;
	v6 =	vnsel vm5, $0x0, v6;
	v5 =	vsel vm0, v5, v58  }
0xbf: {  	v6 =	vsel vm0, v6, v7;
	v5 =	vsel vm1, v5, v59;
	v7 =	vcvt.s32.f32 v16  }
0xc0: {  	v63 =	vcvt.s32.f32 v12;
	v6 =	vsel vm1, v6, v62;
	v5 =	vsel vm2, v5, v60  }
0xc1: {  	s11 =	sadd.s32 $0x1, s11;
	v6 =	vsel vm2, v6, v7;
	v5 =	vsel vm3, v5, v61  }
0xc2: {  	p0 =	sne.s32 s11, s7;
	v6 =	vsel vm3, v6, v63;
	[tilespmem:$0x400] =	vst v5  }
.Ltmp5:
0xc3: {  	[tilespmem:$0x480] =	vst v6;
	(pc) =	sbr.rel @p0 .LBB2_1-.Ltmp5, $4  }
0xc4: {  	[hbm4b:s6+s0] =	stream.linear.scatter [tilespmem:s10], [sflag:$0x1], $0x100, $0x38;
	[tilespmem:$0x580] =	vst v63  }
0xc5: {  	_ =	swait.ge [sflag:s9], $0x100  }
0xc6: {  	[sflag:s9] =	ssyncset.done $0x0  }
0xc7: {  	[sflag:s9] =	ssyncadd.s32 $0xFFFFFF00  }
0xc8: {  	_ =	sfence.sel $0x180000  }
0xc9: {  	[bflag:$0x0] =	sbarrier.arrive $0xFFFF  }
0xca: {  	p0 =	sne.s32 s2, $0x0;
	_ =	strace $0x90000047  }
0xcb: {  	s0 =	sadd.s32 @!p0 $0x100000, s1;
	[bflag:$0x2] =	sbarrier.arrive $0xFFFF  }
0xcc: {  	[sflag:s0] =	ssyncadd.tile.s32 @!p0 $0x1;
	_ =	shalt  }
.Lfunc_end2:
_tile_overlayer_lowered:
.L_overlay_start_2:
0xcd: {  	(tag) =	ssettag $0x2  }
0xce: {  	s0 =	rddreg [dreg:$0x0];
	s2 =	stileid.u32  }
0xcf: {  	s1 =	rddreg [dreg:$0x1];
	p0 =	sne.s32 s2, $0x0  }
0xd0: {  	s3 =	rddreg [dreg:$0x2];
	[bflag:$0x3] =	sbarrier.arrive $0xFFFF;
	s2 =	simm.s32 @!p0 $0x1C01  }
0xd1: {  	[timem:s3], [sflag:s2] =	dma.local @!p0 [hbm:s0], s1  }
0xd2: {  	s0 =	simm.s32 @!p0 $0x1  }
0xd3: {  	_ =	swait.ge @!p0 [sflag:s0], s1  }
0xd4: {  	s1 =	ssub.s32 @!p0 $0x0, s1;
	[sflag:s0] =	ssyncset.done @!p0 $0x0  }
0xd5: {  	[sflag:s0] =	ssyncadd.s32 @!p0 s1  }
0xd6: {  	[bflag:$0x3] =	sbarrier.arrive $0xFFFF  }
0xd7: {  	_ =	shalt  }

</sc_bundles>
